<compile_context>
chip_gen: v7x
topology: tpu7x:2x2x1
jax: 0.10.2.dev20260603
libtpu: 0.0.44.dev20260713+nightly
codegen_flags: <defaults>
</compile_context>

<pallas_src>
import jax
import jax.numpy as jnp
from jax import lax
from jax.experimental import pallas as pl
from jax.experimental.pallas import tpu as pltpu
from jax.experimental.pallas import tpu_sc as plsc

N = 10000
E = 320000
H = 128
D_IN = 258
D_PAD = 264
NC = 2
NS = 16
NW = NC * NS
W_WIN = 128
N_WIN = 81
N_ST = N_WIN + 2
EW = N_WIN * W_WIN
E_PAD = NW * EW
DUMMY = N
N_PAD = 10112
R_SUB = N_PAD // NS
R_CH = R_SUB // W_WIN
R_TAIL = R_SUB % W_WIN
BM = 2000


def _proj_body(h_ref, x_ref, pos_ref, we_ref, wn_ref, be_ref,
               ps_ref, pd_ref, q_ref):
    inp = jnp.concatenate([h_ref[...], x_ref[...], pos_ref[...]], axis=1)
    w_all = jnp.concatenate(
        [we_ref[0:D_IN], we_ref[D_IN:2 * D_IN], wn_ref[0:D_IN]], axis=1)
    y = jnp.dot(inp, w_all,
                preferred_element_type=jnp.float32,
                precision=lax.Precision.HIGHEST)
    ps_ref[...] = y[:, 0:H]
    pd_ref[...] = y[:, H:2 * H] + be_ref[...]
    q_ref[...] = y[:, 2 * H:3 * H]


def _node_body(q_ref, agg_ref, w_ref, bn_ref, o_ref):
    agg = agg_ref[0] + agg_ref[1]
    y = q_ref[...] + jnp.dot(agg, w_ref[...],
                             preferred_element_type=jnp.float32,
                             precision=lax.Precision.HIGHEST) + bn_ref[...]
    o_ref[...] = jnp.maximum(y, 0.0)


def _sc_agg_body(ps_hbm, pd_hbm, src_hbm, dst_hbm, out_hbm,
                 si, di, buf, agg,
                 semA0, semA1, semA2, semB0, semB1, semB2):
    c = lax.axis_index("c")
    s = lax.axis_index("s")
    wid = c * NS + s
    semA = (semA0, semA1, semA2)
    semB = (semB0, semB1, semB2)
    HW = W_WIN // 2

    zv = jnp.zeros((16,), jnp.float32)

    @pl.loop(0, W_WIN)
    def _zero_buf(r):
        for k in range(H // 16):
            buf[0, r, pl.ds(k * 16, 16)] = zv

    base_r = s * R_SUB
    zcp = []
    for t in range(R_CH):
        zcp.append(pltpu.async_copy(
            buf.at[0], agg.at[pl.ds(base_r + t * W_WIN, W_WIN)], semA[t % 3]))
    zcp.append(pltpu.async_copy(
        buf.at[0, pl.ds(0, R_TAIL)],
        agg.at[pl.ds(base_r + R_CH * W_WIN, R_TAIL)], semB[0]))
    for cp in zcp:
        cp.wait()
    plsc.subcore_barrier()

    wbase = wid * N_WIN

    def issue_idx(w, k):
        pltpu.async_copy(src_hbm.at[wbase + w], si.at[k], semB[k])
        pltpu.async_copy(dst_hbm.at[wbase + w], di.at[k], semB[k])

    def wait_idx(k):
        pltpu.make_async_copy(src_hbm.at[0], si.at[k], semB[k]).wait()
        pltpu.make_async_copy(dst_hbm.at[0], di.at[k], semB[k]).wait()

    def issue_g(k, h):
        sem = semA[k] if h == 0 else semB[k]
        pltpu.async_copy(pd_hbm.at[di.at[k, pl.ds(h * HW, HW)]],
                         buf.at[k, pl.ds(h * HW, HW)], sem)

    def issue_a(k, h):
        sem = semA[k] if h == 0 else semB[k]
        pltpu.async_copy(ps_hbm.at[si.at[k, pl.ds(h * HW, HW)]],
                         buf.at[k, pl.ds(h * HW, HW)], sem, add=True)

    def wait_half(k, h):
        sem = semA[k] if h == 0 else semB[k]
        pltpu.make_async_copy(ps_hbm.at[pl.ds(0, HW)],
                              buf.at[k, pl.ds(0, HW)], sem).wait()

    def issue_scatter(k):
        pltpu.async_copy(buf.at[k], agg.at[di.at[k]],
                         semA[k], add=True)

    def wait_scatter(k):
        pltpu.make_async_copy(buf.at[k], agg.at[pl.ds(0, W_WIN)],
                              semA[k]).wait()

    def relu(k):
        @pl.loop(0, W_WIN, step=2)
        def _relu(r):
            for dr in range(2):
                for qq in range(H // 16):
                    sl = pl.ds(qq * 16, 16)
                    buf[k, r + dr, sl] = jnp.maximum(buf[k, r + dr, sl], 0.0)

    issue_idx(0, 0)
    issue_idx(1, 1)
    wait_idx(0)
    issue_g(0, 0)
    issue_g(0, 1)
    wait_idx(1)
    issue_g(1, 0)
    issue_g(1, 1)
    wait_half(0, 0)
    issue_a(0, 0)
    wait_half(0, 1)
    issue_a(0, 1)
    pltpu.async_copy(agg.at[pl.ds(0, W_WIN)], buf.at[2], semA[2])

    @pl.loop(0, N_WIN // 3)
    def _triple(t):
        w0 = t * 3
        for j in range(3):
            w = w0 + j
            p, q, r = j, (j + 1) % 3, (j + 2) % 3
            wait_half(p, 0)
            wait_half(p, 1)
            wait_scatter(r)
            issue_idx(w + 2, r)
            wait_half(q, 0)
            issue_a(q, 0)
            wait_half(q, 1)
            issue_a(q, 1)
            relu(p)
            issue_scatter(p)
            wait_idx(r)
            issue_g(r, 0)
            issue_g(r, 1)

    wait_half(0, 0)
    wait_half(0, 1)
    wait_half(1, 0)
    wait_half(1, 1)
    wait_scatter(2)
    plsc.subcore_barrier()

    pltpu.sync_copy(agg.at[pl.ds(base_r, R_SUB)],
                    out_hbm.at[c, pl.ds(base_r, R_SUB)])



@jax.jit
def kernel(h, x, pos, edge_index, W_edge, b_edge, W_node, b_node):
    f32 = jnp.float32
    be = b_edge.reshape(1, H)
    bn = b_node.reshape(1, H)
    w_nb = W_node[D_IN:]

    ps, pd, q = pl.pallas_call(
        _proj_body,
        grid=(N // BM,),
        in_specs=[
            pl.BlockSpec((BM, H), lambda i: (i, 0)),
            pl.BlockSpec((BM, H), lambda i: (i, 0)),
            pl.BlockSpec((BM, 2), lambda i: (i, 0)),
            pl.BlockSpec((2 * D_IN, H), lambda i: (0, 0)),
            pl.BlockSpec((D_IN + H, H), lambda i: (0, 0)),
            pl.BlockSpec((1, H), lambda i: (0, 0)),
        ],
        out_specs=[
            pl.BlockSpec((BM, H), lambda i: (i, 0)),
            pl.BlockSpec((BM, H), lambda i: (i, 0)),
            pl.BlockSpec((BM, H), lambda i: (i, 0)),
        ],
        out_shape=[
            jax.ShapeDtypeStruct((N_PAD, H), f32),
            jax.ShapeDtypeStruct((N_PAD, H), f32),
            jax.ShapeDtypeStruct((N, H), f32),
        ],
    )(h, x, pos, W_edge, W_node, be)

    n_dummy = N_PAD - N
    n_pad = E_PAD + 2 * W_WIN - E
    pad = DUMMY + jnp.arange(n_pad, dtype=jnp.int32) % n_dummy
    src3 = jnp.concatenate([edge_index[0], pad]).reshape(-1, W_WIN)
    dst3 = jnp.concatenate([edge_index[1], pad]).reshape(-1, W_WIN)

    sc_agg = pl.kernel(
        _sc_agg_body,
        out_type=jax.ShapeDtypeStruct((NC, N_PAD, H), f32),
        mesh=plsc.VectorSubcoreMesh(core_axis_name="c", subcore_axis_name="s"),
        scratch_types=[
            pltpu.VMEM((3, W_WIN), jnp.int32),
            pltpu.VMEM((3, W_WIN), jnp.int32),
            pltpu.VMEM((3, W_WIN, H), f32),
            pltpu.VMEM_SHARED((N_PAD, H), f32),
            pltpu.SemaphoreType.DMA,
            pltpu.SemaphoreType.DMA,
            pltpu.SemaphoreType.DMA,
            pltpu.SemaphoreType.DMA,
            pltpu.SemaphoreType.DMA,
            pltpu.SemaphoreType.DMA,
        ],
    )
    aggs = sc_agg(ps, pd, src3, dst3)

    uh = pl.pallas_call(
        _node_body,
        grid=(N // BM,),
        in_specs=[
            pl.BlockSpec((BM, H), lambda i: (i, 0)),
            pl.BlockSpec((NC, BM, H), lambda i: (0, i, 0)),
            pl.BlockSpec((H, H), lambda i: (0, 0)),
            pl.BlockSpec((1, H), lambda i: (0, 0)),
        ],
        out_specs=pl.BlockSpec((BM, H), lambda i: (i, 0)),
        out_shape=jax.ShapeDtypeStruct((N, H), f32),
    )(q, aggs, w_nb, bn)
    return uh

# --- scband reference (transcript-rebuilt; emitter-appended) ---
"""Pipeline reference for scband-hetero-corrector2-3917010174709 (READ-ONLY COPY).

The authoritative reference and input builder live on the scoring server;
editing this copy changes nothing except your own understanding.
"""

import jax, jax.numpy as jnp
import numpy as np

N = 10000
E = 320000
X_DIM = 128
H_DIM = 128
POS_DIM = 2
D_IN = X_DIM + H_DIM + POS_DIM  # node_indim = x_dim + h_dim + 2 = 258


def setup_inputs(seed: int = 0) -> dict:
    key = jax.random.key(seed)
    ks = jax.random.split(key, 8)
    h = jax.random.normal(ks[0], (N, H_DIM), dtype=jnp.float32)
    x = jax.random.normal(ks[1], (N, X_DIM), dtype=jnp.float32)
    pos = jax.random.normal(ks[2], (N, POS_DIM), dtype=jnp.float32)
    # edge_index[0] = src node ids, edge_index[1] = dst node ids (int32 for default-jax compat)
    edge_index = jax.random.randint(ks[3], (2, E), 0, N, dtype=jnp.int32)
    # MPNN parameters (node_indim=D_IN, edge_outdim=H_DIM, node_outdim=H_DIM):
    # edge message MLP over concat(src_feat, dst_feat); node update MLP over concat(node_feat, aggregated_msgs)
    W_edge = jax.random.normal(ks[4], (2 * D_IN, H_DIM), dtype=jnp.float32) / np.sqrt(2.0 * D_IN)
    b_edge = jnp.zeros((H_DIM,), dtype=jnp.float32)
    W_node = jax.random.normal(ks[5], (D_IN + H_DIM, H_DIM), dtype=jnp.float32) / np.sqrt(D_IN + H_DIM)
    b_node = jnp.zeros((H_DIM,), dtype=jnp.float32)
    return {"h": h, "x": x, "pos": pos, "edge_index": edge_index,
            "W_edge": W_edge, "b_edge": b_edge, "W_node": W_node, "b_node": b_node}


def reference(h, x, pos, edge_index, W_edge, b_edge, W_node, b_node):
    # inp = cat([h, x, g.nodes['state'].data['pos']], dim=-1)
    inp = jnp.concatenate([h, x, pos], axis=-1)  # [N, D_IN]
    src = edge_index[0]
    dst = edge_index[1]
    # MPNN edge step: message from concat(src, dst) node features (gather)
    e_feat = jnp.concatenate([jnp.take(inp, src, axis=0), jnp.take(inp, dst, axis=0)], axis=-1)  # [E, 2*D_IN]
    msg = jax.nn.relu(e_feat @ W_edge + b_edge)  # [E, H_DIM]
    # aggregate messages at destination nodes (scatter-add / segment_sum)
    agg = jax.ops.segment_sum(msg, dst, num_segments=N)  # [N, H_DIM]
    # MPNN node update: uh
    uh = jax.nn.relu(jnp.concatenate([inp, agg], axis=-1) @ W_node + b_node)  # [N, H_DIM]
    return uh

if __name__ == "__main__":
    import jax
    _d = setup_inputs()
    print(jax.jit(kernel)(*tuple(_d.values())))

</pallas_src>

<mosaic_0001>
#map = affine_map<(d0, d1) -> (0, 0)>
#map1 = affine_map<(d0, d1) -> (0, 0, 0)>
module attributes {stable_mosaic.version = 14 : i64} {
  func.func @_sc_agg_body(%arg0: i32, %arg1: i32, %arg2: memref<10112x128xf32, #tpu.memory_space<hbm>>, %arg3: memref<10112x128xf32, #tpu.memory_space<hbm>>, %arg4: memref<2594x128xi32, #tpu.memory_space<hbm>>, %arg5: memref<2594x128xi32, #tpu.memory_space<hbm>>, %arg6: memref<2x10112x128xf32, #tpu.memory_space<hbm>>, %arg7: memref<3x128xi32, #tpu.memory_space<vmem>>, %arg8: memref<3x128xi32, #tpu.memory_space<vmem>>, %arg9: memref<3x128x128xf32, #tpu.memory_space<vmem>>, %arg10: memref<10112x128xf32, #tpu.memory_space<vmem_shared>>, %arg11: memref<!tpu.dma_semaphore, #tpu.memory_space<semaphore_mem>>, %arg12: memref<!tpu.dma_semaphore, #tpu.memory_space<semaphore_mem>>, %arg13: memref<!tpu.dma_semaphore, #tpu.memory_space<semaphore_mem>>, %arg14: memref<!tpu.dma_semaphore, #tpu.memory_space<semaphore_mem>>, %arg15: memref<!tpu.dma_semaphore, #tpu.memory_space<semaphore_mem>>, %arg16: memref<!tpu.dma_semaphore, #tpu.memory_space<semaphore_mem>>) attributes {dimension_semantics = [#tpu.dimension_semantics<core_parallel>, #tpu.dimension_semantics<subcore_parallel>], iteration_bounds = array<i64: 2, 16>, scalar_prefetch = 0 : i64, scratch_operands = 10 : i64, tpu.core_type = #tpu.core_type<sc_vector_subcore>, window_params = [{transform_indices = #map}, {transform_indices = #map}, {transform_indices = #map}, {transform_indices = #map}, {transform_indices = #map1}]} {
    %mul3A = arith.constant 16 : i32
    %mul3A_0 = arith.muli %arg0, %mul3A : i32
    %add3A = arith.addi %mul3A_0, %arg1 : i32
    %broadcast_in_dim3A = arith.constant 0.000000e+00 : f32
    %broadcast_in_dim3A_1 = vector.broadcast %broadcast_in_dim3A : f32 to vector<16xf32>
    %scan3A = arith.constant 0 : i32
    %scan3A_2 = arith.constant 128 : i32
    %scan3A_3 = arith.addi %scan3A, %scan3A_2 : i32
    %scan3A_4 = arith.constant 1 : i32
    scf.for %scan3A_462 = %scan3A to %scan3A_3 step %scan3A_4  : i32 {
      %mul3A_463 = arith.constant 1 : i32
      %mul3A_464 = arith.muli %scan3A_462, %mul3A_463 : i32
      %add3A_465 = arith.constant 0 : i32
      %add3A_466 = arith.addi %add3A_465, %mul3A_464 : i32
      %swap3A = arith.constant 0 : i32
      %swap3A_467 = arith.index_cast %swap3A : i32 to index
      %swap3A_468 = arith.index_cast %add3A_466 : i32 to index
      %swap3A_469 = arith.constant 0 : index
      %swap3A_470 = tpu.vector_load %arg9[%swap3A_467, %swap3A_468, %swap3A_469] {strides = array<i32>} : memref<3x128x128xf32, #tpu.memory_space<vmem>>, vector<1x1x16xf32>,
      %swap3A_471 = vector.shape_cast %swap3A_470 : vector<1x1x16xf32> to vector<16xf32>
      %swap3A_472 = vector.shape_cast %broadcast_in_dim3A_1 : vector<16xf32> to vector<1x1x16xf32>
      tpu.vector_store %arg9[%swap3A_467, %swap3A_468, %swap3A_469], %swap3A_472 {strides = array<i32>} : memref<3x128x128xf32, #tpu.memory_space<vmem>>, vector<1x1x16xf32>,
      %swap3A_473 = arith.constant 0 : i32
      %swap3A_474 = arith.index_cast %swap3A_473 : i32 to index
      %swap3A_475 = arith.index_cast %add3A_466 : i32 to index
      %swap3A_476 = arith.constant 16 : index
      %swap3A_477 = tpu.vector_load %arg9[%swap3A_474, %swap3A_475, %swap3A_476] {strides = array<i32>} : memref<3x128x128xf32, #tpu.memory_space<vmem>>, vector<1x1x16xf32>,
      %swap3A_478 = vector.shape_cast %swap3A_477 : vector<1x1x16xf32> to vector<16xf32>
      %swap3A_479 = vector.shape_cast %broadcast_in_dim3A_1 : vector<16xf32> to vector<1x1x16xf32>
      tpu.vector_store %arg9[%swap3A_474, %swap3A_475, %swap3A_476], %swap3A_479 {strides = array<i32>} : memref<3x128x128xf32, #tpu.memory_space<vmem>>, vector<1x1x16xf32>,
      %swap3A_480 = arith.constant 0 : i32
      %swap3A_481 = arith.index_cast %swap3A_480 : i32 to index
      %swap3A_482 = arith.index_cast %add3A_466 : i32 to index
      %swap3A_483 = arith.constant 32 : index
      %swap3A_484 = tpu.vector_load %arg9[%swap3A_481, %swap3A_482, %swap3A_483] {strides = array<i32>} : memref<3x128x128xf32, #tpu.memory_space<vmem>>, vector<1x1x16xf32>,
      %swap3A_485 = vector.shape_cast %swap3A_484 : vector<1x1x16xf32> to vector<16xf32>
      %swap3A_486 = vector.shape_cast %broadcast_in_dim3A_1 : vector<16xf32> to vector<1x1x16xf32>
      tpu.vector_store %arg9[%swap3A_481, %swap3A_482, %swap3A_483], %swap3A_486 {strides = array<i32>} : memref<3x128x128xf32, #tpu.memory_space<vmem>>, vector<1x1x16xf32>,
      %swap3A_487 = arith.constant 0 : i32
      %swap3A_488 = arith.index_cast %swap3A_487 : i32 to index
      %swap3A_489 = arith.index_cast %add3A_466 : i32 to index
      %swap3A_490 = arith.constant 48 : index
      %swap3A_491 = tpu.vector_load %arg9[%swap3A_488, %swap3A_489, %swap3A_490] {strides = array<i32>} : memref<3x128x128xf32, #tpu.memory_space<vmem>>, vector<1x1x16xf32>,
      %swap3A_492 = vector.shape_cast %swap3A_491 : vector<1x1x16xf32> to vector<16xf32>
      %swap3A_493 = vector.shape_cast %broadcast_in_dim3A_1 : vector<16xf32> to vector<1x1x16xf32>
      tpu.vector_store %arg9[%swap3A_488, %swap3A_489, %swap3A_490], %swap3A_493 {strides = array<i32>} : memref<3x128x128xf32, #tpu.memory_space<vmem>>, vector<1x1x16xf32>,
      %swap3A_494 = arith.constant 0 : i32
      %swap3A_495 = arith.index_cast %swap3A_494 : i32 to index
      %swap3A_496 = arith.index_cast %add3A_466 : i32 to index
      %swap3A_497 = arith.constant 64 : index
      %swap3A_498 = tpu.vector_load %arg9[%swap3A_495, %swap3A_496, %swap3A_497] {strides = array<i32>} : memref<3x128x128xf32, #tpu.memory_space<vmem>>, vector<1x1x16xf32>,
      %swap3A_499 = vector.shape_cast %swap3A_498 : vector<1x1x16xf32> to vector<16xf32>
      %swap3A_500 = vector.shape_cast %broadcast_in_dim3A_1 : vector<16xf32> to vector<1x1x16xf32>
      tpu.vector_store %arg9[%swap3A_495, %swap3A_496, %swap3A_497], %swap3A_500 {strides = array<i32>} : memref<3x128x128xf32, #tpu.memory_space<vmem>>, vector<1x1x16xf32>,
      %swap3A_501 = arith.constant 0 : i32
      %swap3A_502 = arith.index_cast %swap3A_501 : i32 to index
      %swap3A_503 = arith.index_cast %add3A_466 : i32 to index
      %swap3A_504 = arith.constant 80 : index
      %swap3A_505 = tpu.vector_load %arg9[%swap3A_502, %swap3A_503, %swap3A_504] {strides = array<i32>} : memref<3x128x128xf32, #tpu.memory_space<vmem>>, vector<1x1x16xf32>,
      %swap3A_506 = vector.shape_cast %swap3A_505 : vector<1x1x16xf32> to vector<16xf32>
      %swap3A_507 = vector.shape_cast %broadcast_in_dim3A_1 : vector<16xf32> to vector<1x1x16xf32>
      tpu.vector_store %arg9[%swap3A_502, %swap3A_503, %swap3A_504], %swap3A_507 {strides = array<i32>} : memref<3x128x128xf32, #tpu.memory_space<vmem>>, vector<1x1x16xf32>,
      %swap3A_508 = arith.constant 0 : i32
      %swap3A_509 = arith.index_cast %swap3A_508 : i32 to index
      %swap3A_510 = arith.index_cast %add3A_466 : i32 to index
      %swap3A_511 = arith.constant 96 : index
      %swap3A_512 = tpu.vector_load %arg9[%swap3A_509, %swap3A_510, %swap3A_511] {strides = array<i32>} : memref<3x128x128xf32, #tpu.memory_space<vmem>>, vector<1x1x16xf32>,
      %swap3A_513 = vector.shape_cast %swap3A_512 : vector<1x1x16xf32> to vector<16xf32>
      %swap3A_514 = vector.shape_cast %broadcast_in_dim3A_1 : vector<16xf32> to vector<1x1x16xf32>
      tpu.vector_store %arg9[%swap3A_509, %swap3A_510, %swap3A_511], %swap3A_514 {strides = array<i32>} : memref<3x128x128xf32, #tpu.memory_space<vmem>>, vector<1x1x16xf32>,
      %swap3A_515 = arith.constant 0 : i32
      %swap3A_516 = arith.index_cast %swap3A_515 : i32 to index
      %swap3A_517 = arith.index_cast %add3A_466 : i32 to index
      %swap3A_518 = arith.constant 112 : index
      %swap3A_519 = tpu.vector_load %arg9[%swap3A_516, %swap3A_517, %swap3A_518] {strides = array<i32>} : memref<3x128x128xf32, #tpu.memory_space<vmem>>, vector<1x1x16xf32>,
      %swap3A_520 = vector.shape_cast %swap3A_519 : vector<1x1x16xf32> to vector<16xf32>
      %swap3A_521 = vector.shape_cast %broadcast_in_dim3A_1 : vector<16xf32> to vector<1x1x16xf32>
      tpu.vector_store %arg9[%swap3A_516, %swap3A_517, %swap3A_518], %swap3A_521 {strides = array<i32>} : memref<3x128x128xf32, #tpu.memory_space<vmem>>, vector<1x1x16xf32>,
    }
    %scan3A_5 = arith.constant 128 : i32
    %mul3A_6 = arith.constant 632 : i32
    %mul3A_7 = arith.muli %arg1, %mul3A_6 : i32
    %add3A_8 = arith.constant 0 : i32
    %add3A_9 = arith.addi %mul3A_7, %add3A_8 : i32
    %dma_start3A = arith.constant 0 : i32
    %dma_start3A_10 = arith.constant 0 : i32
    %dma_start3A_11 = arith.constant 0 : i32
    %dma_start3A_12 = tpu.memref_slice %arg9[%dma_start3A, %dma_start3A_10, %dma_start3A_11] : memref<3x128x128xf32, #tpu.memory_space<vmem>> -> memref<1x128x128xf32, #tpu.memory_space<vmem>>
    %dma_start3A_13 = tpu.memref_squeeze %dma_start3A_12 : memref<1x128x128xf32, #tpu.memory_space<vmem>> -> memref<128x128xf32, #tpu.memory_space<vmem>>
    %dma_start3A_14 = arith.constant 0 : i32
    %dma_start3A_15 = tpu.memref_slice %arg10[%add3A_9, %dma_start3A_14] : memref<10112x128xf32, #tpu.memory_space<vmem_shared>> -> memref<128x128xf32, #tpu.memory_space<vmem_shared>>
    %dma_start3A_16 = arith.constant 0 : i32
    %dma_start3A_17 = tpu.memref_slice %arg10[%add3A_9, %dma_start3A_16] : memref<10112x128xf32, #tpu.memory_space<vmem_shared>> -> memref<128x128xf32, #tpu.memory_space<vmem_shared>>
    %dma_start3A_18 = arith.constant 0 : i32
    %dma_start3A_19 = arith.constant 0 : i32
    %dma_start3A_20 = tpu.memref_slice %arg9[%dma_start3A, %dma_start3A_18, %dma_start3A_19] : memref<3x128x128xf32, #tpu.memory_space<vmem>> -> memref<1x128x128xf32, #tpu.memory_space<vmem>>
    %dma_start3A_21 = tpu.memref_squeeze %dma_start3A_20 : memref<1x128x128xf32, #tpu.memory_space<vmem>> -> memref<128x128xf32, #tpu.memory_space<vmem>>
    tpu.enqueue_dma source(%dma_start3A_21 : memref<128x128xf32, #tpu.memory_space<vmem>>) target(%dma_start3A_17 : memref<128x128xf32, #tpu.memory_space<vmem_shared>>) target_semaphore(%arg11 : memref<!tpu.dma_semaphore, #tpu.memory_space<semaphore_mem>>)
    %add3A_22 = arith.constant 128 : i32
    %add3A_23 = arith.addi %mul3A_7, %add3A_22 : i32
    %dma_start3A_24 = arith.constant 0 : i32
    %dma_start3A_25 = arith.constant 0 : i32
    %dma_start3A_26 = arith.constant 0 : i32
    %dma_start3A_27 = tpu.memref_slice %arg9[%dma_start3A_24, %dma_start3A_25, %dma_start3A_26] : memref<3x128x128xf32, #tpu.memory_space<vmem>> -> memref<1x128x128xf32, #tpu.memory_space<vmem>>
    %dma_start3A_28 = tpu.memref_squeeze %dma_start3A_27 : memref<1x128x128xf32, #tpu.memory_space<vmem>> -> memref<128x128xf32, #tpu.memory_space<vmem>>
    %dma_start3A_29 = arith.constant 0 : i32
    %dma_start3A_30 = tpu.memref_slice %arg10[%add3A_23, %dma_start3A_29] : memref<10112x128xf32, #tpu.memory_space<vmem_shared>> -> memref<128x128xf32, #tpu.memory_space<vmem_shared>>
    %dma_start3A_31 = arith.constant 0 : i32
    %dma_start3A_32 = tpu.memref_slice %arg10[%add3A_23, %dma_start3A_31] : memref<10112x128xf32, #tpu.memory_space<vmem_shared>> -> memref<128x128xf32, #tpu.memory_space<vmem_shared>>
    %dma_start3A_33 = arith.constant 0 : i32
    %dma_start3A_34 = arith.constant 0 : i32
    %dma_start3A_35 = tpu.memref_slice %arg9[%dma_start3A_24, %dma_start3A_33, %dma_start3A_34] : memref<3x128x128xf32, #tpu.memory_space<vmem>> -> memref<1x128x128xf32, #tpu.memory_space<vmem>>
    %dma_start3A_36 = tpu.memref_squeeze %dma_start3A_35 : memref<1x128x128xf32, #tpu.memory_space<vmem>> -> memref<128x128xf32, #tpu.memory_space<vmem>>
    tpu.enqueue_dma source(%dma_start3A_36 : memref<128x128xf32, #tpu.memory_space<vmem>>) target(%dma_start3A_32 : memref<128x128xf32, #tpu.memory_space<vmem_shared>>) target_semaphore(%arg12 : memref<!tpu.dma_semaphore, #tpu.memory_space<semaphore_mem>>)
    %add3A_37 = arith.constant 256 : i32
    %add3A_38 = arith.addi %mul3A_7, %add3A_37 : i32
    %dma_start3A_39 = arith.constant 0 : i32
    %dma_start3A_40 = arith.constant 0 : i32
    %dma_start3A_41 = arith.constant 0 : i32
    %dma_start3A_42 = tpu.memref_slice %arg9[%dma_start3A_39, %dma_start3A_40, %dma_start3A_41] : memref<3x128x128xf32, #tpu.memory_space<vmem>> -> memref<1x128x128xf32, #tpu.memory_space<vmem>>
    %dma_start3A_43 = tpu.memref_squeeze %dma_start3A_42 : memref<1x128x128xf32, #tpu.memory_space<vmem>> -> memref<128x128xf32, #tpu.memory_space<vmem>>
    %dma_start3A_44 = arith.constant 0 : i32
    %dma_start3A_45 = tpu.memref_slice %arg10[%add3A_38, %dma_start3A_44] : memref<10112x128xf32, #tpu.memory_space<vmem_shared>> -> memref<128x128xf32, #tpu.memory_space<vmem_shared>>
    %dma_start3A_46 = arith.constant 0 : i32
    %dma_start3A_47 = tpu.memref_slice %arg10[%add3A_38, %dma_start3A_46] : memref<10112x128xf32, #tpu.memory_space<vmem_shared>> -> memref<128x128xf32, #tpu.memory_space<vmem_shared>>
    %dma_start3A_48 = arith.constant 0 : i32
    %dma_start3A_49 = arith.constant 0 : i32
    %dma_start3A_50 = tpu.memref_slice %arg9[%dma_start3A_39, %dma_start3A_48, %dma_start3A_49] : memref<3x128x128xf32, #tpu.memory_space<vmem>> -> memref<1x128x128xf32, #tpu.memory_space<vmem>>
    %dma_start3A_51 = tpu.memref_squeeze %dma_start3A_50 : memref<1x128x128xf32, #tpu.memory_space<vmem>> -> memref<128x128xf32, #tpu.memory_space<vmem>>
    tpu.enqueue_dma source(%dma_start3A_51 : memref<128x128xf32, #tpu.memory_space<vmem>>) target(%dma_start3A_47 : memref<128x128xf32, #tpu.memory_space<vmem_shared>>) target_semaphore(%arg13 : memref<!tpu.dma_semaphore, #tpu.memory_space<semaphore_mem>>)
    %add3A_52 = arith.constant 384 : i32
    %add3A_53 = arith.addi %mul3A_7, %add3A_52 : i32
    %dma_start3A_54 = arith.constant 0 : i32
    %dma_start3A_55 = arith.constant 0 : i32
    %dma_start3A_56 = arith.constant 0 : i32
    %dma_start3A_57 = tpu.memref_slice %arg9[%dma_start3A_54, %dma_start3A_55, %dma_start3A_56] : memref<3x128x128xf32, #tpu.memory_space<vmem>> -> memref<1x128x128xf32, #tpu.memory_space<vmem>>
    %dma_start3A_58 = tpu.memref_squeeze %dma_start3A_57 : memref<1x128x128xf32, #tpu.memory_space<vmem>> -> memref<128x128xf32, #tpu.memory_space<vmem>>
    %dma_start3A_59 = arith.constant 0 : i32
    %dma_start3A_60 = tpu.memref_slice %arg10[%add3A_53, %dma_start3A_59] : memref<10112x128xf32, #tpu.memory_space<vmem_shared>> -> memref<128x128xf32, #tpu.memory_space<vmem_shared>>
    %dma_start3A_61 = arith.constant 0 : i32
    %dma_start3A_62 = tpu.memref_slice %arg10[%add3A_53, %dma_start3A_61] : memref<10112x128xf32, #tpu.memory_space<vmem_shared>> -> memref<128x128xf32, #tpu.memory_space<vmem_shared>>
    %dma_start3A_63 = arith.constant 0 : i32
    %dma_start3A_64 = arith.constant 0 : i32
    %dma_start3A_65 = tpu.memref_slice %arg9[%dma_start3A_54, %dma_start3A_63, %dma_start3A_64] : memref<3x128x128xf32, #tpu.memory_space<vmem>> -> memref<1x128x128xf32, #tpu.memory_space<vmem>>
    %dma_start3A_66 = tpu.memref_squeeze %dma_start3A_65 : memref<1x128x128xf32, #tpu.memory_space<vmem>> -> memref<128x128xf32, #tpu.memory_space<vmem>>
    tpu.enqueue_dma source(%dma_start3A_66 : memref<128x128xf32, #tpu.memory_space<vmem>>) target(%dma_start3A_62 : memref<128x128xf32, #tpu.memory_space<vmem_shared>>) target_semaphore(%arg11 : memref<!tpu.dma_semaphore, #tpu.memory_space<semaphore_mem>>)
    %add3A_67 = arith.constant 512 : i32
    %add3A_68 = arith.addi %mul3A_7, %add3A_67 : i32
    %dma_start3A_69 = arith.constant 0 : i32
    %dma_start3A_70 = arith.constant 0 : i32
    %dma_start3A_71 = arith.constant 0 : i32
    %dma_start3A_72 = tpu.memref_slice %arg9[%dma_start3A_69, %dma_start3A_70, %dma_start3A_71] : memref<3x128x128xf32, #tpu.memory_space<vmem>> -> memref<1x120x128xf32, #tpu.memory_space<vmem>>
    %dma_start3A_73 = tpu.memref_squeeze %dma_start3A_72 : memref<1x120x128xf32, #tpu.memory_space<vmem>> -> memref<120x128xf32, #tpu.memory_space<vmem>>
    %dma_start3A_74 = arith.constant 0 : i32
    %dma_start3A_75 = tpu.memref_slice %arg10[%add3A_68, %dma_start3A_74] : memref<10112x128xf32, #tpu.memory_space<vmem_shared>> -> memref<120x128xf32, #tpu.memory_space<vmem_shared>>
    %dma_start3A_76 = arith.constant 0 : i32
    %dma_start3A_77 = tpu.memref_slice %arg10[%add3A_68, %dma_start3A_76] : memref<10112x128xf32, #tpu.memory_space<vmem_shared>> -> memref<120x128xf32, #tpu.memory_space<vmem_shared>>
    %dma_start3A_78 = arith.constant 0 : i32
    %dma_start3A_79 = arith.constant 0 : i32
    %dma_start3A_80 = tpu.memref_slice %arg9[%dma_start3A_69, %dma_start3A_78, %dma_start3A_79] : memref<3x128x128xf32, #tpu.memory_space<vmem>> -> memref<1x120x128xf32, #tpu.memory_space<vmem>>
    %dma_start3A_81 = tpu.memref_squeeze %dma_start3A_80 : memref<1x120x128xf32, #tpu.memory_space<vmem>> -> memref<120x128xf32, #tpu.memory_space<vmem>>
    tpu.enqueue_dma source(%dma_start3A_81 : memref<120x128xf32, #tpu.memory_space<vmem>>) target(%dma_start3A_77 : memref<120x128xf32, #tpu.memory_space<vmem_shared>>) target_semaphore(%arg14 : memref<!tpu.dma_semaphore, #tpu.memory_space<semaphore_mem>>)
    %dma_wait3A = arith.constant 0 : i32
    %dma_wait3A_82 = arith.constant 0 : i32
    %dma_wait3A_83 = arith.constant 0 : i32
    %dma_wait3A_84 = tpu.memref_slice %arg9[%dma_wait3A, %dma_wait3A_82, %dma_wait3A_83] : memref<3x128x128xf32, #tpu.memory_space<vmem>> -> memref<1x128x128xf32, #tpu.memory_space<vmem>>
    %dma_wait3A_85 = tpu.memref_squeeze %dma_wait3A_84 : memref<1x128x128xf32, #tpu.memory_space<vmem>> -> memref<128x128xf32, #tpu.memory_space<vmem>>
    %dma_wait3A_86 = arith.constant 0 : i32
    %dma_wait3A_87 = tpu.memref_slice %arg10[%add3A_9, %dma_wait3A_86] : memref<10112x128xf32, #tpu.memory_space<vmem_shared>> -> memref<128x128xf32, #tpu.memory_space<vmem_shared>>
    %dma_wait3A_88 = arith.constant 0 : i32
    %dma_wait3A_89 = tpu.memref_slice %arg10[%add3A_9, %dma_wait3A_88] : memref<10112x128xf32, #tpu.memory_space<vmem_shared>> -> memref<128x128xf32, #tpu.memory_space<vmem_shared>>
    %dma_wait3A_90 = arith.constant 0 : i32
    %dma_wait3A_91 = arith.constant 0 : i32
    %dma_wait3A_92 = tpu.memref_slice %arg9[%dma_wait3A, %dma_wait3A_90, %dma_wait3A_91] : memref<3x128x128xf32, #tpu.memory_space<vmem>> -> memref<1x128x128xf32, #tpu.memory_space<vmem>>
    %dma_wait3A_93 = tpu.memref_squeeze %dma_wait3A_92 : memref<1x128x128xf32, #tpu.memory_space<vmem>> -> memref<128x128xf32, #tpu.memory_space<vmem>>
    tpu.wait_dma2 semaphore(%arg11 : memref<!tpu.dma_semaphore, #tpu.memory_space<semaphore_mem>>) src(%dma_wait3A_93 : memref<128x128xf32, #tpu.memory_space<vmem>>) dst(%dma_wait3A_89 : memref<128x128xf32, #tpu.memory_space<vmem_shared>>)
    %dma_wait3A_94 = arith.constant 0 : i32
    %dma_wait3A_95 = arith.constant 0 : i32
    %dma_wait3A_96 = arith.constant 0 : i32
    %dma_wait3A_97 = tpu.memref_slice %arg9[%dma_wait3A_94, %dma_wait3A_95, %dma_wait3A_96] : memref<3x128x128xf32, #tpu.memory_space<vmem>> -> memref<1x128x128xf32, #tpu.memory_space<vmem>>
    %dma_wait3A_98 = tpu.memref_squeeze %dma_wait3A_97 : memref<1x128x128xf32, #tpu.memory_space<vmem>> -> memref<128x128xf32, #tpu.memory_space<vmem>>
    %dma_wait3A_99 = arith.constant 0 : i32
    %dma_wait3A_100 = tpu.memref_slice %arg10[%add3A_23, %dma_wait3A_99] : memref<10112x128xf32, #tpu.memory_space<vmem_shared>> -> memref<128x128xf32, #tpu.memory_space<vmem_shared>>
    %dma_wait3A_101 = arith.constant 0 : i32
    %dma_wait3A_102 = tpu.memref_slice %arg10[%add3A_23, %dma_wait3A_101] : memref<10112x128xf32, #tpu.memory_space<vmem_shared>> -> memref<128x128xf32, #tpu.memory_space<vmem_shared>>
    %dma_wait3A_103 = arith.constant 0 : i32
    %dma_wait3A_104 = arith.constant 0 : i32
    %dma_wait3A_105 = tpu.memref_slice %arg9[%dma_wait3A_94, %dma_wait3A_103, %dma_wait3A_104] : memref<3x128x128xf32, #tpu.memory_space<vmem>> -> memref<1x128x128xf32, #tpu.memory_space<vmem>>
    %dma_wait3A_106 = tpu.memref_squeeze %dma_wait3A_105 : memref<1x128x128xf32, #tpu.memory_space<vmem>> -> memref<128x128xf32, #tpu.memory_space<vmem>>
    tpu.wait_dma2 semaphore(%arg12 : memref<!tpu.dma_semaphore, #tpu.memory_space<semaphore_mem>>) src(%dma_wait3A_106 : memref<128x128xf32, #tpu.memory_space<vmem>>) dst(%dma_wait3A_102 : memref<128x128xf32, #tpu.memory_space<vmem_shared>>)
    %dma_wait3A_107 = arith.constant 0 : i32
    %dma_wait3A_108 = arith.constant 0 : i32
    %dma_wait3A_109 = arith.constant 0 : i32
    %dma_wait3A_110 = tpu.memref_slice %arg9[%dma_wait3A_107, %dma_wait3A_108, %dma_wait3A_109] : memref<3x128x128xf32, #tpu.memory_space<vmem>> -> memref<1x128x128xf32, #tpu.memory_space<vmem>>
    %dma_wait3A_111 = tpu.memref_squeeze %dma_wait3A_110 : memref<1x128x128xf32, #tpu.memory_space<vmem>> -> memref<128x128xf32, #tpu.memory_space<vmem>>
    %dma_wait3A_112 = arith.constant 0 : i32
    %dma_wait3A_113 = tpu.memref_slice %arg10[%add3A_38, %dma_wait3A_112] : memref<10112x128xf32, #tpu.memory_space<vmem_shared>> -> memref<128x128xf32, #tpu.memory_space<vmem_shared>>
    %dma_wait3A_114 = arith.constant 0 : i32
    %dma_wait3A_115 = tpu.memref_slice %arg10[%add3A_38, %dma_wait3A_114] : memref<10112x128xf32, #tpu.memory_space<vmem_shared>> -> memref<128x128xf32, #tpu.memory_space<vmem_shared>>
    %dma_wait3A_116 = arith.constant 0 : i32
    %dma_wait3A_117 = arith.constant 0 : i32
    %dma_wait3A_118 = tpu.memref_slice %arg9[%dma_wait3A_107, %dma_wait3A_116, %dma_wait3A_117] : memref<3x128x128xf32, #tpu.memory_space<vmem>> -> memref<1x128x128xf32, #tpu.memory_space<vmem>>
    %dma_wait3A_119 = tpu.memref_squeeze %dma_wait3A_118 : memref<1x128x128xf32, #tpu.memory_space<vmem>> -> memref<128x128xf32, #tpu.memory_space<vmem>>
    tpu.wait_dma2 semaphore(%arg13 : memref<!tpu.dma_semaphore, #tpu.memory_space<semaphore_mem>>) src(%dma_wait3A_119 : memref<128x128xf32, #tpu.memory_space<vmem>>) dst(%dma_wait3A_115 : memref<128x128xf32, #tpu.memory_space<vmem_shared>>)
    %dma_wait3A_120 = arith.constant 0 : i32
    %dma_wait3A_121 = arith.constant 0 : i32
    %dma_wait3A_122 = arith.constant 0 : i32
    %dma_wait3A_123 = tpu.memref_slice %arg9[%dma_wait3A_120, %dma_wait3A_121, %dma_wait3A_122] : memref<3x128x128xf32, #tpu.memory_space<vmem>> -> memref<1x128x128xf32, #tpu.memory_space<vmem>>
    %dma_wait3A_124 = tpu.memref_squeeze %dma_wait3A_123 : memref<1x128x128xf32, #tpu.memory_space<vmem>> -> memref<128x128xf32, #tpu.memory_space<vmem>>
    %dma_wait3A_125 = arith.constant 0 : i32
    %dma_wait3A_126 = tpu.memref_slice %arg10[%add3A_53, %dma_wait3A_125] : memref<10112x128xf32, #tpu.memory_space<vmem_shared>> -> memref<128x128xf32, #tpu.memory_space<vmem_shared>>
    %dma_wait3A_127 = arith.constant 0 : i32
    %dma_wait3A_128 = tpu.memref_slice %arg10[%add3A_53, %dma_wait3A_127] : memref<10112x128xf32, #tpu.memory_space<vmem_shared>> -> memref<128x128xf32, #tpu.memory_space<vmem_shared>>
    %dma_wait3A_129 = arith.constant 0 : i32
    %dma_wait3A_130 = arith.constant 0 : i32
    %dma_wait3A_131 = tpu.memref_slice %arg9[%dma_wait3A_120, %dma_wait3A_129, %dma_wait3A_130] : memref<3x128x128xf32, #tpu.memory_space<vmem>> -> memref<1x128x128xf32, #tpu.memory_space<vmem>>
    %dma_wait3A_132 = tpu.memref_squeeze %dma_wait3A_131 : memref<1x128x128xf32, #tpu.memory_space<vmem>> -> memref<128x128xf32, #tpu.memory_space<vmem>>
    tpu.wait_dma2 semaphore(%arg11 : memref<!tpu.dma_semaphore, #tpu.memory_space<semaphore_mem>>) src(%dma_wait3A_132 : memref<128x128xf32, #tpu.memory_space<vmem>>) dst(%dma_wait3A_128 : memref<128x128xf32, #tpu.memory_space<vmem_shared>>)
    %dma_wait3A_133 = arith.constant 0 : i32
    %dma_wait3A_134 = arith.constant 0 : i32
    %dma_wait3A_135 = arith.constant 0 : i32
    %dma_wait3A_136 = tpu.memref_slice %arg9[%dma_wait3A_133, %dma_wait3A_134, %dma_wait3A_135] : memref<3x128x128xf32, #tpu.memory_space<vmem>> -> memref<1x120x128xf32, #tpu.memory_space<vmem>>
    %dma_wait3A_137 = tpu.memref_squeeze %dma_wait3A_136 : memref<1x120x128xf32, #tpu.memory_space<vmem>> -> memref<120x128xf32, #tpu.memory_space<vmem>>
    %dma_wait3A_138 = arith.constant 0 : i32
    %dma_wait3A_139 = tpu.memref_slice %arg10[%add3A_68, %dma_wait3A_138] : memref<10112x128xf32, #tpu.memory_space<vmem_shared>> -> memref<120x128xf32, #tpu.memory_space<vmem_shared>>
    %dma_wait3A_140 = arith.constant 0 : i32
    %dma_wait3A_141 = tpu.memref_slice %arg10[%add3A_68, %dma_wait3A_140] : memref<10112x128xf32, #tpu.memory_space<vmem_shared>> -> memref<120x128xf32, #tpu.memory_space<vmem_shared>>
    %dma_wait3A_142 = arith.constant 0 : i32
    %dma_wait3A_143 = arith.constant 0 : i32
    %dma_wait3A_144 = tpu.memref_slice %arg9[%dma_wait3A_133, %dma_wait3A_142, %dma_wait3A_143] : memref<3x128x128xf32, #tpu.memory_space<vmem>> -> memref<1x120x128xf32, #tpu.memory_space<vmem>>
    %dma_wait3A_145 = tpu.memref_squeeze %dma_wait3A_144 : memref<1x120x128xf32, #tpu.memory_space<vmem>> -> memref<120x128xf32, #tpu.memory_space<vmem>>
    tpu.wait_dma2 semaphore(%arg14 : memref<!tpu.dma_semaphore, #tpu.memory_space<semaphore_mem>>) src(%dma_wait3A_145 : memref<120x128xf32, #tpu.memory_space<vmem>>) dst(%dma_wait3A_141 : memref<120x128xf32, #tpu.memory_space<vmem_shared>>)
    %barrier3A = arith.constant 0 : index
    tpu.barrier barrier_id(%barrier3A)
    %mul3A_146 = arith.constant 81 : i32
    %mul3A_147 = arith.muli %add3A, %mul3A_146 : i32
    %add3A_148 = arith.constant 0 : i32
    %add3A_149 = arith.addi %mul3A_147, %add3A_148 : i32
    %dma_start3A_150 = arith.constant 0 : i32
    %dma_start3A_151 = arith.constant 0 : i32
    %dma_start3A_152 = tpu.memref_slice %arg7[%dma_start3A_150, %dma_start3A_151] : memref<3x128xi32, #tpu.memory_space<vmem>> -> memref<1x128xi32, #tpu.memory_space<vmem>>
    %dma_start3A_153 = tpu.memref_squeeze %dma_start3A_152 : memref<1x128xi32, #tpu.memory_space<vmem>> -> memref<128xi32, #tpu.memory_space<vmem>>
    %dma_start3A_154 = arith.constant 0 : i32
    %dma_start3A_155 = tpu.memref_slice %arg4[%add3A_149, %dma_start3A_154] : memref<2594x128xi32, #tpu.memory_space<hbm>> -> memref<1x128xi32, #tpu.memory_space<hbm>>
    %dma_start3A_156 = tpu.memref_squeeze %dma_start3A_155 : memref<1x128xi32, #tpu.memory_space<hbm>> -> memref<128xi32, #tpu.memory_space<hbm>>
    %dma_start3A_157 = arith.constant 0 : i32
    %dma_start3A_158 = tpu.memref_slice %arg7[%dma_start3A_150, %dma_start3A_157] : memref<3x128xi32, #tpu.memory_space<vmem>> -> memref<1x128xi32, #tpu.memory_space<vmem>>
    %dma_start3A_159 = tpu.memref_squeeze %dma_start3A_158 : memref<1x128xi32, #tpu.memory_space<vmem>> -> memref<128xi32, #tpu.memory_space<vmem>>
    %dma_start3A_160 = arith.constant 0 : i32
    %dma_start3A_161 = tpu.memref_slice %arg4[%add3A_149, %dma_start3A_160] : memref<2594x128xi32, #tpu.memory_space<hbm>> -> memref<1x128xi32, #tpu.memory_space<hbm>>
    %dma_start3A_162 = tpu.memref_squeeze %dma_start3A_161 : memref<1x128xi32, #tpu.memory_space<hbm>> -> memref<128xi32, #tpu.memory_space<hbm>>
    tpu.enqueue_dma source(%dma_start3A_162 : memref<128xi32, #tpu.memory_space<hbm>>) target(%dma_start3A_159 : memref<128xi32, #tpu.memory_space<vmem>>) target_semaphore(%arg14 : memref<!tpu.dma_semaphore, #tpu.memory_space<semaphore_mem>>)
    %add3A_163 = arith.constant 0 : i32
    %add3A_164 = arith.addi %mul3A_147, %add3A_163 : i32
    %dma_start3A_165 = arith.constant 0 : i32
    %dma_start3A_166 = arith.constant 0 : i32
    %dma_start3A_167 = tpu.memref_slice %arg8[%dma_start3A_165, %dma_start3A_166] : memref<3x128xi32, #tpu.memory_space<vmem>> -> memref<1x128xi32, #tpu.memory_space<vmem>>
    %dma_start3A_168 = tpu.memref_squeeze %dma_start3A_167 : memref<1x128xi32, #tpu.memory_space<vmem>> -> memref<128xi32, #tpu.memory_space<vmem>>
    %dma_start3A_169 = arith.constant 0 : i32
    %dma_start3A_170 = tpu.memref_slice %arg5[%add3A_164, %dma_start3A_169] : memref<2594x128xi32, #tpu.memory_space<hbm>> -> memref<1x128xi32, #tpu.memory_space<hbm>>
    %dma_start3A_171 = tpu.memref_squeeze %dma_start3A_170 : memref<1x128xi32, #tpu.memory_space<hbm>> -> memref<128xi32, #tpu.memory_space<hbm>>
    %dma_start3A_172 = arith.constant 0 : i32
    %dma_start3A_173 = tpu.memref_slice %arg8[%dma_start3A_165, %dma_start3A_172] : memref<3x128xi32, #tpu.memory_space<vmem>> -> memref<1x128xi32, #tpu.memory_space<vmem>>
    %dma_start3A_174 = tpu.memref_squeeze %dma_start3A_173 : memref<1x128xi32, #tpu.memory_space<vmem>> -> memref<128xi32, #tpu.memory_space<vmem>>
    %dma_start3A_175 = arith.constant 0 : i32
    %dma_start3A_176 = tpu.memref_slice %arg5[%add3A_164, %dma_start3A_175] : memref<2594x128xi32, #tpu.memory_space<hbm>> -> memref<1x128xi32, #tpu.memory_space<hbm>>
    %dma_start3A_177 = tpu.memref_squeeze %dma_start3A_176 : memref<1x128xi32, #tpu.memory_space<hbm>> -> memref<128xi32, #tpu.memory_space<hbm>>
    tpu.enqueue_dma source(%dma_start3A_177 : memref<128xi32, #tpu.memory_space<hbm>>) target(%dma_start3A_174 : memref<128xi32, #tpu.memory_space<vmem>>) target_semaphore(%arg14 : memref<!tpu.dma_semaphore, #tpu.memory_space<semaphore_mem>>)
    %add3A_178 = arith.constant 1 : i32
    %add3A_179 = arith.addi %mul3A_147, %add3A_178 : i32
    %dma_start3A_180 = arith.constant 1 : i32
    %dma_start3A_181 = arith.constant 0 : i32
    %dma_start3A_182 = tpu.memref_slice %arg7[%dma_start3A_180, %dma_start3A_181] : memref<3x128xi32, #tpu.memory_space<vmem>> -> memref<1x128xi32, #tpu.memory_space<vmem>>
    %dma_start3A_183 = tpu.memref_squeeze %dma_start3A_182 : memref<1x128xi32, #tpu.memory_space<vmem>> -> memref<128xi32, #tpu.memory_space<vmem>>
    %dma_start3A_184 = arith.constant 0 : i32
    %dma_start3A_185 = tpu.memref_slice %arg4[%add3A_179, %dma_start3A_184] : memref<2594x128xi32, #tpu.memory_space<hbm>> -> memref<1x128xi32, #tpu.memory_space<hbm>>
    %dma_start3A_186 = tpu.memref_squeeze %dma_start3A_185 : memref<1x128xi32, #tpu.memory_space<hbm>> -> memref<128xi32, #tpu.memory_space<hbm>>
    %dma_start3A_187 = arith.constant 0 : i32
    %dma_start3A_188 = tpu.memref_slice %arg7[%dma_start3A_180, %dma_start3A_187] : memref<3x128xi32, #tpu.memory_space<vmem>> -> memref<1x128xi32, #tpu.memory_space<vmem>>
    %dma_start3A_189 = tpu.memref_squeeze %dma_start3A_188 : memref<1x128xi32, #tpu.memory_space<vmem>> -> memref<128xi32, #tpu.memory_space<vmem>>
    %dma_start3A_190 = arith.constant 0 : i32
    %dma_start3A_191 = tpu.memref_slice %arg4[%add3A_179, %dma_start3A_190] : memref<2594x128xi32, #tpu.memory_space<hbm>> -> memref<1x128xi32, #tpu.memory_space<hbm>>
    %dma_start3A_192 = tpu.memref_squeeze %dma_start3A_191 : memref<1x128xi32, #tpu.memory_space<hbm>> -> memref<128xi32, #tpu.memory_space<hbm>>
    tpu.enqueue_dma source(%dma_start3A_192 : memref<128xi32, #tpu.memory_space<hbm>>) target(%dma_start3A_189 : memref<128xi32, #tpu.memory_space<vmem>>) target_semaphore(%arg15 : memref<!tpu.dma_semaphore, #tpu.memory_space<semaphore_mem>>)
    %add3A_193 = arith.constant 1 : i32
    %add3A_194 = arith.addi %mul3A_147, %add3A_193 : i32
    %dma_start3A_195 = arith.constant 1 : i32
    %dma_start3A_196 = arith.constant 0 : i32
    %dma_start3A_197 = tpu.memref_slice %arg8[%dma_start3A_195, %dma_start3A_196] : memref<3x128xi32, #tpu.memory_space<vmem>> -> memref<1x128xi32, #tpu.memory_space<vmem>>
    %dma_start3A_198 = tpu.memref_squeeze %dma_start3A_197 : memref<1x128xi32, #tpu.memory_space<vmem>> -> memref<128xi32, #tpu.memory_space<vmem>>
    %dma_start3A_199 = arith.constant 0 : i32
    %dma_start3A_200 = tpu.memref_slice %arg5[%add3A_194, %dma_start3A_199] : memref<2594x128xi32, #tpu.memory_space<hbm>> -> memref<1x128xi32, #tpu.memory_space<hbm>>
    %dma_start3A_201 = tpu.memref_squeeze %dma_start3A_200 : memref<1x128xi32, #tpu.memory_space<hbm>> -> memref<128xi32, #tpu.memory_space<hbm>>
    %dma_start3A_202 = arith.constant 0 : i32
    %dma_start3A_203 = tpu.memref_slice %arg8[%dma_start3A_195, %dma_start3A_202] : memref<3x128xi32, #tpu.memory_space<vmem>> -> memref<1x128xi32, #tpu.memory_space<vmem>>
    %dma_start3A_204 = tpu.memref_squeeze %dma_start3A_203 : memref<1x128xi32, #tpu.memory_space<vmem>> -> memref<128xi32, #tpu.memory_space<vmem>>
    %dma_start3A_205 = arith.constant 0 : i32
    %dma_start3A_206 = tpu.memref_slice %arg5[%add3A_194, %dma_start3A_205] : memref<2594x128xi32, #tpu.memory_space<hbm>> -> memref<1x128xi32, #tpu.memory_space<hbm>>
    %dma_start3A_207 = tpu.memref_squeeze %dma_start3A_206 : memref<1x128xi32, #tpu.memory_space<hbm>> -> memref<128xi32, #tpu.memory_space<hbm>>
    tpu.enqueue_dma source(%dma_start3A_207 : memref<128xi32, #tpu.memory_space<hbm>>) target(%dma_start3A_204 : memref<128xi32, #tpu.memory_space<vmem>>) target_semaphore(%arg15 : memref<!tpu.dma_semaphore, #tpu.memory_space<semaphore_mem>>)
    %dma_wait3A_208 = arith.constant 0 : i32
    %dma_wait3A_209 = arith.constant 0 : i32
    %dma_wait3A_210 = arith.constant 0 : i32
    %dma_wait3A_211 = tpu.memref_slice %arg7[%dma_wait3A_209, %dma_wait3A_210] : memref<3x128xi32, #tpu.memory_space<vmem>> -> memref<1x128xi32, #tpu.memory_space<vmem>>
    %dma_wait3A_212 = tpu.memref_squeeze %dma_wait3A_211 : memref<1x128xi32, #tpu.memory_space<vmem>> -> memref<128xi32, #tpu.memory_space<vmem>>
    %dma_wait3A_213 = arith.constant 0 : i32
    %dma_wait3A_214 = tpu.memref_slice %arg4[%dma_wait3A_208, %dma_wait3A_213] : memref<2594x128xi32, #tpu.memory_space<hbm>> -> memref<1x128xi32, #tpu.memory_space<hbm>>
    %dma_wait3A_215 = tpu.memref_squeeze %dma_wait3A_214 : memref<1x128xi32, #tpu.memory_space<hbm>> -> memref<128xi32, #tpu.memory_space<hbm>>
    %dma_wait3A_216 = arith.constant 0 : i32
    %dma_wait3A_217 = tpu.memref_slice %arg7[%dma_wait3A_209, %dma_wait3A_216] : memref<3x128xi32, #tpu.memory_space<vmem>> -> memref<1x128xi32, #tpu.memory_space<vmem>>
    %dma_wait3A_218 = tpu.memref_squeeze %dma_wait3A_217 : memref<1x128xi32, #tpu.memory_space<vmem>> -> memref<128xi32, #tpu.memory_space<vmem>>
    %dma_wait3A_219 = arith.constant 0 : i32
    %dma_wait3A_220 = tpu.memref_slice %arg4[%dma_wait3A_208, %dma_wait3A_219] : memref<2594x128xi32, #tpu.memory_space<hbm>> -> memref<1x128xi32, #tpu.memory_space<hbm>>
    %dma_wait3A_221 = tpu.memref_squeeze %dma_wait3A_220 : memref<1x128xi32, #tpu.memory_space<hbm>> -> memref<128xi32, #tpu.memory_space<hbm>>
    tpu.wait_dma2 semaphore(%arg14 : memref<!tpu.dma_semaphore, #tpu.memory_space<semaphore_mem>>) src(%dma_wait3A_221 : memref<128xi32, #tpu.memory_space<hbm>>) dst(%dma_wait3A_218 : memref<128xi32, #tpu.memory_space<vmem>>)
    %dma_wait3A_222 = arith.constant 0 : i32
    %dma_wait3A_223 = arith.constant 0 : i32
    %dma_wait3A_224 = arith.constant 0 : i32
    %dma_wait3A_225 = tpu.memref_slice %arg8[%dma_wait3A_223, %dma_wait3A_224] : memref<3x128xi32, #tpu.memory_space<vmem>> -> memref<1x128xi32, #tpu.memory_space<vmem>>
    %dma_wait3A_226 = tpu.memref_squeeze %dma_wait3A_225 : memref<1x128xi32, #tpu.memory_space<vmem>> -> memref<128xi32, #tpu.memory_space<vmem>>
    %dma_wait3A_227 = arith.constant 0 : i32
    %dma_wait3A_228 = tpu.memref_slice %arg5[%dma_wait3A_222, %dma_wait3A_227] : memref<2594x128xi32, #tpu.memory_space<hbm>> -> memref<1x128xi32, #tpu.memory_space<hbm>>
    %dma_wait3A_229 = tpu.memref_squeeze %dma_wait3A_228 : memref<1x128xi32, #tpu.memory_space<hbm>> -> memref<128xi32, #tpu.memory_space<hbm>>
    %dma_wait3A_230 = arith.constant 0 : i32
    %dma_wait3A_231 = tpu.memref_slice %arg8[%dma_wait3A_223, %dma_wait3A_230] : memref<3x128xi32, #tpu.memory_space<vmem>> -> memref<1x128xi32, #tpu.memory_space<vmem>>
    %dma_wait3A_232 = tpu.memref_squeeze %dma_wait3A_231 : memref<1x128xi32, #tpu.memory_space<vmem>> -> memref<128xi32, #tpu.memory_space<vmem>>
    %dma_wait3A_233 = arith.constant 0 : i32
    %dma_wait3A_234 = tpu.memref_slice %arg5[%dma_wait3A_222, %dma_wait3A_233] : memref<2594x128xi32, #tpu.memory_space<hbm>> -> memref<1x128xi32, #tpu.memory_space<hbm>>
    %dma_wait3A_235 = tpu.memref_squeeze %dma_wait3A_234 : memref<1x128xi32, #tpu.memory_space<hbm>> -> memref<128xi32, #tpu.memory_space<hbm>>
    tpu.wait_dma2 semaphore(%arg14 : memref<!tpu.dma_semaphore, #tpu.memory_space<semaphore_mem>>) src(%dma_wait3A_235 : memref<128xi32, #tpu.memory_space<hbm>>) dst(%dma_wait3A_232 : memref<128xi32, #tpu.memory_space<vmem>>)
    %dma_start3A_236 = arith.constant 0 : i32
    %dma_start3A_237 = arith.constant 0 : i32
    %dma_start3A_238 = arith.constant 0 : i32
    %dma_start3A_239 = arith.constant 0 : i32
    %dma_start3A_240 = tpu.memref_slice %arg9[%dma_start3A_237, %dma_start3A_238, %dma_start3A_239] : memref<3x128x128xf32, #tpu.memory_space<vmem>> -> memref<1x64x128xf32, #tpu.memory_space<vmem>>
    %dma_start3A_241 = tpu.memref_squeeze %dma_start3A_240 : memref<1x64x128xf32, #tpu.memory_space<vmem>> -> memref<64x128xf32, #tpu.memory_space<vmem>>
    %dma_start3A_242 = arith.constant 0 : i32
    %dma_start3A_243 = tpu.memref_slice %arg8[%dma_start3A_236, %dma_start3A_242] : memref<3x128xi32, #tpu.memory_space<vmem>> -> memref<1x64xi32, #tpu.memory_space<vmem>>
    %dma_start3A_244 = tpu.memref_squeeze %dma_start3A_243 : memref<1x64xi32, #tpu.memory_space<vmem>> -> memref<64xi32, #tpu.memory_space<vmem>>
    %dma_start3A_245 = arith.constant 0 : i32
    %dma_start3A_246 = arith.constant 0 : i32
    %dma_start3A_247 = tpu.memref_slice %arg3[%dma_start3A_245, %dma_start3A_246] : memref<10112x128xf32, #tpu.memory_space<hbm>> -> memref<10112x128xf32, #tpu.memory_space<hbm>>
    tpu.enqueue_indirect_dma source(%dma_start3A_247 : memref<10112x128xf32, #tpu.memory_space<hbm>>) target(%dma_start3A_241 : memref<64x128xf32, #tpu.memory_space<vmem>>) offsets(%dma_start3A_244 : memref<64xi32, #tpu.memory_space<vmem>>) semaphore(%arg11 : memref<!tpu.dma_semaphore, #tpu.memory_space<semaphore_mem>>)
    %dma_start3A_248 = arith.constant 0 : i32
    %dma_start3A_249 = arith.constant 0 : i32
    %dma_start3A_250 = arith.constant 64 : i32
    %dma_start3A_251 = arith.constant 0 : i32
    %dma_start3A_252 = tpu.memref_slice %arg9[%dma_start3A_249, %dma_start3A_250, %dma_start3A_251] : memref<3x128x128xf32, #tpu.memory_space<vmem>> -> memref<1x64x128xf32, #tpu.memory_space<vmem>>
    %dma_start3A_253 = tpu.memref_squeeze %dma_start3A_252 : memref<1x64x128xf32, #tpu.memory_space<vmem>> -> memref<64x128xf32, #tpu.memory_space<vmem>>
    %dma_start3A_254 = arith.constant 64 : i32
    %dma_start3A_255 = tpu.memref_slice %arg8[%dma_start3A_248, %dma_start3A_254] : memref<3x128xi32, #tpu.memory_space<vmem>> -> memref<1x64xi32, #tpu.memory_space<vmem>>
    %dma_start3A_256 = tpu.memref_squeeze %dma_start3A_255 : memref<1x64xi32, #tpu.memory_space<vmem>> -> memref<64xi32, #tpu.memory_space<vmem>>
    %dma_start3A_257 = arith.constant 0 : i32
    %dma_start3A_258 = arith.constant 0 : i32
    %dma_start3A_259 = tpu.memref_slice %arg3[%dma_start3A_257, %dma_start3A_258] : memref<10112x128xf32, #tpu.memory_space<hbm>> -> memref<10112x128xf32, #tpu.memory_space<hbm>>
    tpu.enqueue_indirect_dma source(%dma_start3A_259 : memref<10112x128xf32, #tpu.memory_space<hbm>>) target(%dma_start3A_253 : memref<64x128xf32, #tpu.memory_space<vmem>>) offsets(%dma_start3A_256 : memref<64xi32, #tpu.memory_space<vmem>>) semaphore(%arg14 : memref<!tpu.dma_semaphore, #tpu.memory_space<semaphore_mem>>)
    %dma_wait3A_260 = arith.constant 0 : i32
    %dma_wait3A_261 = arith.constant 1 : i32
    %dma_wait3A_262 = arith.constant 0 : i32
    %dma_wait3A_263 = tpu.memref_slice %arg7[%dma_wait3A_261, %dma_wait3A_262] : memref<3x128xi32, #tpu.memory_space<vmem>> -> memref<1x128xi32, #tpu.memory_space<vmem>>
    %dma_wait3A_264 = tpu.memref_squeeze %dma_wait3A_263 : memref<1x128xi32, #tpu.memory_space<vmem>> -> memref<128xi32, #tpu.memory_space<vmem>>
    %dma_wait3A_265 = arith.constant 0 : i32
    %dma_wait3A_266 = tpu.memref_slice %arg4[%dma_wait3A_260, %dma_wait3A_265] : memref<2594x128xi32, #tpu.memory_space<hbm>> -> memref<1x128xi32, #tpu.memory_space<hbm>>
    %dma_wait3A_267 = tpu.memref_squeeze %dma_wait3A_266 : memref<1x128xi32, #tpu.memory_space<hbm>> -> memref<128xi32, #tpu.memory_space<hbm>>
    %dma_wait3A_268 = arith.constant 0 : i32
    %dma_wait3A_269 = tpu.memref_slice %arg7[%dma_wait3A_261, %dma_wait3A_268] : memref<3x128xi32, #tpu.memory_space<vmem>> -> memref<1x128xi32, #tpu.memory_space<vmem>>
    %dma_wait3A_270 = tpu.memref_squeeze %dma_wait3A_269 : memref<1x128xi32, #tpu.memory_space<vmem>> -> memref<128xi32, #tpu.memory_space<vmem>>
    %dma_wait3A_271 = arith.constant 0 : i32
    %dma_wait3A_272 = tpu.memref_slice %arg4[%dma_wait3A_260, %dma_wait3A_271] : memref<2594x128xi32, #tpu.memory_space<hbm>> -> memref<1x128xi32, #tpu.memory_space<hbm>>
    %dma_wait3A_273 = tpu.memref_squeeze %dma_wait3A_272 : memref<1x128xi32, #tpu.memory_space<hbm>> -> memref<128xi32, #tpu.memory_space<hbm>>
    tpu.wait_dma2 semaphore(%arg15 : memref<!tpu.dma_semaphore, #tpu.memory_space<semaphore_mem>>) src(%dma_wait3A_273 : memref<128xi32, #tpu.memory_space<hbm>>) dst(%dma_wait3A_270 : memref<128xi32, #tpu.memory_space<vmem>>)
    %dma_wait3A_274 = arith.constant 0 : i32
    %dma_wait3A_275 = arith.constant 1 : i32
    %dma_wait3A_276 = arith.constant 0 : i32
    %dma_wait3A_277 = tpu.memref_slice %arg8[%dma_wait3A_275, %dma_wait3A_276] : memref<3x128xi32, #tpu.memory_space<vmem>> -> memref<1x128xi32, #tpu.memory_space<vmem>>
    %dma_wait3A_278 = tpu.memref_squeeze %dma_wait3A_277 : memref<1x128xi32, #tpu.memory_space<vmem>> -> memref<128xi32, #tpu.memory_space<vmem>>
    %dma_wait3A_279 = arith.constant 0 : i32
    %dma_wait3A_280 = tpu.memref_slice %arg5[%dma_wait3A_274, %dma_wait3A_279] : memref<2594x128xi32, #tpu.memory_space<hbm>> -> memref<1x128xi32, #tpu.memory_space<hbm>>
    %dma_wait3A_281 = tpu.memref_squeeze %dma_wait3A_280 : memref<1x128xi32, #tpu.memory_space<hbm>> -> memref<128xi32, #tpu.memory_space<hbm>>
    %dma_wait3A_282 = arith.constant 0 : i32
    %dma_wait3A_283 = tpu.memref_slice %arg8[%dma_wait3A_275, %dma_wait3A_282] : memref<3x128xi32, #tpu.memory_space<vmem>> -> memref<1x128xi32, #tpu.memory_space<vmem>>
    %dma_wait3A_284 = tpu.memref_squeeze %dma_wait3A_283 : memref<1x128xi32, #tpu.memory_space<vmem>> -> memref<128xi32, #tpu.memory_space<vmem>>
    %dma_wait3A_285 = arith.constant 0 : i32
    %dma_wait3A_286 = tpu.memref_slice %arg5[%dma_wait3A_274, %dma_wait3A_285] : memref<2594x128xi32, #tpu.memory_space<hbm>> -> memref<1x128xi32, #tpu.memory_space<hbm>>
    %dma_wait3A_287 = tpu.memref_squeeze %dma_wait3A_286 : memref<1x128xi32, #tpu.memory_space<hbm>> -> memref<128xi32, #tpu.memory_space<hbm>>
    tpu.wait_dma2 semaphore(%arg15 : memref<!tpu.dma_semaphore, #tpu.memory_space<semaphore_mem>>) src(%dma_wait3A_287 : memref<128xi32, #tpu.memory_space<hbm>>) dst(%dma_wait3A_284 : memref<128xi32, #tpu.memory_space<vmem>>)
    %dma_start3A_288 = arith.constant 1 : i32
    %dma_start3A_289 = arith.constant 1 : i32
    %dma_start3A_290 = arith.constant 0 : i32
    %dma_start3A_291 = arith.constant 0 : i32
    %dma_start3A_292 = tpu.memref_slice %arg9[%dma_start3A_289, %dma_start3A_290, %dma_start3A_291] : memref<3x128x128xf32, #tpu.memory_space<vmem>> -> memref<1x64x128xf32, #tpu.memory_space<vmem>>
    %dma_start3A_293 = tpu.memref_squeeze %dma_start3A_292 : memref<1x64x128xf32, #tpu.memory_space<vmem>> -> memref<64x128xf32, #tpu.memory_space<vmem>>
    %dma_start3A_294 = arith.constant 0 : i32
    %dma_start3A_295 = tpu.memref_slice %arg8[%dma_start3A_288, %dma_start3A_294] : memref<3x128xi32, #tpu.memory_space<vmem>> -> memref<1x64xi32, #tpu.memory_space<vmem>>
    %dma_start3A_296 = tpu.memref_squeeze %dma_start3A_295 : memref<1x64xi32, #tpu.memory_space<vmem>> -> memref<64xi32, #tpu.memory_space<vmem>>
    %dma_start3A_297 = arith.constant 0 : i32
    %dma_start3A_298 = arith.constant 0 : i32
    %dma_start3A_299 = tpu.memref_slice %arg3[%dma_start3A_297, %dma_start3A_298] : memref<10112x128xf32, #tpu.memory_space<hbm>> -> memref<10112x128xf32, #tpu.memory_space<hbm>>
    tpu.enqueue_indirect_dma source(%dma_start3A_299 : memref<10112x128xf32, #tpu.memory_space<hbm>>) target(%dma_start3A_293 : memref<64x128xf32, #tpu.memory_space<vmem>>) offsets(%dma_start3A_296 : memref<64xi32, #tpu.memory_space<vmem>>) semaphore(%arg12 : memref<!tpu.dma_semaphore, #tpu.memory_space<semaphore_mem>>)
    %dma_start3A_300 = arith.constant 1 : i32
    %dma_start3A_301 = arith.constant 1 : i32
    %dma_start3A_302 = arith.constant 64 : i32
    %dma_start3A_303 = arith.constant 0 : i32
    %dma_start3A_304 = tpu.memref_slice %arg9[%dma_start3A_301, %dma_start3A_302, %dma_start3A_303] : memref<3x128x128xf32, #tpu.memory_space<vmem>> -> memref<1x64x128xf32, #tpu.memory_space<vmem>>
    %dma_start3A_305 = tpu.memref_squeeze %dma_start3A_304 : memref<1x64x128xf32, #tpu.memory_space<vmem>> -> memref<64x128xf32, #tpu.memory_space<vmem>>
    %dma_start3A_306 = arith.constant 64 : i32
    %dma_start3A_307 = tpu.memref_slice %arg8[%dma_start3A_300, %dma_start3A_306] : memref<3x128xi32, #tpu.memory_space<vmem>> -> memref<1x64xi32, #tpu.memory_space<vmem>>
    %dma_start3A_308 = tpu.memref_squeeze %dma_start3A_307 : memref<1x64xi32, #tpu.memory_space<vmem>> -> memref<64xi32, #tpu.memory_space<vmem>>
    %dma_start3A_309 = arith.constant 0 : i32
    %dma_start3A_310 = arith.constant 0 : i32
    %dma_start3A_311 = tpu.memref_slice %arg3[%dma_start3A_309, %dma_start3A_310] : memref<10112x128xf32, #tpu.memory_space<hbm>> -> memref<10112x128xf32, #tpu.memory_space<hbm>>
    tpu.enqueue_indirect_dma source(%dma_start3A_311 : memref<10112x128xf32, #tpu.memory_space<hbm>>) target(%dma_start3A_305 : memref<64x128xf32, #tpu.memory_space<vmem>>) offsets(%dma_start3A_308 : memref<64xi32, #tpu.memory_space<vmem>>) semaphore(%arg15 : memref<!tpu.dma_semaphore, #tpu.memory_space<semaphore_mem>>)
    %dma_wait3A_312 = arith.constant 0 : i32
    %dma_wait3A_313 = arith.constant 0 : i32
    %dma_wait3A_314 = arith.constant 0 : i32
    %dma_wait3A_315 = tpu.memref_slice %arg9[%dma_wait3A_312, %dma_wait3A_313, %dma_wait3A_314] : memref<3x128x128xf32, #tpu.memory_space<vmem>> -> memref<1x64x128xf32, #tpu.memory_space<vmem>>
    %dma_wait3A_316 = tpu.memref_squeeze %dma_wait3A_315 : memref<1x64x128xf32, #tpu.memory_space<vmem>> -> memref<64x128xf32, #tpu.memory_space<vmem>>
    %dma_wait3A_317 = arith.constant 0 : i32
    %dma_wait3A_318 = arith.constant 0 : i32
    %dma_wait3A_319 = tpu.memref_slice %arg2[%dma_wait3A_317, %dma_wait3A_318] : memref<10112x128xf32, #tpu.memory_space<hbm>> -> memref<64x128xf32, #tpu.memory_space<hbm>>
    %dma_wait3A_320 = arith.constant 0 : i32
    %dma_wait3A_321 = arith.constant 0 : i32
    %dma_wait3A_322 = tpu.memref_slice %arg9[%dma_wait3A_312, %dma_wait3A_320, %dma_wait3A_321] : memref<3x128x128xf32, #tpu.memory_space<vmem>> -> memref<1x64x128xf32, #tpu.memory_space<vmem>>
    %dma_wait3A_323 = tpu.memref_squeeze %dma_wait3A_322 : memref<1x64x128xf32, #tpu.memory_space<vmem>> -> memref<64x128xf32, #tpu.memory_space<vmem>>
    %dma_wait3A_324 = arith.constant 0 : i32
    %dma_wait3A_325 = arith.constant 0 : i32
    %dma_wait3A_326 = tpu.memref_slice %arg2[%dma_wait3A_324, %dma_wait3A_325] : memref<10112x128xf32, #tpu.memory_space<hbm>> -> memref<64x128xf32, #tpu.memory_space<hbm>>
    tpu.wait_dma2 semaphore(%arg11 : memref<!tpu.dma_semaphore, #tpu.memory_space<semaphore_mem>>) src(%dma_wait3A_326 : memref<64x128xf32, #tpu.memory_space<hbm>>) dst(%dma_wait3A_323 : memref<64x128xf32, #tpu.memory_space<vmem>>)
    %dma_start3A_327 = arith.constant 0 : i32
    %dma_start3A_328 = arith.constant 0 : i32
    %dma_start3A_329 = arith.constant 0 : i32
    %dma_start3A_330 = arith.constant 0 : i32
    %dma_start3A_331 = tpu.memref_slice %arg9[%dma_start3A_328, %dma_start3A_329, %dma_start3A_330] : memref<3x128x128xf32, #tpu.memory_space<vmem>> -> memref<1x64x128xf32, #tpu.memory_space<vmem>>
    %dma_start3A_332 = tpu.memref_squeeze %dma_start3A_331 : memref<1x64x128xf32, #tpu.memory_space<vmem>> -> memref<64x128xf32, #tpu.memory_space<vmem>>
    %dma_start3A_333 = arith.constant 0 : i32
    %dma_start3A_334 = tpu.memref_slice %arg7[%dma_start3A_327, %dma_start3A_333] : memref<3x128xi32, #tpu.memory_space<vmem>> -> memref<1x64xi32, #tpu.memory_space<vmem>>
    %dma_start3A_335 = tpu.memref_squeeze %dma_start3A_334 : memref<1x64xi32, #tpu.memory_space<vmem>> -> memref<64xi32, #tpu.memory_space<vmem>>
    %dma_start3A_336 = arith.constant 0 : i32
    %dma_start3A_337 = arith.constant 0 : i32
    %dma_start3A_338 = tpu.memref_slice %arg2[%dma_start3A_336, %dma_start3A_337] : memref<10112x128xf32, #tpu.memory_space<hbm>> -> memref<10112x128xf32, #tpu.memory_space<hbm>>
    tpu.enqueue_indirect_dma source(%dma_start3A_338 : memref<10112x128xf32, #tpu.memory_space<hbm>>) target(%dma_start3A_332 : memref<64x128xf32, #tpu.memory_space<vmem>>) offsets(%dma_start3A_335 : memref<64xi32, #tpu.memory_space<vmem>>) semaphore(%arg11 : memref<!tpu.dma_semaphore, #tpu.memory_space<semaphore_mem>>) {add = true}
    %dma_wait3A_339 = arith.constant 0 : i32
    %dma_wait3A_340 = arith.constant 0 : i32
    %dma_wait3A_341 = arith.constant 0 : i32
    %dma_wait3A_342 = tpu.memref_slice %arg9[%dma_wait3A_339, %dma_wait3A_340, %dma_wait3A_341] : memref<3x128x128xf32, #tpu.memory_space<vmem>> -> memref<1x64x128xf32, #tpu.memory_space<vmem>>
    %dma_wait3A_343 = tpu.memref_squeeze %dma_wait3A_342 : memref<1x64x128xf32, #tpu.memory_space<vmem>> -> memref<64x128xf32, #tpu.memory_space<vmem>>
    %dma_wait3A_344 = arith.constant 0 : i32
    %dma_wait3A_345 = arith.constant 0 : i32
    %dma_wait3A_346 = tpu.memref_slice %arg2[%dma_wait3A_344, %dma_wait3A_345] : memref<10112x128xf32, #tpu.memory_space<hbm>> -> memref<64x128xf32, #tpu.memory_space<hbm>>
    %dma_wait3A_347 = arith.constant 0 : i32
    %dma_wait3A_348 = arith.constant 0 : i32
    %dma_wait3A_349 = tpu.memref_slice %arg9[%dma_wait3A_339, %dma_wait3A_347, %dma_wait3A_348] : memref<3x128x128xf32, #tpu.memory_space<vmem>> -> memref<1x64x128xf32, #tpu.memory_space<vmem>>
    %dma_wait3A_350 = tpu.memref_squeeze %dma_wait3A_349 : memref<1x64x128xf32, #tpu.memory_space<vmem>> -> memref<64x128xf32, #tpu.memory_space<vmem>>
    %dma_wait3A_351 = arith.constant 0 : i32
    %dma_wait3A_352 = arith.constant 0 : i32
    %dma_wait3A_353 = tpu.memref_slice %arg2[%dma_wait3A_351, %dma_wait3A_352] : memref<10112x128xf32, #tpu.memory_space<hbm>> -> memref<64x128xf32, #tpu.memory_space<hbm>>
    tpu.wait_dma2 semaphore(%arg14 : memref<!tpu.dma_semaphore, #tpu.memory_space<semaphore_mem>>) src(%dma_wait3A_353 : memref<64x128xf32, #tpu.memory_space<hbm>>) dst(%dma_wait3A_350 : memref<64x128xf32, #tpu.memory_space<vmem>>)
    %dma_start3A_354 = arith.constant 0 : i32
    %dma_start3A_355 = arith.constant 0 : i32
    %dma_start3A_356 = arith.constant 64 : i32
    %dma_start3A_357 = arith.constant 0 : i32
    %dma_start3A_358 = tpu.memref_slice %arg9[%dma_start3A_355, %dma_start3A_356, %dma_start3A_357] : memref<3x128x128xf32, #tpu.memory_space<vmem>> -> memref<1x64x128xf32, #tpu.memory_space<vmem>>
    %dma_start3A_359 = tpu.memref_squeeze %dma_start3A_358 : memref<1x64x128xf32, #tpu.memory_space<vmem>> -> memref<64x128xf32, #tpu.memory_space<vmem>>
    %dma_start3A_360 = arith.constant 64 : i32
    %dma_start3A_361 = tpu.memref_slice %arg7[%dma_start3A_354, %dma_start3A_360] : memref<3x128xi32, #tpu.memory_space<vmem>> -> memref<1x64xi32, #tpu.memory_space<vmem>>
    %dma_start3A_362 = tpu.memref_squeeze %dma_start3A_361 : memref<1x64xi32, #tpu.memory_space<vmem>> -> memref<64xi32, #tpu.memory_space<vmem>>
    %dma_start3A_363 = arith.constant 0 : i32
    %dma_start3A_364 = arith.constant 0 : i32
    %dma_start3A_365 = tpu.memref_slice %arg2[%dma_start3A_363, %dma_start3A_364] : memref<10112x128xf32, #tpu.memory_space<hbm>> -> memref<10112x128xf32, #tpu.memory_space<hbm>>
    tpu.enqueue_indirect_dma source(%dma_start3A_365 : memref<10112x128xf32, #tpu.memory_space<hbm>>) target(%dma_start3A_359 : memref<64x128xf32, #tpu.memory_space<vmem>>) offsets(%dma_start3A_362 : memref<64xi32, #tpu.memory_space<vmem>>) semaphore(%arg14 : memref<!tpu.dma_semaphore, #tpu.memory_space<semaphore_mem>>) {add = true}
    %dma_start3A_366 = arith.constant 2 : i32
    %dma_start3A_367 = arith.constant 0 : i32
    %dma_start3A_368 = arith.constant 0 : i32
    %dma_start3A_369 = tpu.memref_slice %arg9[%dma_start3A_366, %dma_start3A_367, %dma_start3A_368] : memref<3x128x128xf32, #tpu.memory_space<vmem>> -> memref<1x128x128xf32, #tpu.memory_space<vmem>>
    %dma_start3A_370 = tpu.memref_squeeze %dma_start3A_369 : memref<1x128x128xf32, #tpu.memory_space<vmem>> -> memref<128x128xf32, #tpu.memory_space<vmem>>
    %dma_start3A_371 = arith.constant 0 : i32
    %dma_start3A_372 = arith.constant 0 : i32
    %dma_start3A_373 = tpu.memref_slice %arg10[%dma_start3A_371, %dma_start3A_372] : memref<10112x128xf32, #tpu.memory_space<vmem_shared>> -> memref<128x128xf32, #tpu.memory_space<vmem_shared>>
    %dma_start3A_374 = arith.constant 0 : i32
    %dma_start3A_375 = arith.constant 0 : i32
    %dma_start3A_376 = tpu.memref_slice %arg9[%dma_start3A_366, %dma_start3A_374, %dma_start3A_375] : memref<3x128x128xf32, #tpu.memory_space<vmem>> -> memref<1x128x128xf32, #tpu.memory_space<vmem>>
    %dma_start3A_377 = tpu.memref_squeeze %dma_start3A_376 : memref<1x128x128xf32, #tpu.memory_space<vmem>> -> memref<128x128xf32, #tpu.memory_space<vmem>>
    %dma_start3A_378 = arith.constant 0 : i32
    %dma_start3A_379 = arith.constant 0 : i32
    %dma_start3A_380 = tpu.memref_slice %arg10[%dma_start3A_378, %dma_start3A_379] : memref<10112x128xf32, #tpu.memory_space<vmem_shared>> -> memref<128x128xf32, #tpu.memory_space<vmem_shared>>
    tpu.enqueue_dma source(%dma_start3A_380 : memref<128x128xf32, #tpu.memory_space<vmem_shared>>) target(%dma_start3A_377 : memref<128x128xf32, #tpu.memory_space<vmem>>) target_semaphore(%arg13 : memref<!tpu.dma_semaphore, #tpu.memory_space<semaphore_mem>>)
    %scan3A_381 = arith.constant 0 : i32
    %scan3A_382 = arith.constant 27 : i32
    %scan3A_383 = arith.addi %scan3A_381, %scan3A_382 : i32
    %scan3A_384 = arith.constant 1 : i32
    scf.for %scan3A_462 = %scan3A_381 to %scan3A_383 step %scan3A_384  : i32 {
      %mul3A_463 = arith.constant 1 : i32
      %mul3A_464 = arith.muli %scan3A_462, %mul3A_463 : i32
      %add3A_465 = arith.constant 0 : i32
      %add3A_466 = arith.addi %add3A_465, %mul3A_464 : i32
      %mul3A_467 = arith.constant 3 : i32
      %mul3A_468 = arith.muli %add3A_466, %mul3A_467 : i32
      %add3A_469 = arith.constant 0 : i32
      %add3A_470 = arith.addi %mul3A_468, %add3A_469 : i32
      %dma_wait3A_471 = arith.constant 0 : i32
      %dma_wait3A_472 = arith.constant 0 : i32
      %dma_wait3A_473 = arith.constant 0 : i32
      %dma_wait3A_474 = tpu.memref_slice %arg9[%dma_wait3A_471, %dma_wait3A_472, %dma_wait3A_473] : memref<3x128x128xf32, #tpu.memory_space<vmem>> -> memref<1x64x128xf32, #tpu.memory_space<vmem>>
      %dma_wait3A_475 = tpu.memref_squeeze %dma_wait3A_474 : memref<1x64x128xf32, #tpu.memory_space<vmem>> -> memref<64x128xf32, #tpu.memory_space<vmem>>
      %dma_wait3A_476 = arith.constant 0 : i32
      %dma_wait3A_477 = arith.constant 0 : i32
      %dma_wait3A_478 = tpu.memref_slice %arg2[%dma_wait3A_476, %dma_wait3A_477] : memref<10112x128xf32, #tpu.memory_space<hbm>> -> memref<64x128xf32, #tpu.memory_space<hbm>>
      %dma_wait3A_479 = arith.constant 0 : i32
      %dma_wait3A_480 = arith.constant 0 : i32
      %dma_wait3A_481 = tpu.memref_slice %arg9[%dma_wait3A_471, %dma_wait3A_479, %dma_wait3A_480] : memref<3x128x128xf32, #tpu.memory_space<vmem>> -> memref<1x64x128xf32, #tpu.memory_space<vmem>>
      %dma_wait3A_482 = tpu.memref_squeeze %dma_wait3A_481 : memref<1x64x128xf32, #tpu.memory_space<vmem>> -> memref<64x128xf32, #tpu.memory_space<vmem>>
      %dma_wait3A_483 = arith.constant 0 : i32
      %dma_wait3A_484 = arith.constant 0 : i32
      %dma_wait3A_485 = tpu.memref_slice %arg2[%dma_wait3A_483, %dma_wait3A_484] : memref<10112x128xf32, #tpu.memory_space<hbm>> -> memref<64x128xf32, #tpu.memory_space<hbm>>
      tpu.wait_dma2 semaphore(%arg11 : memref<!tpu.dma_semaphore, #tpu.memory_space<semaphore_mem>>) src(%dma_wait3A_485 : memref<64x128xf32, #tpu.memory_space<hbm>>) dst(%dma_wait3A_482 : memref<64x128xf32, #tpu.memory_space<vmem>>)
      %dma_wait3A_486 = arith.constant 0 : i32
      %dma_wait3A_487 = arith.constant 0 : i32
      %dma_wait3A_488 = arith.constant 0 : i32
      %dma_wait3A_489 = tpu.memref_slice %arg9[%dma_wait3A_486, %dma_wait3A_487, %dma_wait3A_488] : memref<3x128x128xf32, #tpu.memory_space<vmem>> -> memref<1x64x128xf32, #tpu.memory_space<vmem>>
      %dma_wait3A_490 = tpu.memref_squeeze %dma_wait3A_489 : memref<1x64x128xf32, #tpu.memory_space<vmem>> -> memref<64x128xf32, #tpu.memory_space<vmem>>
      %dma_wait3A_491 = arith.constant 0 : i32
      %dma_wait3A_492 = arith.constant 0 : i32
      %dma_wait3A_493 = tpu.memref_slice %arg2[%dma_wait3A_491, %dma_wait3A_492] : memref<10112x128xf32, #tpu.memory_space<hbm>> -> memref<64x128xf32, #tpu.memory_space<hbm>>
      %dma_wait3A_494 = arith.constant 0 : i32
      %dma_wait3A_495 = arith.constant 0 : i32
      %dma_wait3A_496 = tpu.memref_slice %arg9[%dma_wait3A_486, %dma_wait3A_494, %dma_wait3A_495] : memref<3x128x128xf32, #tpu.memory_space<vmem>> -> memref<1x64x128xf32, #tpu.memory_space<vmem>>
      %dma_wait3A_497 = tpu.memref_squeeze %dma_wait3A_496 : memref<1x64x128xf32, #tpu.memory_space<vmem>> -> memref<64x128xf32, #tpu.memory_space<vmem>>
      %dma_wait3A_498 = arith.constant 0 : i32
      %dma_wait3A_499 = arith.constant 0 : i32
      %dma_wait3A_500 = tpu.memref_slice %arg2[%dma_wait3A_498, %dma_wait3A_499] : memref<10112x128xf32, #tpu.memory_space<hbm>> -> memref<64x128xf32, #tpu.memory_space<hbm>>
      tpu.wait_dma2 semaphore(%arg14 : memref<!tpu.dma_semaphore, #tpu.memory_space<semaphore_mem>>) src(%dma_wait3A_500 : memref<64x128xf32, #tpu.memory_space<hbm>>) dst(%dma_wait3A_497 : memref<64x128xf32, #tpu.memory_space<vmem>>)
      %dma_wait3A_501 = arith.constant 2 : i32
      %dma_wait3A_502 = arith.constant 0 : i32
      %dma_wait3A_503 = arith.constant 0 : i32
      %dma_wait3A_504 = tpu.memref_slice %arg9[%dma_wait3A_501, %dma_wait3A_502, %dma_wait3A_503] : memref<3x128x128xf32, #tpu.memory_space<vmem>> -> memref<1x128x128xf32, #tpu.memory_space<vmem>>
      %dma_wait3A_505 = tpu.memref_squeeze %dma_wait3A_504 : memref<1x128x128xf32, #tpu.memory_space<vmem>> -> memref<128x128xf32, #tpu.memory_space<vmem>>
      %dma_wait3A_506 = arith.constant 0 : i32
      %dma_wait3A_507 = arith.constant 0 : i32
      %dma_wait3A_508 = tpu.memref_slice %arg10[%dma_wait3A_506, %dma_wait3A_507] : memref<10112x128xf32, #tpu.memory_space<vmem_shared>> -> memref<128x128xf32, #tpu.memory_space<vmem_shared>>
      %dma_wait3A_509 = arith.constant 0 : i32
      %dma_wait3A_510 = arith.constant 0 : i32
      %dma_wait3A_511 = tpu.memref_slice %arg10[%dma_wait3A_509, %dma_wait3A_510] : memref<10112x128xf32, #tpu.memory_space<vmem_shared>> -> memref<128x128xf32, #tpu.memory_space<vmem_shared>>
      %dma_wait3A_512 = arith.constant 0 : i32
      %dma_wait3A_513 = arith.constant 0 : i32
      %dma_wait3A_514 = tpu.memref_slice %arg9[%dma_wait3A_501, %dma_wait3A_512, %dma_wait3A_513] : memref<3x128x128xf32, #tpu.memory_space<vmem>> -> memref<1x128x128xf32, #tpu.memory_space<vmem>>
      %dma_wait3A_515 = tpu.memref_squeeze %dma_wait3A_514 : memref<1x128x128xf32, #tpu.memory_space<vmem>> -> memref<128x128xf32, #tpu.memory_space<vmem>>
      tpu.wait_dma2 semaphore(%arg13 : memref<!tpu.dma_semaphore, #tpu.memory_space<semaphore_mem>>) src(%dma_wait3A_515 : memref<128x128xf32, #tpu.memory_space<vmem>>) dst(%dma_wait3A_511 : memref<128x128xf32, #tpu.memory_space<vmem_shared>>)
      %add3A_516 = arith.constant 2 : i32
      %add3A_517 = arith.addi %add3A_470, %add3A_516 : i32
      %add3A_518 = arith.addi %mul3A_147, %add3A_517 : i32
      %dma_start3A_519 = arith.constant 2 : i32
      %dma_start3A_520 = arith.constant 0 : i32
      %dma_start3A_521 = tpu.memref_slice %arg7[%dma_start3A_519, %dma_start3A_520] : memref<3x128xi32, #tpu.memory_space<vmem>> -> memref<1x128xi32, #tpu.memory_space<vmem>>
      %dma_start3A_522 = tpu.memref_squeeze %dma_start3A_521 : memref<1x128xi32, #tpu.memory_space<vmem>> -> memref<128xi32, #tpu.memory_space<vmem>>
      %dma_start3A_523 = arith.constant 0 : i32
      %dma_start3A_524 = tpu.memref_slice %arg4[%add3A_518, %dma_start3A_523] : memref<2594x128xi32, #tpu.memory_space<hbm>> -> memref<1x128xi32, #tpu.memory_space<hbm>>
      %dma_start3A_525 = tpu.memref_squeeze %dma_start3A_524 : memref<1x128xi32, #tpu.memory_space<hbm>> -> memref<128xi32, #tpu.memory_space<hbm>>
      %dma_start3A_526 = arith.constant 0 : i32
      %dma_start3A_527 = tpu.memref_slice %arg7[%dma_start3A_519, %dma_start3A_526] : memref<3x128xi32, #tpu.memory_space<vmem>> -> memref<1x128xi32, #tpu.memory_space<vmem>>
      %dma_start3A_528 = tpu.memref_squeeze %dma_start3A_527 : memref<1x128xi32, #tpu.memory_space<vmem>> -> memref<128xi32, #tpu.memory_space<vmem>>
      %dma_start3A_529 = arith.constant 0 : i32
      %dma_start3A_530 = tpu.memref_slice %arg4[%add3A_518, %dma_start3A_529] : memref<2594x128xi32, #tpu.memory_space<hbm>> -> memref<1x128xi32, #tpu.memory_space<hbm>>
      %dma_start3A_531 = tpu.memref_squeeze %dma_start3A_530 : memref<1x128xi32, #tpu.memory_space<hbm>> -> memref<128xi32, #tpu.memory_space<hbm>>
      tpu.enqueue_dma source(%dma_start3A_531 : memref<128xi32, #tpu.memory_space<hbm>>) target(%dma_start3A_528 : memref<128xi32, #tpu.memory_space<vmem>>) target_semaphore(%arg16 : memref<!tpu.dma_semaphore, #tpu.memory_space<semaphore_mem>>)
      %add3A_532 = arith.addi %mul3A_147, %add3A_517 : i32
      %dma_start3A_533 = arith.constant 2 : i32
      %dma_start3A_534 = arith.constant 0 : i32
      %dma_start3A_535 = tpu.memref_slice %arg8[%dma_start3A_533, %dma_start3A_534] : memref<3x128xi32, #tpu.memory_space<vmem>> -> memref<1x128xi32, #tpu.memory_space<vmem>>
      %dma_start3A_536 = tpu.memref_squeeze %dma_start3A_535 : memref<1x128xi32, #tpu.memory_space<vmem>> -> memref<128xi32, #tpu.memory_space<vmem>>
      %dma_start3A_537 = arith.constant 0 : i32
      %dma_start3A_538 = tpu.memref_slice %arg5[%add3A_532, %dma_start3A_537] : memref<2594x128xi32, #tpu.memory_space<hbm>> -> memref<1x128xi32, #tpu.memory_space<hbm>>
      %dma_start3A_539 = tpu.memref_squeeze %dma_start3A_538 : memref<1x128xi32, #tpu.memory_space<hbm>> -> memref<128xi32, #tpu.memory_space<hbm>>
      %dma_start3A_540 = arith.constant 0 : i32
      %dma_start3A_541 = tpu.memref_slice %arg8[%dma_start3A_533, %dma_start3A_540] : memref<3x128xi32, #tpu.memory_space<vmem>> -> memref<1x128xi32, #tpu.memory_space<vmem>>
      %dma_start3A_542 = tpu.memref_squeeze %dma_start3A_541 : memref<1x128xi32, #tpu.memory_space<vmem>> -> memref<128xi32, #tpu.memory_space<vmem>>
      %dma_start3A_543 = arith.constant 0 : i32
      %dma_start3A_544 = tpu.memref_slice %arg5[%add3A_532, %dma_start3A_543] : memref<2594x128xi32, #tpu.memory_space<hbm>> -> memref<1x128xi32, #tpu.memory_space<hbm>>
      %dma_start3A_545 = tpu.memref_squeeze %dma_start3A_544 : memref<1x128xi32, #tpu.memory_space<hbm>> -> memref<128xi32, #tpu.memory_space<hbm>>
      tpu.enqueue_dma source(%dma_start3A_545 : memref<128xi32, #tpu.memory_space<hbm>>) target(%dma_start3A_542 : memref<128xi32, #tpu.memory_space<vmem>>) target_semaphore(%arg16 : memref<!tpu.dma_semaphore, #tpu.memory_space<semaphore_mem>>)
      %dma_wait3A_546 = arith.constant 1 : i32
      %dma_wait3A_547 = arith.constant 0 : i32
      %dma_wait3A_548 = arith.constant 0 : i32
      %dma_wait3A_549 = tpu.memref_slice %arg9[%dma_wait3A_546, %dma_wait3A_547, %dma_wait3A_548] : memref<3x128x128xf32, #tpu.memory_space<vmem>> -> memref<1x64x128xf32, #tpu.memory_space<vmem>>
      %dma_wait3A_550 = tpu.memref_squeeze %dma_wait3A_549 : memref<1x64x128xf32, #tpu.memory_space<vmem>> -> memref<64x128xf32, #tpu.memory_space<vmem>>
      %dma_wait3A_551 = arith.constant 0 : i32
      %dma_wait3A_552 = arith.constant 0 : i32
      %dma_wait3A_553 = tpu.memref_slice %arg2[%dma_wait3A_551, %dma_wait3A_552] : memref<10112x128xf32, #tpu.memory_space<hbm>> -> memref<64x128xf32, #tpu.memory_space<hbm>>
      %dma_wait3A_554 = arith.constant 0 : i32
      %dma_wait3A_555 = arith.constant 0 : i32
      %dma_wait3A_556 = tpu.memref_slice %arg9[%dma_wait3A_546, %dma_wait3A_554, %dma_wait3A_555] : memref<3x128x128xf32, #tpu.memory_space<vmem>> -> memref<1x64x128xf32, #tpu.memory_space<vmem>>
      %dma_wait3A_557 = tpu.memref_squeeze %dma_wait3A_556 : memref<1x64x128xf32, #tpu.memory_space<vmem>> -> memref<64x128xf32, #tpu.memory_space<vmem>>
      %dma_wait3A_558 = arith.constant 0 : i32
      %dma_wait3A_559 = arith.constant 0 : i32
      %dma_wait3A_560 = tpu.memref_slice %arg2[%dma_wait3A_558, %dma_wait3A_559] : memref<10112x128xf32, #tpu.memory_space<hbm>> -> memref<64x128xf32, #tpu.memory_space<hbm>>
      tpu.wait_dma2 semaphore(%arg12 : memref<!tpu.dma_semaphore, #tpu.memory_space<semaphore_mem>>) src(%dma_wait3A_560 : memref<64x128xf32, #tpu.memory_space<hbm>>) dst(%dma_wait3A_557 : memref<64x128xf32, #tpu.memory_space<vmem>>)
      %dma_start3A_561 = arith.constant 1 : i32
      %dma_start3A_562 = arith.constant 1 : i32
      %dma_start3A_563 = arith.constant 0 : i32
      %dma_start3A_564 = arith.constant 0 : i32
      %dma_start3A_565 = tpu.memref_slice %arg9[%dma_start3A_562, %dma_start3A_563, %dma_start3A_564] : memref<3x128x128xf32, #tpu.memory_space<vmem>> -> memref<1x64x128xf32, #tpu.memory_space<vmem>>
      %dma_start3A_566 = tpu.memref_squeeze %dma_start3A_565 : memref<1x64x128xf32, #tpu.memory_space<vmem>> -> memref<64x128xf32, #tpu.memory_space<vmem>>
      %dma_start3A_567 = arith.constant 0 : i32
      %dma_start3A_568 = tpu.memref_slice %arg7[%dma_start3A_561, %dma_start3A_567] : memref<3x128xi32, #tpu.memory_space<vmem>> -> memref<1x64xi32, #tpu.memory_space<vmem>>
      %dma_start3A_569 = tpu.memref_squeeze %dma_start3A_568 : memref<1x64xi32, #tpu.memory_space<vmem>> -> memref<64xi32, #tpu.memory_space<vmem>>
      %dma_start3A_570 = arith.constant 0 : i32
      %dma_start3A_571 = arith.constant 0 : i32
      %dma_start3A_572 = tpu.memref_slice %arg2[%dma_start3A_570, %dma_start3A_571] : memref<10112x128xf32, #tpu.memory_space<hbm>> -> memref<10112x128xf32, #tpu.memory_space<hbm>>
      tpu.enqueue_indirect_dma source(%dma_start3A_572 : memref<10112x128xf32, #tpu.memory_space<hbm>>) target(%dma_start3A_566 : memref<64x128xf32, #tpu.memory_space<vmem>>) offsets(%dma_start3A_569 : memref<64xi32, #tpu.memory_space<vmem>>) semaphore(%arg12 : memref<!tpu.dma_semaphore, #tpu.memory_space<semaphore_mem>>) {add = true}
      %dma_wait3A_573 = arith.constant 1 : i32
      %dma_wait3A_574 = arith.constant 0 : i32
      %dma_wait3A_575 = arith.constant 0 : i32
      %dma_wait3A_576 = tpu.memref_slice %arg9[%dma_wait3A_573, %dma_wait3A_574, %dma_wait3A_575] : memref<3x128x128xf32, #tpu.memory_space<vmem>> -> memref<1x64x128xf32, #tpu.memory_space<vmem>>
      %dma_wait3A_577 = tpu.memref_squeeze %dma_wait3A_576 : memref<1x64x128xf32, #tpu.memory_space<vmem>> -> memref<64x128xf32, #tpu.memory_space<vmem>>
      %dma_wait3A_578 = arith.constant 0 : i32
      %dma_wait3A_579 = arith.constant 0 : i32
      %dma_wait3A_580 = tpu.memref_slice %arg2[%dma_wait3A_578, %dma_wait3A_579] : memref<10112x128xf32, #tpu.memory_space<hbm>> -> memref<64x128xf32, #tpu.memory_space<hbm>>
      %dma_wait3A_581 = arith.constant 0 : i32
      %dma_wait3A_582 = arith.constant 0 : i32
      %dma_wait3A_583 = tpu.memref_slice %arg9[%dma_wait3A_573, %dma_wait3A_581, %dma_wait3A_582] : memref<3x128x128xf32, #tpu.memory_space<vmem>> -> memref<1x64x128xf32, #tpu.memory_space<vmem>>
      %dma_wait3A_584 = tpu.memref_squeeze %dma_wait3A_583 : memref<1x64x128xf32, #tpu.memory_space<vmem>> -> memref<64x128xf32, #tpu.memory_space<vmem>>
      %dma_wait3A_585 = arith.constant 0 : i32
      %dma_wait3A_586 = arith.constant 0 : i32
      %dma_wait3A_587 = tpu.memref_slice %arg2[%dma_wait3A_585, %dma_wait3A_586] : memref<10112x128xf32, #tpu.memory_space<hbm>> -> memref<64x128xf32, #tpu.memory_space<hbm>>
      tpu.wait_dma2 semaphore(%arg15 : memref<!tpu.dma_semaphore, #tpu.memory_space<semaphore_mem>>) src(%dma_wait3A_587 : memref<64x128xf32, #tpu.memory_space<hbm>>) dst(%dma_wait3A_584 : memref<64x128xf32, #tpu.memory_space<vmem>>)
      %dma_start3A_588 = arith.constant 1 : i32
      %dma_start3A_589 = arith.constant 1 : i32
      %dma_start3A_590 = arith.constant 64 : i32
      %dma_start3A_591 = arith.constant 0 : i32
      %dma_start3A_592 = tpu.memref_slice %arg9[%dma_start3A_589, %dma_start3A_590, %dma_start3A_591] : memref<3x128x128xf32, #tpu.memory_space<vmem>> -> memref<1x64x128xf32, #tpu.memory_space<vmem>>
      %dma_start3A_593 = tpu.memref_squeeze %dma_start3A_592 : memref<1x64x128xf32, #tpu.memory_space<vmem>> -> memref<64x128xf32, #tpu.memory_space<vmem>>
      %dma_start3A_594 = arith.constant 64 : i32
      %dma_start3A_595 = tpu.memref_slice %arg7[%dma_start3A_588, %dma_start3A_594] : memref<3x128xi32, #tpu.memory_space<vmem>> -> memref<1x64xi32, #tpu.memory_space<vmem>>
      %dma_start3A_596 = tpu.memref_squeeze %dma_start3A_595 : memref<1x64xi32, #tpu.memory_space<vmem>> -> memref<64xi32, #tpu.memory_space<vmem>>
      %dma_start3A_597 = arith.constant 0 : i32
      %dma_start3A_598 = arith.constant 0 : i32
      %dma_start3A_599 = tpu.memref_slice %arg2[%dma_start3A_597, %dma_start3A_598] : memref<10112x128xf32, #tpu.memory_space<hbm>> -> memref<10112x128xf32, #tpu.memory_space<hbm>>
      tpu.enqueue_indirect_dma source(%dma_start3A_599 : memref<10112x128xf32, #tpu.memory_space<hbm>>) target(%dma_start3A_593 : memref<64x128xf32, #tpu.memory_space<vmem>>) offsets(%dma_start3A_596 : memref<64xi32, #tpu.memory_space<vmem>>) semaphore(%arg15 : memref<!tpu.dma_semaphore, #tpu.memory_space<semaphore_mem>>) {add = true}
      %scan3A_600 = arith.constant 0 : i32
      %scan3A_601 = arith.constant 64 : i32
      %scan3A_602 = arith.addi %scan3A_600, %scan3A_601 : i32
      %scan3A_603 = arith.constant 1 : i32
      scf.for %scan3A_1069 = %scan3A_600 to %scan3A_602 step %scan3A_603  : i32 {
        %mul3A_1070 = arith.constant 2 : i32
        %mul3A_1071 = arith.muli %scan3A_1069, %mul3A_1070 : i32
        %add3A_1072 = arith.constant 0 : i32
        %add3A_1073 = arith.addi %add3A_1072, %mul3A_1071 : i32
        %add3A_1074 = arith.constant 0 : i32
        %add3A_1075 = arith.addi %add3A_1073, %add3A_1074 : i32
        %get3A = arith.constant 0 : i32
        %get3A_1076 = arith.index_cast %get3A : i32 to index
        %get3A_1077 = arith.index_cast %add3A_1075 : i32 to index
        %get3A_1078 = arith.constant 0 : index
        %get3A_1079 = tpu.vector_load %arg9[%get3A_1076, %get3A_1077, %get3A_1078] {strides = array<i32>} : memref<3x128x128xf32, #tpu.memory_space<vmem>>, vector<1x1x16xf32>,
        %get3A_1080 = vector.shape_cast %get3A_1079 : vector<1x1x16xf32> to vector<16xf32>
        %max3A = arith.constant 0.000000e+00 : f32
        %max3A_1081 = vector.broadcast %max3A : f32 to vector<16xf32>
        %max3A_1082 = arith.maximumf %get3A_1080, %max3A_1081 : vector<16xf32>
        %add3A_1083 = arith.constant 0 : i32
        %add3A_1084 = arith.addi %add3A_1073, %add3A_1083 : i32
        %swap3A = arith.constant 0 : i32
        %swap3A_1085 = arith.index_cast %swap3A : i32 to index
        %swap3A_1086 = arith.index_cast %add3A_1084 : i32 to index
        %swap3A_1087 = arith.constant 0 : index
        %swap3A_1088 = tpu.vector_load %arg9[%swap3A_1085, %swap3A_1086, %swap3A_1087] {strides = array<i32>} : memref<3x128x128xf32, #tpu.memory_space<vmem>>, vector<1x1x16xf32>,
        %swap3A_1089 = vector.shape_cast %swap3A_1088 : vector<1x1x16xf32> to vector<16xf32>
        %swap3A_1090 = vector.shape_cast %max3A_1082 : vector<16xf32> to vector<1x1x16xf32>
        tpu.vector_store %arg9[%swap3A_1085, %swap3A_1086, %swap3A_1087], %swap3A_1090 {strides = array<i32>} : memref<3x128x128xf32, #tpu.memory_space<vmem>>, vector<1x1x16xf32>,
        %add3A_1091 = arith.constant 0 : i32
        %add3A_1092 = arith.addi %add3A_1073, %add3A_1091 : i32
        %get3A_1093 = arith.constant 0 : i32
        %get3A_1094 = arith.index_cast %get3A_1093 : i32 to index
        %get3A_1095 = arith.index_cast %add3A_1092 : i32 to index
        %get3A_1096 = arith.constant 16 : index
        %get3A_1097 = tpu.vector_load %arg9[%get3A_1094, %get3A_1095, %get3A_1096] {strides = array<i32>} : memref<3x128x128xf32, #tpu.memory_space<vmem>>, vector<1x1x16xf32>,
        %get3A_1098 = vector.shape_cast %get3A_1097 : vector<1x1x16xf32> to vector<16xf32>
        %max3A_1099 = arith.constant 0.000000e+00 : f32
        %max3A_1100 = vector.broadcast %max3A_1099 : f32 to vector<16xf32>
        %max3A_1101 = arith.maximumf %get3A_1098, %max3A_1100 : vector<16xf32>
        %add3A_1102 = arith.constant 0 : i32
        %add3A_1103 = arith.addi %add3A_1073, %add3A_1102 : i32
        %swap3A_1104 = arith.constant 0 : i32
        %swap3A_1105 = arith.index_cast %swap3A_1104 : i32 to index
        %swap3A_1106 = arith.index_cast %add3A_1103 : i32 to index
        %swap3A_1107 = arith.constant 16 : index
        %swap3A_1108 = tpu.vector_load %arg9[%swap3A_1105, %swap3A_1106, %swap3A_1107] {strides = array<i32>} : memref<3x128x128xf32, #tpu.memory_space<vmem>>, vector<1x1x16xf32>,
        %swap3A_1109 = vector.shape_cast %swap3A_1108 : vector<1x1x16xf32> to vector<16xf32>
        %swap3A_1110 = vector.shape_cast %max3A_1101 : vector<16xf32> to vector<1x1x16xf32>
        tpu.vector_store %arg9[%swap3A_1105, %swap3A_1106, %swap3A_1107], %swap3A_1110 {strides = array<i32>} : memref<3x128x128xf32, #tpu.memory_space<vmem>>, vector<1x1x16xf32>,
        %add3A_1111 = arith.constant 0 : i32
        %add3A_1112 = arith.addi %add3A_1073, %add3A_1111 : i32
        %get3A_1113 = arith.constant 0 : i32
        %get3A_1114 = arith.index_cast %get3A_1113 : i32 to index
        %get3A_1115 = arith.index_cast %add3A_1112 : i32 to index
        %get3A_1116 = arith.constant 32 : index
        %get3A_1117 = tpu.vector_load %arg9[%get3A_1114, %get3A_1115, %get3A_1116] {strides = array<i32>} : memref<3x128x128xf32, #tpu.memory_space<vmem>>, vector<1x1x16xf32>,
        %get3A_1118 = vector.shape_cast %get3A_1117 : vector<1x1x16xf32> to vector<16xf32>
        %max3A_1119 = arith.constant 0.000000e+00 : f32
        %max3A_1120 = vector.broadcast %max3A_1119 : f32 to vector<16xf32>
        %max3A_1121 = arith.maximumf %get3A_1118, %max3A_1120 : vector<16xf32>
        %add3A_1122 = arith.constant 0 : i32
        %add3A_1123 = arith.addi %add3A_1073, %add3A_1122 : i32
        %swap3A_1124 = arith.constant 0 : i32
        %swap3A_1125 = arith.index_cast %swap3A_1124 : i32 to index
        %swap3A_1126 = arith.index_cast %add3A_1123 : i32 to index
        %swap3A_1127 = arith.constant 32 : index
        %swap3A_1128 = tpu.vector_load %arg9[%swap3A_1125, %swap3A_1126, %swap3A_1127] {strides = array<i32>} : memref<3x128x128xf32, #tpu.memory_space<vmem>>, vector<1x1x16xf32>,
        %swap3A_1129 = vector.shape_cast %swap3A_1128 : vector<1x1x16xf32> to vector<16xf32>
        %swap3A_1130 = vector.shape_cast %max3A_1121 : vector<16xf32> to vector<1x1x16xf32>
        tpu.vector_store %arg9[%swap3A_1125, %swap3A_1126, %swap3A_1127], %swap3A_1130 {strides = array<i32>} : memref<3x128x128xf32, #tpu.memory_space<vmem>>, vector<1x1x16xf32>,
        %add3A_1131 = arith.constant 0 : i32
        %add3A_1132 = arith.addi %add3A_1073, %add3A_1131 : i32
        %get3A_1133 = arith.constant 0 : i32
        %get3A_1134 = arith.index_cast %get3A_1133 : i32 to index
        %get3A_1135 = arith.index_cast %add3A_1132 : i32 to index
        %get3A_1136 = arith.constant 48 : index
        %get3A_1137 = tpu.vector_load %arg9[%get3A_1134, %get3A_1135, %get3A_1136] {strides = array<i32>} : memref<3x128x128xf32, #tpu.memory_space<vmem>>, vector<1x1x16xf32>,
        %get3A_1138 = vector.shape_cast %get3A_1137 : vector<1x1x16xf32> to vector<16xf32>
        %max3A_1139 = arith.constant 0.000000e+00 : f32
        %max3A_1140 = vector.broadcast %max3A_1139 : f32 to vector<16xf32>
        %max3A_1141 = arith.maximumf %get3A_1138, %max3A_1140 : vector<16xf32>
        %add3A_1142 = arith.constant 0 : i32
        %add3A_1143 = arith.addi %add3A_1073, %add3A_1142 : i32
        %swap3A_1144 = arith.constant 0 : i32
        %swap3A_1145 = arith.index_cast %swap3A_1144 : i32 to index
        %swap3A_1146 = arith.index_cast %add3A_1143 : i32 to index
        %swap3A_1147 = arith.constant 48 : index
        %swap3A_1148 = tpu.vector_load %arg9[%swap3A_1145, %swap3A_1146, %swap3A_1147] {strides = array<i32>} : memref<3x128x128xf32, #tpu.memory_space<vmem>>, vector<1x1x16xf32>,
        %swap3A_1149 = vector.shape_cast %swap3A_1148 : vector<1x1x16xf32> to vector<16xf32>
        %swap3A_1150 = vector.shape_cast %max3A_1141 : vector<16xf32> to vector<1x1x16xf32>
        tpu.vector_store %arg9[%swap3A_1145, %swap3A_1146, %swap3A_1147], %swap3A_1150 {strides = array<i32>} : memref<3x128x128xf32, #tpu.memory_space<vmem>>, vector<1x1x16xf32>,
        %add3A_1151 = arith.constant 0 : i32
        %add3A_1152 = arith.addi %add3A_1073, %add3A_1151 : i32
        %get3A_1153 = arith.constant 0 : i32
        %get3A_1154 = arith.index_cast %get3A_1153 : i32 to index
        %get3A_1155 = arith.index_cast %add3A_1152 : i32 to index
        %get3A_1156 = arith.constant 64 : index
        %get3A_1157 = tpu.vector_load %arg9[%get3A_1154, %get3A_1155, %get3A_1156] {strides = array<i32>} : memref<3x128x128xf32, #tpu.memory_space<vmem>>, vector<1x1x16xf32>,
        %get3A_1158 = vector.shape_cast %get3A_1157 : vector<1x1x16xf32> to vector<16xf32>
        %max3A_1159 = arith.constant 0.000000e+00 : f32
        %max3A_1160 = vector.broadcast %max3A_1159 : f32 to vector<16xf32>
        %max3A_1161 = arith.maximumf %get3A_1158, %max3A_1160 : vector<16xf32>
        %add3A_1162 = arith.constant 0 : i32
        %add3A_1163 = arith.addi %add3A_1073, %add3A_1162 : i32
        %swap3A_1164 = arith.constant 0 : i32
        %swap3A_1165 = arith.index_cast %swap3A_1164 : i32 to index
        %swap3A_1166 = arith.index_cast %add3A_1163 : i32 to index
        %swap3A_1167 = arith.constant 64 : index
        %swap3A_1168 = tpu.vector_load %arg9[%swap3A_1165, %swap3A_1166, %swap3A_1167] {strides = array<i32>} : memref<3x128x128xf32, #tpu.memory_space<vmem>>, vector<1x1x16xf32>,
        %swap3A_1169 = vector.shape_cast %swap3A_1168 : vector<1x1x16xf32> to vector<16xf32>
        %swap3A_1170 = vector.shape_cast %max3A_1161 : vector<16xf32> to vector<1x1x16xf32>
        tpu.vector_store %arg9[%swap3A_1165, %swap3A_1166, %swap3A_1167], %swap3A_1170 {strides = array<i32>} : memref<3x128x128xf32, #tpu.memory_space<vmem>>, vector<1x1x16xf32>,
        %add3A_1171 = arith.constant 0 : i32
        %add3A_1172 = arith.addi %add3A_1073, %add3A_1171 : i32
        %get3A_1173 = arith.constant 0 : i32
        %get3A_1174 = arith.index_cast %get3A_1173 : i32 to index
        %get3A_1175 = arith.index_cast %add3A_1172 : i32 to index
        %get3A_1176 = arith.constant 80 : index
        %get3A_1177 = tpu.vector_load %arg9[%get3A_1174, %get3A_1175, %get3A_1176] {strides = array<i32>} : memref<3x128x128xf32, #tpu.memory_space<vmem>>, vector<1x1x16xf32>,
        %get3A_1178 = vector.shape_cast %get3A_1177 : vector<1x1x16xf32> to vector<16xf32>
        %max3A_1179 = arith.constant 0.000000e+00 : f32
        %max3A_1180 = vector.broadcast %max3A_1179 : f32 to vector<16xf32>
        %max3A_1181 = arith.maximumf %get3A_1178, %max3A_1180 : vector<16xf32>
        %add3A_1182 = arith.constant 0 : i32
        %add3A_1183 = arith.addi %add3A_1073, %add3A_1182 : i32
        %swap3A_1184 = arith.constant 0 : i32
        %swap3A_1185 = arith.index_cast %swap3A_1184 : i32 to index
        %swap3A_1186 = arith.index_cast %add3A_1183 : i32 to index
        %swap3A_1187 = arith.constant 80 : index
        %swap3A_1188 = tpu.vector_load %arg9[%swap3A_1185, %swap3A_1186, %swap3A_1187] {strides = array<i32>} : memref<3x128x128xf32, #tpu.memory_space<vmem>>, vector<1x1x16xf32>,
        %swap3A_1189 = vector.shape_cast %swap3A_1188 : vector<1x1x16xf32> to vector<16xf32>
        %swap3A_1190 = vector.shape_cast %max3A_1181 : vector<16xf32> to vector<1x1x16xf32>
        tpu.vector_store %arg9[%swap3A_1185, %swap3A_1186, %swap3A_1187], %swap3A_1190 {strides = array<i32>} : memref<3x128x128xf32, #tpu.memory_space<vmem>>, vector<1x1x16xf32>,
        %add3A_1191 = arith.constant 0 : i32
        %add3A_1192 = arith.addi %add3A_1073, %add3A_1191 : i32
        %get3A_1193 = arith.constant 0 : i32
        %get3A_1194 = arith.index_cast %get3A_1193 : i32 to index
        %get3A_1195 = arith.index_cast %add3A_1192 : i32 to index
        %get3A_1196 = arith.constant 96 : index
        %get3A_1197 = tpu.vector_load %arg9[%get3A_1194, %get3A_1195, %get3A_1196] {strides = array<i32>} : memref<3x128x128xf32, #tpu.memory_space<vmem>>, vector<1x1x16xf32>,
        %get3A_1198 = vector.shape_cast %get3A_1197 : vector<1x1x16xf32> to vector<16xf32>
        %max3A_1199 = arith.constant 0.000000e+00 : f32
        %max3A_1200 = vector.broadcast %max3A_1199 : f32 to vector<16xf32>
        %max3A_1201 = arith.maximumf %get3A_1198, %max3A_1200 : vector<16xf32>
        %add3A_1202 = arith.constant 0 : i32
        %add3A_1203 = arith.addi %add3A_1073, %add3A_1202 : i32
        %swap3A_1204 = arith.constant 0 : i32
        %swap3A_1205 = arith.index_cast %swap3A_1204 : i32 to index
        %swap3A_1206 = arith.index_cast %add3A_1203 : i32 to index
        %swap3A_1207 = arith.constant 96 : index
        %swap3A_1208 = tpu.vector_load %arg9[%swap3A_1205, %swap3A_1206, %swap3A_1207] {strides = array<i32>} : memref<3x128x128xf32, #tpu.memory_space<vmem>>, vector<1x1x16xf32>,
        %swap3A_1209 = vector.shape_cast %swap3A_1208 : vector<1x1x16xf32> to vector<16xf32>
        %swap3A_1210 = vector.shape_cast %max3A_1201 : vector<16xf32> to vector<1x1x16xf32>
        tpu.vector_store %arg9[%swap3A_1205, %swap3A_1206, %swap3A_1207], %swap3A_1210 {strides = array<i32>} : memref<3x128x128xf32, #tpu.memory_space<vmem>>, vector<1x1x16xf32>,
        %add3A_1211 = arith.constant 0 : i32
        %add3A_1212 = arith.addi %add3A_1073, %add3A_1211 : i32
        %get3A_1213 = arith.constant 0 : i32
        %get3A_1214 = arith.index_cast %get3A_1213 : i32 to index
        %get3A_1215 = arith.index_cast %add3A_1212 : i32 to index
        %get3A_1216 = arith.constant 112 : index
        %get3A_1217 = tpu.vector_load %arg9[%get3A_1214, %get3A_1215, %get3A_1216] {strides = array<i32>} : memref<3x128x128xf32, #tpu.memory_space<vmem>>, vector<1x1x16xf32>,
        %get3A_1218 = vector.shape_cast %get3A_1217 : vector<1x1x16xf32> to vector<16xf32>
        %max3A_1219 = arith.constant 0.000000e+00 : f32
        %max3A_1220 = vector.broadcast %max3A_1219 : f32 to vector<16xf32>
        %max3A_1221 = arith.maximumf %get3A_1218, %max3A_1220 : vector<16xf32>
        %add3A_1222 = arith.constant 0 : i32
        %add3A_1223 = arith.addi %add3A_1073, %add3A_1222 : i32
        %swap3A_1224 = arith.constant 0 : i32
        %swap3A_1225 = arith.index_cast %swap3A_1224 : i32 to index
        %swap3A_1226 = arith.index_cast %add3A_1223 : i32 to index
        %swap3A_1227 = arith.constant 112 : index
        %swap3A_1228 = tpu.vector_load %arg9[%swap3A_1225, %swap3A_1226, %swap3A_1227] {strides = array<i32>} : memref<3x128x128xf32, #tpu.memory_space<vmem>>, vector<1x1x16xf32>,
        %swap3A_1229 = vector.shape_cast %swap3A_1228 : vector<1x1x16xf32> to vector<16xf32>
        %swap3A_1230 = vector.shape_cast %max3A_1221 : vector<16xf32> to vector<1x1x16xf32>
        tpu.vector_store %arg9[%swap3A_1225, %swap3A_1226, %swap3A_1227], %swap3A_1230 {strides = array<i32>} : memref<3x128x128xf32, #tpu.memory_space<vmem>>, vector<1x1x16xf32>,
        %add3A_1231 = arith.constant 1 : i32
        %add3A_1232 = arith.addi %add3A_1073, %add3A_1231 : i32
        %get3A_1233 = arith.constant 0 : i32
        %get3A_1234 = arith.index_cast %get3A_1233 : i32 to index
        %get3A_1235 = arith.index_cast %add3A_1232 : i32 to index
        %get3A_1236 = arith.constant 0 : index
        %get3A_1237 = tpu.vector_load %arg9[%get3A_1234, %get3A_1235, %get3A_1236] {strides = array<i32>} : memref<3x128x128xf32, #tpu.memory_space<vmem>>, vector<1x1x16xf32>,
        %get3A_1238 = vector.shape_cast %get3A_1237 : vector<1x1x16xf32> to vector<16xf32>
        %max3A_1239 = arith.constant 0.000000e+00 : f32
        %max3A_1240 = vector.broadcast %max3A_1239 : f32 to vector<16xf32>
        %max3A_1241 = arith.maximumf %get3A_1238, %max3A_1240 : vector<16xf32>
        %add3A_1242 = arith.constant 1 : i32
        %add3A_1243 = arith.addi %add3A_1073, %add3A_1242 : i32
        %swap3A_1244 = arith.constant 0 : i32
        %swap3A_1245 = arith.index_cast %swap3A_1244 : i32 to index
        %swap3A_1246 = arith.index_cast %add3A_1243 : i32 to index
        %swap3A_1247 = arith.constant 0 : index
        %swap3A_1248 = tpu.vector_load %arg9[%swap3A_1245, %swap3A_1246, %swap3A_1247] {strides = array<i32>} : memref<3x128x128xf32, #tpu.memory_space<vmem>>, vector<1x1x16xf32>,
        %swap3A_1249 = vector.shape_cast %swap3A_1248 : vector<1x1x16xf32> to vector<16xf32>
        %swap3A_1250 = vector.shape_cast %max3A_1241 : vector<16xf32> to vector<1x1x16xf32>
        tpu.vector_store %arg9[%swap3A_1245, %swap3A_1246, %swap3A_1247], %swap3A_1250 {strides = array<i32>} : memref<3x128x128xf32, #tpu.memory_space<vmem>>, vector<1x1x16xf32>,
        %add3A_1251 = arith.constant 1 : i32
        %add3A_1252 = arith.addi %add3A_1073, %add3A_1251 : i32
        %get3A_1253 = arith.constant 0 : i32
        %get3A_1254 = arith.index_cast %get3A_1253 : i32 to index
        %get3A_1255 = arith.index_cast %add3A_1252 : i32 to index
        %get3A_1256 = arith.constant 16 : index
        %get3A_1257 = tpu.vector_load %arg9[%get3A_1254, %get3A_1255, %get3A_1256] {strides = array<i32>} : memref<3x128x128xf32, #tpu.memory_space<vmem>>, vector<1x1x16xf32>,
        %get3A_1258 = vector.shape_cast %get3A_1257 : vector<1x1x16xf32> to vector<16xf32>
        %max3A_1259 = arith.constant 0.000000e+00 : f32
        %max3A_1260 = vector.broadcast %max3A_1259 : f32 to vector<16xf32>
        %max3A_1261 = arith.maximumf %get3A_1258, %max3A_1260 : vector<16xf32>
        %add3A_1262 = arith.constant 1 : i32
        %add3A_1263 = arith.addi %add3A_1073, %add3A_1262 : i32
        %swap3A_1264 = arith.constant 0 : i32
        %swap3A_1265 = arith.index_cast %swap3A_1264 : i32 to index
        %swap3A_1266 = arith.index_cast %add3A_1263 : i32 to index
        %swap3A_1267 = arith.constant 16 : index
        %swap3A_1268 = tpu.vector_load %arg9[%swap3A_1265, %swap3A_1266, %swap3A_1267] {strides = array<i32>} : memref<3x128x128xf32, #tpu.memory_space<vmem>>, vector<1x1x16xf32>,
        %swap3A_1269 = vector.shape_cast %swap3A_1268 : vector<1x1x16xf32> to vector<16xf32>
        %swap3A_1270 = vector.shape_cast %max3A_1261 : vector<16xf32> to vector<1x1x16xf32>
        tpu.vector_store %arg9[%swap3A_1265, %swap3A_1266, %swap3A_1267], %swap3A_1270 {strides = array<i32>} : memref<3x128x128xf32, #tpu.memory_space<vmem>>, vector<1x1x16xf32>,
        %add3A_1271 = arith.constant 1 : i32
        %add3A_1272 = arith.addi %add3A_1073, %add3A_1271 : i32
        %get3A_1273 = arith.constant 0 : i32
        %get3A_1274 = arith.index_cast %get3A_1273 : i32 to index
        %get3A_1275 = arith.index_cast %add3A_1272 : i32 to index
        %get3A_1276 = arith.constant 32 : index
        %get3A_1277 = tpu.vector_load %arg9[%get3A_1274, %get3A_1275, %get3A_1276] {strides = array<i32>} : memref<3x128x128xf32, #tpu.memory_space<vmem>>, vector<1x1x16xf32>,
        %get3A_1278 = vector.shape_cast %get3A_1277 : vector<1x1x16xf32> to vector<16xf32>
        %max3A_1279 = arith.constant 0.000000e+00 : f32
        %max3A_1280 = vector.broadcast %max3A_1279 : f32 to vector<16xf32>
        %max3A_1281 = arith.maximumf %get3A_1278, %max3A_1280 : vector<16xf32>
        %add3A_1282 = arith.constant 1 : i32
        %add3A_1283 = arith.addi %add3A_1073, %add3A_1282 : i32
        %swap3A_1284 = arith.constant 0 : i32
        %swap3A_1285 = arith.index_cast %swap3A_1284 : i32 to index
        %swap3A_1286 = arith.index_cast %add3A_1283 : i32 to index
        %swap3A_1287 = arith.constant 32 : index
        %swap3A_1288 = tpu.vector_load %arg9[%swap3A_1285, %swap3A_1286, %swap3A_1287] {strides = array<i32>} : memref<3x128x128xf32, #tpu.memory_space<vmem>>, vector<1x1x16xf32>,
        %swap3A_1289 = vector.shape_cast %swap3A_1288 : vector<1x1x16xf32> to vector<16xf32>
        %swap3A_1290 = vector.shape_cast %max3A_1281 : vector<16xf32> to vector<1x1x16xf32>
        tpu.vector_store %arg9[%swap3A_1285, %swap3A_1286, %swap3A_1287], %swap3A_1290 {strides = array<i32>} : memref<3x128x128xf32, #tpu.memory_space<vmem>>, vector<1x1x16xf32>,
        %add3A_1291 = arith.constant 1 : i32
        %add3A_1292 = arith.addi %add3A_1073, %add3A_1291 : i32
        %get3A_1293 = arith.constant 0 : i32
        %get3A_1294 = arith.index_cast %get3A_1293 : i32 to index
        %get3A_1295 = arith.index_cast %add3A_1292 : i32 to index
        %get3A_1296 = arith.constant 48 : index
        %get3A_1297 = tpu.vector_load %arg9[%get3A_1294, %get3A_1295, %get3A_1296] {strides = array<i32>} : memref<3x128x128xf32, #tpu.memory_space<vmem>>, vector<1x1x16xf32>,
        %get3A_1298 = vector.shape_cast %get3A_1297 : vector<1x1x16xf32> to vector<16xf32>
        %max3A_1299 = arith.constant 0.000000e+00 : f32
        %max3A_1300 = vector.broadcast %max3A_1299 : f32 to vector<16xf32>
        %max3A_1301 = arith.maximumf %get3A_1298, %max3A_1300 : vector<16xf32>
        %add3A_1302 = arith.constant 1 : i32
        %add3A_1303 = arith.addi %add3A_1073, %add3A_1302 : i32
        %swap3A_1304 = arith.constant 0 : i32
        %swap3A_1305 = arith.index_cast %swap3A_1304 : i32 to index
        %swap3A_1306 = arith.index_cast %add3A_1303 : i32 to index
        %swap3A_1307 = arith.constant 48 : index
        %swap3A_1308 = tpu.vector_load %arg9[%swap3A_1305, %swap3A_1306, %swap3A_1307] {strides = array<i32>} : memref<3x128x128xf32, #tpu.memory_space<vmem>>, vector<1x1x16xf32>,
        %swap3A_1309 = vector.shape_cast %swap3A_1308 : vector<1x1x16xf32> to vector<16xf32>
        %swap3A_1310 = vector.shape_cast %max3A_1301 : vector<16xf32> to vector<1x1x16xf32>
        tpu.vector_store %arg9[%swap3A_1305, %swap3A_1306, %swap3A_1307], %swap3A_1310 {strides = array<i32>} : memref<3x128x128xf32, #tpu.memory_space<vmem>>, vector<1x1x16xf32>,
        %add3A_1311 = arith.constant 1 : i32
        %add3A_1312 = arith.addi %add3A_1073, %add3A_1311 : i32
        %get3A_1313 = arith.constant 0 : i32
        %get3A_1314 = arith.index_cast %get3A_1313 : i32 to index
        %get3A_1315 = arith.index_cast %add3A_1312 : i32 to index
        %get3A_1316 = arith.constant 64 : index
        %get3A_1317 = tpu.vector_load %arg9[%get3A_1314, %get3A_1315, %get3A_1316] {strides = array<i32>} : memref<3x128x128xf32, #tpu.memory_space<vmem>>, vector<1x1x16xf32>,
        %get3A_1318 = vector.shape_cast %get3A_1317 : vector<1x1x16xf32> to vector<16xf32>
        %max3A_1319 = arith.constant 0.000000e+00 : f32
        %max3A_1320 = vector.broadcast %max3A_1319 : f32 to vector<16xf32>
        %max3A_1321 = arith.maximumf %get3A_1318, %max3A_1320 : vector<16xf32>
        %add3A_1322 = arith.constant 1 : i32
        %add3A_1323 = arith.addi %add3A_1073, %add3A_1322 : i32
        %swap3A_1324 = arith.constant 0 : i32
        %swap3A_1325 = arith.index_cast %swap3A_1324 : i32 to index
        %swap3A_1326 = arith.index_cast %add3A_1323 : i32 to index
        %swap3A_1327 = arith.constant 64 : index
        %swap3A_1328 = tpu.vector_load %arg9[%swap3A_1325, %swap3A_1326, %swap3A_1327] {strides = array<i32>} : memref<3x128x128xf32, #tpu.memory_space<vmem>>, vector<1x1x16xf32>,
        %swap3A_1329 = vector.shape_cast %swap3A_1328 : vector<1x1x16xf32> to vector<16xf32>
        %swap3A_1330 = vector.shape_cast %max3A_1321 : vector<16xf32> to vector<1x1x16xf32>
        tpu.vector_store %arg9[%swap3A_1325, %swap3A_1326, %swap3A_1327], %swap3A_1330 {strides = array<i32>} : memref<3x128x128xf32, #tpu.memory_space<vmem>>, vector<1x1x16xf32>,
        %add3A_1331 = arith.constant 1 : i32
        %add3A_1332 = arith.addi %add3A_1073, %add3A_1331 : i32
        %get3A_1333 = arith.constant 0 : i32
        %get3A_1334 = arith.index_cast %get3A_1333 : i32 to index
        %get3A_1335 = arith.index_cast %add3A_1332 : i32 to index
        %get3A_1336 = arith.constant 80 : index
        %get3A_1337 = tpu.vector_load %arg9[%get3A_1334, %get3A_1335, %get3A_1336] {strides = array<i32>} : memref<3x128x128xf32, #tpu.memory_space<vmem>>, vector<1x1x16xf32>,
        %get3A_1338 = vector.shape_cast %get3A_1337 : vector<1x1x16xf32> to vector<16xf32>
        %max3A_1339 = arith.constant 0.000000e+00 : f32
        %max3A_1340 = vector.broadcast %max3A_1339 : f32 to vector<16xf32>
        %max3A_1341 = arith.maximumf %get3A_1338, %max3A_1340 : vector<16xf32>
        %add3A_1342 = arith.constant 1 : i32
        %add3A_1343 = arith.addi %add3A_1073, %add3A_1342 : i32
        %swap3A_1344 = arith.constant 0 : i32
        %swap3A_1345 = arith.index_cast %swap3A_1344 : i32 to index
        %swap3A_1346 = arith.index_cast %add3A_1343 : i32 to index
        %swap3A_1347 = arith.constant 80 : index
        %swap3A_1348 = tpu.vector_load %arg9[%swap3A_1345, %swap3A_1346, %swap3A_1347] {strides = array<i32>} : memref<3x128x128xf32, #tpu.memory_space<vmem>>, vector<1x1x16xf32>,
        %swap3A_1349 = vector.shape_cast %swap3A_1348 : vector<1x1x16xf32> to vector<16xf32>
        %swap3A_1350 = vector.shape_cast %max3A_1341 : vector<16xf32> to vector<1x1x16xf32>
        tpu.vector_store %arg9[%swap3A_1345, %swap3A_1346, %swap3A_1347], %swap3A_1350 {strides = array<i32>} : memref<3x128x128xf32, #tpu.memory_space<vmem>>, vector<1x1x16xf32>,
        %add3A_1351 = arith.constant 1 : i32
        %add3A_1352 = arith.addi %add3A_1073, %add3A_1351 : i32
        %get3A_1353 = arith.constant 0 : i32
        %get3A_1354 = arith.index_cast %get3A_1353 : i32 to index
        %get3A_1355 = arith.index_cast %add3A_1352 : i32 to index
        %get3A_1356 = arith.constant 96 : index
        %get3A_1357 = tpu.vector_load %arg9[%get3A_1354, %get3A_1355, %get3A_1356] {strides = array<i32>} : memref<3x128x128xf32, #tpu.memory_space<vmem>>, vector<1x1x16xf32>,
        %get3A_1358 = vector.shape_cast %get3A_1357 : vector<1x1x16xf32> to vector<16xf32>
        %max3A_1359 = arith.constant 0.000000e+00 : f32
        %max3A_1360 = vector.broadcast %max3A_1359 : f32 to vector<16xf32>
        %max3A_1361 = arith.maximumf %get3A_1358, %max3A_1360 : vector<16xf32>
        %add3A_1362 = arith.constant 1 : i32
        %add3A_1363 = arith.addi %add3A_1073, %add3A_1362 : i32
        %swap3A_1364 = arith.constant 0 : i32
        %swap3A_1365 = arith.index_cast %swap3A_1364 : i32 to index
        %swap3A_1366 = arith.index_cast %add3A_1363 : i32 to index
        %swap3A_1367 = arith.constant 96 : index
        %swap3A_1368 = tpu.vector_load %arg9[%swap3A_1365, %swap3A_1366, %swap3A_1367] {strides = array<i32>} : memref<3x128x128xf32, #tpu.memory_space<vmem>>, vector<1x1x16xf32>,
        %swap3A_1369 = vector.shape_cast %swap3A_1368 : vector<1x1x16xf32> to vector<16xf32>
        %swap3A_1370 = vector.shape_cast %max3A_1361 : vector<16xf32> to vector<1x1x16xf32>
        tpu.vector_store %arg9[%swap3A_1365, %swap3A_1366, %swap3A_1367], %swap3A_1370 {strides = array<i32>} : memref<3x128x128xf32, #tpu.memory_space<vmem>>, vector<1x1x16xf32>,
        %add3A_1371 = arith.constant 1 : i32
        %add3A_1372 = arith.addi %add3A_1073, %add3A_1371 : i32
        %get3A_1373 = arith.constant 0 : i32
        %get3A_1374 = arith.index_cast %get3A_1373 : i32 to index
        %get3A_1375 = arith.index_cast %add3A_1372 : i32 to index
        %get3A_1376 = arith.constant 112 : index
        %get3A_1377 = tpu.vector_load %arg9[%get3A_1374, %get3A_1375, %get3A_1376] {strides = array<i32>} : memref<3x128x128xf32, #tpu.memory_space<vmem>>, vector<1x1x16xf32>,
        %get3A_1378 = vector.shape_cast %get3A_1377 : vector<1x1x16xf32> to vector<16xf32>
        %max3A_1379 = arith.constant 0.000000e+00 : f32
        %max3A_1380 = vector.broadcast %max3A_1379 : f32 to vector<16xf32>
        %max3A_1381 = arith.maximumf %get3A_1378, %max3A_1380 : vector<16xf32>
        %add3A_1382 = arith.constant 1 : i32
        %add3A_1383 = arith.addi %add3A_1073, %add3A_1382 : i32
        %swap3A_1384 = arith.constant 0 : i32
        %swap3A_1385 = arith.index_cast %swap3A_1384 : i32 to index
        %swap3A_1386 = arith.index_cast %add3A_1383 : i32 to index
        %swap3A_1387 = arith.constant 112 : index
        %swap3A_1388 = tpu.vector_load %arg9[%swap3A_1385, %swap3A_1386, %swap3A_1387] {strides = array<i32>} : memref<3x128x128xf32, #tpu.memory_space<vmem>>, vector<1x1x16xf32>,
        %swap3A_1389 = vector.shape_cast %swap3A_1388 : vector<1x1x16xf32> to vector<16xf32>
        %swap3A_1390 = vector.shape_cast %max3A_1381 : vector<16xf32> to vector<1x1x16xf32>
        tpu.vector_store %arg9[%swap3A_1385, %swap3A_1386, %swap3A_1387], %swap3A_1390 {strides = array<i32>} : memref<3x128x128xf32, #tpu.memory_space<vmem>>, vector<1x1x16xf32>,
      }
      %scan3A_604 = arith.constant 64 : i32
      %dma_start3A_605 = arith.constant 0 : i32
      %dma_start3A_606 = arith.constant 0 : i32
      %dma_start3A_607 = arith.constant 0 : i32
      %dma_start3A_608 = arith.constant 0 : i32
      %dma_start3A_609 = tpu.memref_slice %arg9[%dma_start3A_605, %dma_start3A_607, %dma_start3A_608] : memref<3x128x128xf32, #tpu.memory_space<vmem>> -> memref<1x128x128xf32, #tpu.memory_space<vmem>>
      %dma_start3A_610 = tpu.memref_squeeze %dma_start3A_609 : memref<1x128x128xf32, #tpu.memory_space<vmem>> -> memref<128x128xf32, #tpu.memory_space<vmem>>
      %dma_start3A_611 = arith.constant 0 : i32
      %dma_start3A_612 = tpu.memref_slice %arg8[%dma_start3A_606, %dma_start3A_611] : memref<3x128xi32, #tpu.memory_space<vmem>> -> memref<1x128xi32, #tpu.memory_space<vmem>>
      %dma_start3A_613 = tpu.memref_squeeze %dma_start3A_612 : memref<1x128xi32, #tpu.memory_space<vmem>> -> memref<128xi32, #tpu.memory_space<vmem>>
      %dma_start3A_614 = arith.constant 0 : i32
      %dma_start3A_615 = arith.constant 0 : i32
      %dma_start3A_616 = tpu.memref_slice %arg10[%dma_start3A_614, %dma_start3A_615] : memref<10112x128xf32, #tpu.memory_space<vmem_shared>> -> memref<10112x128xf32, #tpu.memory_space<vmem_shared>>
      tpu.enqueue_indirect_dma source(%dma_start3A_610 : memref<128x128xf32, #tpu.memory_space<vmem>>) target(%dma_start3A_616 : memref<10112x128xf32, #tpu.memory_space<vmem_shared>>) offsets(%dma_start3A_613 : memref<128xi32, #tpu.memory_space<vmem>>) semaphore(%arg11 : memref<!tpu.dma_semaphore, #tpu.memory_space<semaphore_mem>>) {add = true}
      %dma_wait3A_617 = arith.constant 0 : i32
      %dma_wait3A_618 = arith.constant 2 : i32
      %dma_wait3A_619 = arith.constant 0 : i32
      %dma_wait3A_620 = tpu.memref_slice %arg7[%dma_wait3A_618, %dma_wait3A_619] : memref<3x128xi32, #tpu.memory_space<vmem>> -> memref<1x128xi32, #tpu.memory_space<vmem>>
      %dma_wait3A_621 = tpu.memref_squeeze %dma_wait3A_620 : memref<1x128xi32, #tpu.memory_space<vmem>> -> memref<128xi32, #tpu.memory_space<vmem>>
      %dma_wait3A_622 = arith.constant 0 : i32
      %dma_wait3A_623 = tpu.memref_slice %arg4[%dma_wait3A_617, %dma_wait3A_622] : memref<2594x128xi32, #tpu.memory_space<hbm>> -> memref<1x128xi32, #tpu.memory_space<hbm>>
      %dma_wait3A_624 = tpu.memref_squeeze %dma_wait3A_623 : memref<1x128xi32, #tpu.memory_space<hbm>> -> memref<128xi32, #tpu.memory_space<hbm>>
      %dma_wait3A_625 = arith.constant 0 : i32
      %dma_wait3A_626 = tpu.memref_slice %arg7[%dma_wait3A_618, %dma_wait3A_625] : memref<3x128xi32, #tpu.memory_space<vmem>> -> memref<1x128xi32, #tpu.memory_space<vmem>>
      %dma_wait3A_627 = tpu.memref_squeeze %dma_wait3A_626 : memref<1x128xi32, #tpu.memory_space<vmem>> -> memref<128xi32, #tpu.memory_space<vmem>>
      %dma_wait3A_628 = arith.constant 0 : i32
      %dma_wait3A_629 = tpu.memref_slice %arg4[%dma_wait3A_617, %dma_wait3A_628] : memref<2594x128xi32, #tpu.memory_space<hbm>> -> memref<1x128xi32, #tpu.memory_space<hbm>>
      %dma_wait3A_630 = tpu.memref_squeeze %dma_wait3A_629 : memref<1x128xi32, #tpu.memory_space<hbm>> -> memref<128xi32, #tpu.memory_space<hbm>>
      tpu.wait_dma2 semaphore(%arg16 : memref<!tpu.dma_semaphore, #tpu.memory_space<semaphore_mem>>) src(%dma_wait3A_630 : memref<128xi32, #tpu.memory_space<hbm>>) dst(%dma_wait3A_627 : memref<128xi32, #tpu.memory_space<vmem>>)
      %dma_wait3A_631 = arith.constant 0 : i32
      %dma_wait3A_632 = arith.constant 2 : i32
      %dma_wait3A_633 = arith.constant 0 : i32
      %dma_wait3A_634 = tpu.memref_slice %arg8[%dma_wait3A_632, %dma_wait3A_633] : memref<3x128xi32, #tpu.memory_space<vmem>> -> memref<1x128xi32, #tpu.memory_space<vmem>>
      %dma_wait3A_635 = tpu.memref_squeeze %dma_wait3A_634 : memref<1x128xi32, #tpu.memory_space<vmem>> -> memref<128xi32, #tpu.memory_space<vmem>>
      %dma_wait3A_636 = arith.constant 0 : i32
      %dma_wait3A_637 = tpu.memref_slice %arg5[%dma_wait3A_631, %dma_wait3A_636] : memref<2594x128xi32, #tpu.memory_space<hbm>> -> memref<1x128xi32, #tpu.memory_space<hbm>>
      %dma_wait3A_638 = tpu.memref_squeeze %dma_wait3A_637 : memref<1x128xi32, #tpu.memory_space<hbm>> -> memref<128xi32, #tpu.memory_space<hbm>>
      %dma_wait3A_639 = arith.constant 0 : i32
      %dma_wait3A_640 = tpu.memref_slice %arg8[%dma_wait3A_632, %dma_wait3A_639] : memref<3x128xi32, #tpu.memory_space<vmem>> -> memref<1x128xi32, #tpu.memory_space<vmem>>
      %dma_wait3A_641 = tpu.memref_squeeze %dma_wait3A_640 : memref<1x128xi32, #tpu.memory_space<vmem>> -> memref<128xi32, #tpu.memory_space<vmem>>
      %dma_wait3A_642 = arith.constant 0 : i32
      %dma_wait3A_643 = tpu.memref_slice %arg5[%dma_wait3A_631, %dma_wait3A_642] : memref<2594x128xi32, #tpu.memory_space<hbm>> -> memref<1x128xi32, #tpu.memory_space<hbm>>
      %dma_wait3A_644 = tpu.memref_squeeze %dma_wait3A_643 : memref<1x128xi32, #tpu.memory_space<hbm>> -> memref<128xi32, #tpu.memory_space<hbm>>
      tpu.wait_dma2 semaphore(%arg16 : memref<!tpu.dma_semaphore, #tpu.memory_space<semaphore_mem>>) src(%dma_wait3A_644 : memref<128xi32, #tpu.memory_space<hbm>>) dst(%dma_wait3A_641 : memref<128xi32, #tpu.memory_space<vmem>>)
      %dma_start3A_645 = arith.constant 2 : i32
      %dma_start3A_646 = arith.constant 2 : i32
      %dma_start3A_647 = arith.constant 0 : i32
      %dma_start3A_648 = arith.constant 0 : i32
      %dma_start3A_649 = tpu.memref_slice %arg9[%dma_start3A_646, %dma_start3A_647, %dma_start3A_648] : memref<3x128x128xf32, #tpu.memory_space<vmem>> -> memref<1x64x128xf32, #tpu.memory_space<vmem>>
      %dma_start3A_650 = tpu.memref_squeeze %dma_start3A_649 : memref<1x64x128xf32, #tpu.memory_space<vmem>> -> memref<64x128xf32, #tpu.memory_space<vmem>>
      %dma_start3A_651 = arith.constant 0 : i32
      %dma_start3A_652 = tpu.memref_slice %arg8[%dma_start3A_645, %dma_start3A_651] : memref<3x128xi32, #tpu.memory_space<vmem>> -> memref<1x64xi32, #tpu.memory_space<vmem>>
      %dma_start3A_653 = tpu.memref_squeeze %dma_start3A_652 : memref<1x64xi32, #tpu.memory_space<vmem>> -> memref<64xi32, #tpu.memory_space<vmem>>
      %dma_start3A_654 = arith.constant 0 : i32
      %dma_start3A_655 = arith.constant 0 : i32
      %dma_start3A_656 = tpu.memref_slice %arg3[%dma_start3A_654, %dma_start3A_655] : memref<10112x128xf32, #tpu.memory_space<hbm>> -> memref<10112x128xf32, #tpu.memory_space<hbm>>
      tpu.enqueue_indirect_dma source(%dma_start3A_656 : memref<10112x128xf32, #tpu.memory_space<hbm>>) target(%dma_start3A_650 : memref<64x128xf32, #tpu.memory_space<vmem>>) offsets(%dma_start3A_653 : memref<64xi32, #tpu.memory_space<vmem>>) semaphore(%arg13 : memref<!tpu.dma_semaphore, #tpu.memory_space<semaphore_mem>>)
      %dma_start3A_657 = arith.constant 2 : i32
      %dma_start3A_658 = arith.constant 2 : i32
      %dma_start3A_659 = arith.constant 64 : i32
      %dma_start3A_660 = arith.constant 0 : i32
      %dma_start3A_661 = tpu.memref_slice %arg9[%dma_start3A_658, %dma_start3A_659, %dma_start3A_660] : memref<3x128x128xf32, #tpu.memory_space<vmem>> -> memref<1x64x128xf32, #tpu.memory_space<vmem>>
      %dma_start3A_662 = tpu.memref_squeeze %dma_start3A_661 : memref<1x64x128xf32, #tpu.memory_space<vmem>> -> memref<64x128xf32, #tpu.memory_space<vmem>>
      %dma_start3A_663 = arith.constant 64 : i32
      %dma_start3A_664 = tpu.memref_slice %arg8[%dma_start3A_657, %dma_start3A_663] : memref<3x128xi32, #tpu.memory_space<vmem>> -> memref<1x64xi32, #tpu.memory_space<vmem>>
      %dma_start3A_665 = tpu.memref_squeeze %dma_start3A_664 : memref<1x64xi32, #tpu.memory_space<vmem>> -> memref<64xi32, #tpu.memory_space<vmem>>
      %dma_start3A_666 = arith.constant 0 : i32
      %dma_start3A_667 = arith.constant 0 : i32
      %dma_start3A_668 = tpu.memref_slice %arg3[%dma_start3A_666, %dma_start3A_667] : memref<10112x128xf32, #tpu.memory_space<hbm>> -> memref<10112x128xf32, #tpu.memory_space<hbm>>
      tpu.enqueue_indirect_dma source(%dma_start3A_668 : memref<10112x128xf32, #tpu.memory_space<hbm>>) target(%dma_start3A_662 : memref<64x128xf32, #tpu.memory_space<vmem>>) offsets(%dma_start3A_665 : memref<64xi32, #tpu.memory_space<vmem>>) semaphore(%arg16 : memref<!tpu.dma_semaphore, #tpu.memory_space<semaphore_mem>>)
      %add3A_669 = arith.constant 1 : i32
      %add3A_670 = arith.addi %mul3A_468, %add3A_669 : i32
      %dma_wait3A_671 = arith.constant 1 : i32
      %dma_wait3A_672 = arith.constant 0 : i32
      %dma_wait3A_673 = arith.constant 0 : i32
      %dma_wait3A_674 = tpu.memref_slice %arg9[%dma_wait3A_671, %dma_wait3A_672, %dma_wait3A_673] : memref<3x128x128xf32, #tpu.memory_space<vmem>> -> memref<1x64x128xf32, #tpu.memory_space<vmem>>
      %dma_wait3A_675 = tpu.memref_squeeze %dma_wait3A_674 : memref<1x64x128xf32, #tpu.memory_space<vmem>> -> memref<64x128xf32, #tpu.memory_space<vmem>>
      %dma_wait3A_676 = arith.constant 0 : i32
      %dma_wait3A_677 = arith.constant 0 : i32
      %dma_wait3A_678 = tpu.memref_slice %arg2[%dma_wait3A_676, %dma_wait3A_677] : memref<10112x128xf32, #tpu.memory_space<hbm>> -> memref<64x128xf32, #tpu.memory_space<hbm>>
      %dma_wait3A_679 = arith.constant 0 : i32
      %dma_wait3A_680 = arith.constant 0 : i32
      %dma_wait3A_681 = tpu.memref_slice %arg9[%dma_wait3A_671, %dma_wait3A_679, %dma_wait3A_680] : memref<3x128x128xf32, #tpu.memory_space<vmem>> -> memref<1x64x128xf32, #tpu.memory_space<vmem>>
      %dma_wait3A_682 = tpu.memref_squeeze %dma_wait3A_681 : memref<1x64x128xf32, #tpu.memory_space<vmem>> -> memref<64x128xf32, #tpu.memory_space<vmem>>
      %dma_wait3A_683 = arith.constant 0 : i32
      %dma_wait3A_684 = arith.constant 0 : i32
      %dma_wait3A_685 = tpu.memref_slice %arg2[%dma_wait3A_683, %dma_wait3A_684] : memref<10112x128xf32, #tpu.memory_space<hbm>> -> memref<64x128xf32, #tpu.memory_space<hbm>>
      tpu.wait_dma2 semaphore(%arg12 : memref<!tpu.dma_semaphore, #tpu.memory_space<semaphore_mem>>) src(%dma_wait3A_685 : memref<64x128xf32, #tpu.memory_space<hbm>>) dst(%dma_wait3A_682 : memref<64x128xf32, #tpu.memory_space<vmem>>)
      %dma_wait3A_686 = arith.constant 1 : i32
      %dma_wait3A_687 = arith.constant 0 : i32
      %dma_wait3A_688 = arith.constant 0 : i32
      %dma_wait3A_689 = tpu.memref_slice %arg9[%dma_wait3A_686, %dma_wait3A_687, %dma_wait3A_688] : memref<3x128x128xf32, #tpu.memory_space<vmem>> -> memref<1x64x128xf32, #tpu.memory_space<vmem>>
      %dma_wait3A_690 = tpu.memref_squeeze %dma_wait3A_689 : memref<1x64x128xf32, #tpu.memory_space<vmem>> -> memref<64x128xf32, #tpu.memory_space<vmem>>
      %dma_wait3A_691 = arith.constant 0 : i32
      %dma_wait3A_692 = arith.constant 0 : i32
      %dma_wait3A_693 = tpu.memref_slice %arg2[%dma_wait3A_691, %dma_wait3A_692] : memref<10112x128xf32, #tpu.memory_space<hbm>> -> memref<64x128xf32, #tpu.memory_space<hbm>>
      %dma_wait3A_694 = arith.constant 0 : i32
      %dma_wait3A_695 = arith.constant 0 : i32
      %dma_wait3A_696 = tpu.memref_slice %arg9[%dma_wait3A_686, %dma_wait3A_694, %dma_wait3A_695] : memref<3x128x128xf32, #tpu.memory_space<vmem>> -> memref<1x64x128xf32, #tpu.memory_space<vmem>>
      %dma_wait3A_697 = tpu.memref_squeeze %dma_wait3A_696 : memref<1x64x128xf32, #tpu.memory_space<vmem>> -> memref<64x128xf32, #tpu.memory_space<vmem>>
      %dma_wait3A_698 = arith.constant 0 : i32
      %dma_wait3A_699 = arith.constant 0 : i32
      %dma_wait3A_700 = tpu.memref_slice %arg2[%dma_wait3A_698, %dma_wait3A_699] : memref<10112x128xf32, #tpu.memory_space<hbm>> -> memref<64x128xf32, #tpu.memory_space<hbm>>
      tpu.wait_dma2 semaphore(%arg15 : memref<!tpu.dma_semaphore, #tpu.memory_space<semaphore_mem>>) src(%dma_wait3A_700 : memref<64x128xf32, #tpu.memory_space<hbm>>) dst(%dma_wait3A_697 : memref<64x128xf32, #tpu.memory_space<vmem>>)
      %dma_wait3A_701 = arith.constant 0 : i32
      %dma_wait3A_702 = arith.constant 0 : i32
      %dma_wait3A_703 = arith.constant 0 : i32
      %dma_wait3A_704 = tpu.memref_slice %arg9[%dma_wait3A_701, %dma_wait3A_702, %dma_wait3A_703] : memref<3x128x128xf32, #tpu.memory_space<vmem>> -> memref<1x128x128xf32, #tpu.memory_space<vmem>>
      %dma_wait3A_705 = tpu.memref_squeeze %dma_wait3A_704 : memref<1x128x128xf32, #tpu.memory_space<vmem>> -> memref<128x128xf32, #tpu.memory_space<vmem>>
      %dma_wait3A_706 = arith.constant 0 : i32
      %dma_wait3A_707 = arith.constant 0 : i32
      %dma_wait3A_708 = tpu.memref_slice %arg10[%dma_wait3A_706, %dma_wait3A_707] : memref<10112x128xf32, #tpu.memory_space<vmem_shared>> -> memref<128x128xf32, #tpu.memory_space<vmem_shared>>
      %dma_wait3A_709 = arith.constant 0 : i32
      %dma_wait3A_710 = arith.constant 0 : i32
      %dma_wait3A_711 = tpu.memref_slice %arg10[%dma_wait3A_709, %dma_wait3A_710] : memref<10112x128xf32, #tpu.memory_space<vmem_shared>> -> memref<128x128xf32, #tpu.memory_space<vmem_shared>>
      %dma_wait3A_712 = arith.constant 0 : i32
      %dma_wait3A_713 = arith.constant 0 : i32
      %dma_wait3A_714 = tpu.memref_slice %arg9[%dma_wait3A_701, %dma_wait3A_712, %dma_wait3A_713] : memref<3x128x128xf32, #tpu.memory_space<vmem>> -> memref<1x128x128xf32, #tpu.memory_space<vmem>>
      %dma_wait3A_715 = tpu.memref_squeeze %dma_wait3A_714 : memref<1x128x128xf32, #tpu.memory_space<vmem>> -> memref<128x128xf32, #tpu.memory_space<vmem>>
      tpu.wait_dma2 semaphore(%arg11 : memref<!tpu.dma_semaphore, #tpu.memory_space<semaphore_mem>>) src(%dma_wait3A_715 : memref<128x128xf32, #tpu.memory_space<vmem>>) dst(%dma_wait3A_711 : memref<128x128xf32, #tpu.memory_space<vmem_shared>>)
      %add3A_716 = arith.constant 2 : i32
      %add3A_717 = arith.addi %add3A_670, %add3A_716 : i32
      %add3A_718 = arith.addi %mul3A_147, %add3A_717 : i32
      %dma_start3A_719 = arith.constant 0 : i32
      %dma_start3A_720 = arith.constant 0 : i32
      %dma_start3A_721 = tpu.memref_slice %arg7[%dma_start3A_719, %dma_start3A_720] : memref<3x128xi32, #tpu.memory_space<vmem>> -> memref<1x128xi32, #tpu.memory_space<vmem>>
      %dma_start3A_722 = tpu.memref_squeeze %dma_start3A_721 : memref<1x128xi32, #tpu.memory_space<vmem>> -> memref<128xi32, #tpu.memory_space<vmem>>
      %dma_start3A_723 = arith.constant 0 : i32
      %dma_start3A_724 = tpu.memref_slice %arg4[%add3A_718, %dma_start3A_723] : memref<2594x128xi32, #tpu.memory_space<hbm>> -> memref<1x128xi32, #tpu.memory_space<hbm>>
      %dma_start3A_725 = tpu.memref_squeeze %dma_start3A_724 : memref<1x128xi32, #tpu.memory_space<hbm>> -> memref<128xi32, #tpu.memory_space<hbm>>
      %dma_start3A_726 = arith.constant 0 : i32
      %dma_start3A_727 = tpu.memref_slice %arg7[%dma_start3A_719, %dma_start3A_726] : memref<3x128xi32, #tpu.memory_space<vmem>> -> memref<1x128xi32, #tpu.memory_space<vmem>>
      %dma_start3A_728 = tpu.memref_squeeze %dma_start3A_727 : memref<1x128xi32, #tpu.memory_space<vmem>> -> memref<128xi32, #tpu.memory_space<vmem>>
      %dma_start3A_729 = arith.constant 0 : i32
      %dma_start3A_730 = tpu.memref_slice %arg4[%add3A_718, %dma_start3A_729] : memref<2594x128xi32, #tpu.memory_space<hbm>> -> memref<1x128xi32, #tpu.memory_space<hbm>>
      %dma_start3A_731 = tpu.memref_squeeze %dma_start3A_730 : memref<1x128xi32, #tpu.memory_space<hbm>> -> memref<128xi32, #tpu.memory_space<hbm>>
      tpu.enqueue_dma source(%dma_start3A_731 : memref<128xi32, #tpu.memory_space<hbm>>) target(%dma_start3A_728 : memref<128xi32, #tpu.memory_space<vmem>>) target_semaphore(%arg14 : memref<!tpu.dma_semaphore, #tpu.memory_space<semaphore_mem>>)
      %add3A_732 = arith.addi %mul3A_147, %add3A_717 : i32
      %dma_start3A_733 = arith.constant 0 : i32
      %dma_start3A_734 = arith.constant 0 : i32
      %dma_start3A_735 = tpu.memref_slice %arg8[%dma_start3A_733, %dma_start3A_734] : memref<3x128xi32, #tpu.memory_space<vmem>> -> memref<1x128xi32, #tpu.memory_space<vmem>>
      %dma_start3A_736 = tpu.memref_squeeze %dma_start3A_735 : memref<1x128xi32, #tpu.memory_space<vmem>> -> memref<128xi32, #tpu.memory_space<vmem>>
      %dma_start3A_737 = arith.constant 0 : i32
      %dma_start3A_738 = tpu.memref_slice %arg5[%add3A_732, %dma_start3A_737] : memref<2594x128xi32, #tpu.memory_space<hbm>> -> memref<1x128xi32, #tpu.memory_space<hbm>>
      %dma_start3A_739 = tpu.memref_squeeze %dma_start3A_738 : memref<1x128xi32, #tpu.memory_space<hbm>> -> memref<128xi32, #tpu.memory_space<hbm>>
      %dma_start3A_740 = arith.constant 0 : i32
      %dma_start3A_741 = tpu.memref_slice %arg8[%dma_start3A_733, %dma_start3A_740] : memref<3x128xi32, #tpu.memory_space<vmem>> -> memref<1x128xi32, #tpu.memory_space<vmem>>
      %dma_start3A_742 = tpu.memref_squeeze %dma_start3A_741 : memref<1x128xi32, #tpu.memory_space<vmem>> -> memref<128xi32, #tpu.memory_space<vmem>>
      %dma_start3A_743 = arith.constant 0 : i32
      %dma_start3A_744 = tpu.memref_slice %arg5[%add3A_732, %dma_start3A_743] : memref<2594x128xi32, #tpu.memory_space<hbm>> -> memref<1x128xi32, #tpu.memory_space<hbm>>
      %dma_start3A_745 = tpu.memref_squeeze %dma_start3A_744 : memref<1x128xi32, #tpu.memory_space<hbm>> -> memref<128xi32, #tpu.memory_space<hbm>>
      tpu.enqueue_dma source(%dma_start3A_745 : memref<128xi32, #tpu.memory_space<hbm>>) target(%dma_start3A_742 : memref<128xi32, #tpu.memory_space<vmem>>) target_semaphore(%arg14 : memref<!tpu.dma_semaphore, #tpu.memory_space<semaphore_mem>>)
      %dma_wait3A_746 = arith.constant 2 : i32
      %dma_wait3A_747 = arith.constant 0 : i32
      %dma_wait3A_748 = arith.constant 0 : i32
      %dma_wait3A_749 = tpu.memref_slice %arg9[%dma_wait3A_746, %dma_wait3A_747, %dma_wait3A_748] : memref<3x128x128xf32, #tpu.memory_space<vmem>> -> memref<1x64x128xf32, #tpu.memory_space<vmem>>
      %dma_wait3A_750 = tpu.memref_squeeze %dma_wait3A_749 : memref<1x64x128xf32, #tpu.memory_space<vmem>> -> memref<64x128xf32, #tpu.memory_space<vmem>>
      %dma_wait3A_751 = arith.constant 0 : i32
      %dma_wait3A_752 = arith.constant 0 : i32
      %dma_wait3A_753 = tpu.memref_slice %arg2[%dma_wait3A_751, %dma_wait3A_752] : memref<10112x128xf32, #tpu.memory_space<hbm>> -> memref<64x128xf32, #tpu.memory_space<hbm>>
      %dma_wait3A_754 = arith.constant 0 : i32
      %dma_wait3A_755 = arith.constant 0 : i32
      %dma_wait3A_756 = tpu.memref_slice %arg9[%dma_wait3A_746, %dma_wait3A_754, %dma_wait3A_755] : memref<3x128x128xf32, #tpu.memory_space<vmem>> -> memref<1x64x128xf32, #tpu.memory_space<vmem>>
      %dma_wait3A_757 = tpu.memref_squeeze %dma_wait3A_756 : memref<1x64x128xf32, #tpu.memory_space<vmem>> -> memref<64x128xf32, #tpu.memory_space<vmem>>
      %dma_wait3A_758 = arith.constant 0 : i32
      %dma_wait3A_759 = arith.constant 0 : i32
      %dma_wait3A_760 = tpu.memref_slice %arg2[%dma_wait3A_758, %dma_wait3A_759] : memref<10112x128xf32, #tpu.memory_space<hbm>> -> memref<64x128xf32, #tpu.memory_space<hbm>>
      tpu.wait_dma2 semaphore(%arg13 : memref<!tpu.dma_semaphore, #tpu.memory_space<semaphore_mem>>) src(%dma_wait3A_760 : memref<64x128xf32, #tpu.memory_space<hbm>>) dst(%dma_wait3A_757 : memref<64x128xf32, #tpu.memory_space<vmem>>)
      %dma_start3A_761 = arith.constant 2 : i32
      %dma_start3A_762 = arith.constant 2 : i32
      %dma_start3A_763 = arith.constant 0 : i32
      %dma_start3A_764 = arith.constant 0 : i32
      %dma_start3A_765 = tpu.memref_slice %arg9[%dma_start3A_762, %dma_start3A_763, %dma_start3A_764] : memref<3x128x128xf32, #tpu.memory_space<vmem>> -> memref<1x64x128xf32, #tpu.memory_space<vmem>>
      %dma_start3A_766 = tpu.memref_squeeze %dma_start3A_765 : memref<1x64x128xf32, #tpu.memory_space<vmem>> -> memref<64x128xf32, #tpu.memory_space<vmem>>
      %dma_start3A_767 = arith.constant 0 : i32
      %dma_start3A_768 = tpu.memref_slice %arg7[%dma_start3A_761, %dma_start3A_767] : memref<3x128xi32, #tpu.memory_space<vmem>> -> memref<1x64xi32, #tpu.memory_space<vmem>>
      %dma_start3A_769 = tpu.memref_squeeze %dma_start3A_768 : memref<1x64xi32, #tpu.memory_space<vmem>> -> memref<64xi32, #tpu.memory_space<vmem>>
      %dma_start3A_770 = arith.constant 0 : i32
      %dma_start3A_771 = arith.constant 0 : i32
      %dma_start3A_772 = tpu.memref_slice %arg2[%dma_start3A_770, %dma_start3A_771] : memref<10112x128xf32, #tpu.memory_space<hbm>> -> memref<10112x128xf32, #tpu.memory_space<hbm>>
      tpu.enqueue_indirect_dma source(%dma_start3A_772 : memref<10112x128xf32, #tpu.memory_space<hbm>>) target(%dma_start3A_766 : memref<64x128xf32, #tpu.memory_space<vmem>>) offsets(%dma_start3A_769 : memref<64xi32, #tpu.memory_space<vmem>>) semaphore(%arg13 : memref<!tpu.dma_semaphore, #tpu.memory_space<semaphore_mem>>) {add = true}
      %dma_wait3A_773 = arith.constant 2 : i32
      %dma_wait3A_774 = arith.constant 0 : i32
      %dma_wait3A_775 = arith.constant 0 : i32
      %dma_wait3A_776 = tpu.memref_slice %arg9[%dma_wait3A_773, %dma_wait3A_774, %dma_wait3A_775] : memref<3x128x128xf32, #tpu.memory_space<vmem>> -> memref<1x64x128xf32, #tpu.memory_space<vmem>>
      %dma_wait3A_777 = tpu.memref_squeeze %dma_wait3A_776 : memref<1x64x128xf32, #tpu.memory_space<vmem>> -> memref<64x128xf32, #tpu.memory_space<vmem>>
      %dma_wait3A_778 = arith.constant 0 : i32
      %dma_wait3A_779 = arith.constant 0 : i32
      %dma_wait3A_780 = tpu.memref_slice %arg2[%dma_wait3A_778, %dma_wait3A_779] : memref<10112x128xf32, #tpu.memory_space<hbm>> -> memref<64x128xf32, #tpu.memory_space<hbm>>
      %dma_wait3A_781 = arith.constant 0 : i32
      %dma_wait3A_782 = arith.constant 0 : i32
      %dma_wait3A_783 = tpu.memref_slice %arg9[%dma_wait3A_773, %dma_wait3A_781, %dma_wait3A_782] : memref<3x128x128xf32, #tpu.memory_space<vmem>> -> memref<1x64x128xf32, #tpu.memory_space<vmem>>
      %dma_wait3A_784 = tpu.memref_squeeze %dma_wait3A_783 : memref<1x64x128xf32, #tpu.memory_space<vmem>> -> memref<64x128xf32, #tpu.memory_space<vmem>>
      %dma_wait3A_785 = arith.constant 0 : i32
      %dma_wait3A_786 = arith.constant 0 : i32
      %dma_wait3A_787 = tpu.memref_slice %arg2[%dma_wait3A_785, %dma_wait3A_786] : memref<10112x128xf32, #tpu.memory_space<hbm>> -> memref<64x128xf32, #tpu.memory_space<hbm>>
      tpu.wait_dma2 semaphore(%arg16 : memref<!tpu.dma_semaphore, #tpu.memory_space<semaphore_mem>>) src(%dma_wait3A_787 : memref<64x128xf32, #tpu.memory_space<hbm>>) dst(%dma_wait3A_784 : memref<64x128xf32, #tpu.memory_space<vmem>>)
      %dma_start3A_788 = arith.constant 2 : i32
      %dma_start3A_789 = arith.constant 2 : i32
      %dma_start3A_790 = arith.constant 64 : i32
      %dma_start3A_791 = arith.constant 0 : i32
      %dma_start3A_792 = tpu.memref_slice %arg9[%dma_start3A_789, %dma_start3A_790, %dma_start3A_791] : memref<3x128x128xf32, #tpu.memory_space<vmem>> -> memref<1x64x128xf32, #tpu.memory_space<vmem>>
      %dma_start3A_793 = tpu.memref_squeeze %dma_start3A_792 : memref<1x64x128xf32, #tpu.memory_space<vmem>> -> memref<64x128xf32, #tpu.memory_space<vmem>>
      %dma_start3A_794 = arith.constant 64 : i32
      %dma_start3A_795 = tpu.memref_slice %arg7[%dma_start3A_788, %dma_start3A_794] : memref<3x128xi32, #tpu.memory_space<vmem>> -> memref<1x64xi32, #tpu.memory_space<vmem>>
      %dma_start3A_796 = tpu.memref_squeeze %dma_start3A_795 : memref<1x64xi32, #tpu.memory_space<vmem>> -> memref<64xi32, #tpu.memory_space<vmem>>
      %dma_start3A_797 = arith.constant 0 : i32
      %dma_start3A_798 = arith.constant 0 : i32
      %dma_start3A_799 = tpu.memref_slice %arg2[%dma_start3A_797, %dma_start3A_798] : memref<10112x128xf32, #tpu.memory_space<hbm>> -> memref<10112x128xf32, #tpu.memory_space<hbm>>
      tpu.enqueue_indirect_dma source(%dma_start3A_799 : memref<10112x128xf32, #tpu.memory_space<hbm>>) target(%dma_start3A_793 : memref<64x128xf32, #tpu.memory_space<vmem>>) offsets(%dma_start3A_796 : memref<64xi32, #tpu.memory_space<vmem>>) semaphore(%arg16 : memref<!tpu.dma_semaphore, #tpu.memory_space<semaphore_mem>>) {add = true}
      %scan3A_800 = arith.constant 0 : i32
      %scan3A_801 = arith.constant 64 : i32
      %scan3A_802 = arith.addi %scan3A_800, %scan3A_801 : i32
      %scan3A_803 = arith.constant 1 : i32
      scf.for %scan3A_1069 = %scan3A_800 to %scan3A_802 step %scan3A_803  : i32 {
        %mul3A_1070 = arith.constant 2 : i32
        %mul3A_1071 = arith.muli %scan3A_1069, %mul3A_1070 : i32
        %add3A_1072 = arith.constant 0 : i32
        %add3A_1073 = arith.addi %add3A_1072, %mul3A_1071 : i32
        %add3A_1074 = arith.constant 0 : i32
        %add3A_1075 = arith.addi %add3A_1073, %add3A_1074 : i32
        %get3A = arith.constant 1 : i32
        %get3A_1076 = arith.index_cast %get3A : i32 to index
        %get3A_1077 = arith.index_cast %add3A_1075 : i32 to index
        %get3A_1078 = arith.constant 0 : index
        %get3A_1079 = tpu.vector_load %arg9[%get3A_1076, %get3A_1077, %get3A_1078] {strides = array<i32>} : memref<3x128x128xf32, #tpu.memory_space<vmem>>, vector<1x1x16xf32>,
        %get3A_1080 = vector.shape_cast %get3A_1079 : vector<1x1x16xf32> to vector<16xf32>
        %max3A = arith.constant 0.000000e+00 : f32
        %max3A_1081 = vector.broadcast %max3A : f32 to vector<16xf32>
        %max3A_1082 = arith.maximumf %get3A_1080, %max3A_1081 : vector<16xf32>
        %add3A_1083 = arith.constant 0 : i32
        %add3A_1084 = arith.addi %add3A_1073, %add3A_1083 : i32
        %swap3A = arith.constant 1 : i32
        %swap3A_1085 = arith.index_cast %swap3A : i32 to index
        %swap3A_1086 = arith.index_cast %add3A_1084 : i32 to index
        %swap3A_1087 = arith.constant 0 : index
        %swap3A_1088 = tpu.vector_load %arg9[%swap3A_1085, %swap3A_1086, %swap3A_1087] {strides = array<i32>} : memref<3x128x128xf32, #tpu.memory_space<vmem>>, vector<1x1x16xf32>,
        %swap3A_1089 = vector.shape_cast %swap3A_1088 : vector<1x1x16xf32> to vector<16xf32>
        %swap3A_1090 = vector.shape_cast %max3A_1082 : vector<16xf32> to vector<1x1x16xf32>
        tpu.vector_store %arg9[%swap3A_1085, %swap3A_1086, %swap3A_1087], %swap3A_1090 {strides = array<i32>} : memref<3x128x128xf32, #tpu.memory_space<vmem>>, vector<1x1x16xf32>,
        %add3A_1091 = arith.constant 0 : i32
        %add3A_1092 = arith.addi %add3A_1073, %add3A_1091 : i32
        %get3A_1093 = arith.constant 1 : i32
        %get3A_1094 = arith.index_cast %get3A_1093 : i32 to index
        %get3A_1095 = arith.index_cast %add3A_1092 : i32 to index
        %get3A_1096 = arith.constant 16 : index
        %get3A_1097 = tpu.vector_load %arg9[%get3A_1094, %get3A_1095, %get3A_1096] {strides = array<i32>} : memref<3x128x128xf32, #tpu.memory_space<vmem>>, vector<1x1x16xf32>,
        %get3A_1098 = vector.shape_cast %get3A_1097 : vector<1x1x16xf32> to vector<16xf32>
        %max3A_1099 = arith.constant 0.000000e+00 : f32
        %max3A_1100 = vector.broadcast %max3A_1099 : f32 to vector<16xf32>
        %max3A_1101 = arith.maximumf %get3A_1098, %max3A_1100 : vector<16xf32>
        %add3A_1102 = arith.constant 0 : i32
        %add3A_1103 = arith.addi %add3A_1073, %add3A_1102 : i32
        %swap3A_1104 = arith.constant 1 : i32
        %swap3A_1105 = arith.index_cast %swap3A_1104 : i32 to index
        %swap3A_1106 = arith.index_cast %add3A_1103 : i32 to index
        %swap3A_1107 = arith.constant 16 : index
        %swap3A_1108 = tpu.vector_load %arg9[%swap3A_1105, %swap3A_1106, %swap3A_1107] {strides = array<i32>} : memref<3x128x128xf32, #tpu.memory_space<vmem>>, vector<1x1x16xf32>,
        %swap3A_1109 = vector.shape_cast %swap3A_1108 : vector<1x1x16xf32> to vector<16xf32>
        %swap3A_1110 = vector.shape_cast %max3A_1101 : vector<16xf32> to vector<1x1x16xf32>
        tpu.vector_store %arg9[%swap3A_1105, %swap3A_1106, %swap3A_1107], %swap3A_1110 {strides = array<i32>} : memref<3x128x128xf32, #tpu.memory_space<vmem>>, vector<1x1x16xf32>,
        %add3A_1111 = arith.constant 0 : i32
        %add3A_1112 = arith.addi %add3A_1073, %add3A_1111 : i32
        %get3A_1113 = arith.constant 1 : i32
        %get3A_1114 = arith.index_cast %get3A_1113 : i32 to index
        %get3A_1115 = arith.index_cast %add3A_1112 : i32 to index
        %get3A_1116 = arith.constant 32 : index
        %get3A_1117 = tpu.vector_load %arg9[%get3A_1114, %get3A_1115, %get3A_1116] {strides = array<i32>} : memref<3x128x128xf32, #tpu.memory_space<vmem>>, vector<1x1x16xf32>,
        %get3A_1118 = vector.shape_cast %get3A_1117 : vector<1x1x16xf32> to vector<16xf32>
        %max3A_1119 = arith.constant 0.000000e+00 : f32
        %max3A_1120 = vector.broadcast %max3A_1119 : f32 to vector<16xf32>
        %max3A_1121 = arith.maximumf %get3A_1118, %max3A_1120 : vector<16xf32>
        %add3A_1122 = arith.constant 0 : i32
        %add3A_1123 = arith.addi %add3A_1073, %add3A_1122 : i32
        %swap3A_1124 = arith.constant 1 : i32
        %swap3A_1125 = arith.index_cast %swap3A_1124 : i32 to index
        %swap3A_1126 = arith.index_cast %add3A_1123 : i32 to index
        %swap3A_1127 = arith.constant 32 : index
        %swap3A_1128 = tpu.vector_load %arg9[%swap3A_1125, %swap3A_1126, %swap3A_1127] {strides = array<i32>} : memref<3x128x128xf32, #tpu.memory_space<vmem>>, vector<1x1x16xf32>,
        %swap3A_1129 = vector.shape_cast %swap3A_1128 : vector<1x1x16xf32> to vector<16xf32>
        %swap3A_1130 = vector.shape_cast %max3A_1121 : vector<16xf32> to vector<1x1x16xf32>
        tpu.vector_store %arg9[%swap3A_1125, %swap3A_1126, %swap3A_1127], %swap3A_1130 {strides = array<i32>} : memref<3x128x128xf32, #tpu.memory_space<vmem>>, vector<1x1x16xf32>,
        %add3A_1131 = arith.constant 0 : i32
        %add3A_1132 = arith.addi %add3A_1073, %add3A_1131 : i32
        %get3A_1133 = arith.constant 1 : i32
        %get3A_1134 = arith.index_cast %get3A_1133 : i32 to index
        %get3A_1135 = arith.index_cast %add3A_1132 : i32 to index
        %get3A_1136 = arith.constant 48 : index
        %get3A_1137 = tpu.vector_load %arg9[%get3A_1134, %get3A_1135, %get3A_1136] {strides = array<i32>} : memref<3x128x128xf32, #tpu.memory_space<vmem>>, vector<1x1x16xf32>,
        %get3A_1138 = vector.shape_cast %get3A_1137 : vector<1x1x16xf32> to vector<16xf32>
        %max3A_1139 = arith.constant 0.000000e+00 : f32
        %max3A_1140 = vector.broadcast %max3A_1139 : f32 to vector<16xf32>
        %max3A_1141 = arith.maximumf %get3A_1138, %max3A_1140 : vector<16xf32>
        %add3A_1142 = arith.constant 0 : i32
        %add3A_1143 = arith.addi %add3A_1073, %add3A_1142 : i32
        %swap3A_1144 = arith.constant 1 : i32
        %swap3A_1145 = arith.index_cast %swap3A_1144 : i32 to index
        %swap3A_1146 = arith.index_cast %add3A_1143 : i32 to index
        %swap3A_1147 = arith.constant 48 : index
        %swap3A_1148 = tpu.vector_load %arg9[%swap3A_1145, %swap3A_1146, %swap3A_1147] {strides = array<i32>} : memref<3x128x128xf32, #tpu.memory_space<vmem>>, vector<1x1x16xf32>,
        %swap3A_1149 = vector.shape_cast %swap3A_1148 : vector<1x1x16xf32> to vector<16xf32>
        %swap3A_1150 = vector.shape_cast %max3A_1141 : vector<16xf32> to vector<1x1x16xf32>
        tpu.vector_store %arg9[%swap3A_1145, %swap3A_1146, %swap3A_1147], %swap3A_1150 {strides = array<i32>} : memref<3x128x128xf32, #tpu.memory_space<vmem>>, vector<1x1x16xf32>,
        %add3A_1151 = arith.constant 0 : i32
        %add3A_1152 = arith.addi %add3A_1073, %add3A_1151 : i32
        %get3A_1153 = arith.constant 1 : i32
        %get3A_1154 = arith.index_cast %get3A_1153 : i32 to index
        %get3A_1155 = arith.index_cast %add3A_1152 : i32 to index
        %get3A_1156 = arith.constant 64 : index
        %get3A_1157 = tpu.vector_load %arg9[%get3A_1154, %get3A_1155, %get3A_1156] {strides = array<i32>} : memref<3x128x128xf32, #tpu.memory_space<vmem>>, vector<1x1x16xf32>,
        %get3A_1158 = vector.shape_cast %get3A_1157 : vector<1x1x16xf32> to vector<16xf32>
        %max3A_1159 = arith.constant 0.000000e+00 : f32
        %max3A_1160 = vector.broadcast %max3A_1159 : f32 to vector<16xf32>
        %max3A_1161 = arith.maximumf %get3A_1158, %max3A_1160 : vector<16xf32>
        %add3A_1162 = arith.constant 0 : i32
        %add3A_1163 = arith.addi %add3A_1073, %add3A_1162 : i32
        %swap3A_1164 = arith.constant 1 : i32
        %swap3A_1165 = arith.index_cast %swap3A_1164 : i32 to index
        %swap3A_1166 = arith.index_cast %add3A_1163 : i32 to index
        %swap3A_1167 = arith.constant 64 : index
        %swap3A_1168 = tpu.vector_load %arg9[%swap3A_1165, %swap3A_1166, %swap3A_1167] {strides = array<i32>} : memref<3x128x128xf32, #tpu.memory_space<vmem>>, vector<1x1x16xf32>,
        %swap3A_1169 = vector.shape_cast %swap3A_1168 : vector<1x1x16xf32> to vector<16xf32>
        %swap3A_1170 = vector.shape_cast %max3A_1161 : vector<16xf32> to vector<1x1x16xf32>
        tpu.vector_store %arg9[%swap3A_1165, %swap3A_1166, %swap3A_1167], %swap3A_1170 {strides = array<i32>} : memref<3x128x128xf32, #tpu.memory_space<vmem>>, vector<1x1x16xf32>,
        %add3A_1171 = arith.constant 0 : i32
        %add3A_1172 = arith.addi %add3A_1073, %add3A_1171 : i32
        %get3A_1173 = arith.constant 1 : i32
        %get3A_1174 = arith.index_cast %get3A_1173 : i32 to index
        %get3A_1175 = arith.index_cast %add3A_1172 : i32 to index
        %get3A_1176 = arith.constant 80 : index
        %get3A_1177 = tpu.vector_load %arg9[%get3A_1174, %get3A_1175, %get3A_1176] {strides = array<i32>} : memref<3x128x128xf32, #tpu.memory_space<vmem>>, vector<1x1x16xf32>,
        %get3A_1178 = vector.shape_cast %get3A_1177 : vector<1x1x16xf32> to vector<16xf32>
        %max3A_1179 = arith.constant 0.000000e+00 : f32
        %max3A_1180 = vector.broadcast %max3A_1179 : f32 to vector<16xf32>
        %max3A_1181 = arith.maximumf %get3A_1178, %max3A_1180 : vector<16xf32>
        %add3A_1182 = arith.constant 0 : i32
        %add3A_1183 = arith.addi %add3A_1073, %add3A_1182 : i32
        %swap3A_1184 = arith.constant 1 : i32
        %swap3A_1185 = arith.index_cast %swap3A_1184 : i32 to index
        %swap3A_1186 = arith.index_cast %add3A_1183 : i32 to index
        %swap3A_1187 = arith.constant 80 : index
        %swap3A_1188 = tpu.vector_load %arg9[%swap3A_1185, %swap3A_1186, %swap3A_1187] {strides = array<i32>} : memref<3x128x128xf32, #tpu.memory_space<vmem>>, vector<1x1x16xf32>,
        %swap3A_1189 = vector.shape_cast %swap3A_1188 : vector<1x1x16xf32> to vector<16xf32>
        %swap3A_1190 = vector.shape_cast %max3A_1181 : vector<16xf32> to vector<1x1x16xf32>
        tpu.vector_store %arg9[%swap3A_1185, %swap3A_1186, %swap3A_1187], %swap3A_1190 {strides = array<i32>} : memref<3x128x128xf32, #tpu.memory_space<vmem>>, vector<1x1x16xf32>,
        %add3A_1191 = arith.constant 0 : i32
        %add3A_1192 = arith.addi %add3A_1073, %add3A_1191 : i32
        %get3A_1193 = arith.constant 1 : i32
        %get3A_1194 = arith.index_cast %get3A_1193 : i32 to index
        %get3A_1195 = arith.index_cast %add3A_1192 : i32 to index
        %get3A_1196 = arith.constant 96 : index
        %get3A_1197 = tpu.vector_load %arg9[%get3A_1194, %get3A_1195, %get3A_1196] {strides = array<i32>} : memref<3x128x128xf32, #tpu.memory_space<vmem>>, vector<1x1x16xf32>,
        %get3A_1198 = vector.shape_cast %get3A_1197 : vector<1x1x16xf32> to vector<16xf32>
        %max3A_1199 = arith.constant 0.000000e+00 : f32
        %max3A_1200 = vector.broadcast %max3A_1199 : f32 to vector<16xf32>
        %max3A_1201 = arith.maximumf %get3A_1198, %max3A_1200 : vector<16xf32>
        %add3A_1202 = arith.constant 0 : i32
        %add3A_1203 = arith.addi %add3A_1073, %add3A_1202 : i32
        %swap3A_1204 = arith.constant 1 : i32
        %swap3A_1205 = arith.index_cast %swap3A_1204 : i32 to index
        %swap3A_1206 = arith.index_cast %add3A_1203 : i32 to index
        %swap3A_1207 = arith.constant 96 : index
        %swap3A_1208 = tpu.vector_load %arg9[%swap3A_1205, %swap3A_1206, %swap3A_1207] {strides = array<i32>} : memref<3x128x128xf32, #tpu.memory_space<vmem>>, vector<1x1x16xf32>,
        %swap3A_1209 = vector.shape_cast %swap3A_1208 : vector<1x1x16xf32> to vector<16xf32>
        %swap3A_1210 = vector.shape_cast %max3A_1201 : vector<16xf32> to vector<1x1x16xf32>
        tpu.vector_store %arg9[%swap3A_1205, %swap3A_1206, %swap3A_1207], %swap3A_1210 {strides = array<i32>} : memref<3x128x128xf32, #tpu.memory_space<vmem>>, vector<1x1x16xf32>,
        %add3A_1211 = arith.constant 0 : i32
        %add3A_1212 = arith.addi %add3A_1073, %add3A_1211 : i32
        %get3A_1213 = arith.constant 1 : i32
        %get3A_1214 = arith.index_cast %get3A_1213 : i32 to index
        %get3A_1215 = arith.index_cast %add3A_1212 : i32 to index
        %get3A_1216 = arith.constant 112 : index
        %get3A_1217 = tpu.vector_load %arg9[%get3A_1214, %get3A_1215, %get3A_1216] {strides = array<i32>} : memref<3x128x128xf32, #tpu.memory_space<vmem>>, vector<1x1x16xf32>,
        %get3A_1218 = vector.shape_cast %get3A_1217 : vector<1x1x16xf32> to vector<16xf32>
        %max3A_1219 = arith.constant 0.000000e+00 : f32
        %max3A_1220 = vector.broadcast %max3A_1219 : f32 to vector<16xf32>
        %max3A_1221 = arith.maximumf %get3A_1218, %max3A_1220 : vector<16xf32>
        %add3A_1222 = arith.constant 0 : i32
        %add3A_1223 = arith.addi %add3A_1073, %add3A_1222 : i32
        %swap3A_1224 = arith.constant 1 : i32
        %swap3A_1225 = arith.index_cast %swap3A_1224 : i32 to index
        %swap3A_1226 = arith.index_cast %add3A_1223 : i32 to index
        %swap3A_1227 = arith.constant 112 : index
        %swap3A_1228 = tpu.vector_load %arg9[%swap3A_1225, %swap3A_1226, %swap3A_1227] {strides = array<i32>} : memref<3x128x128xf32, #tpu.memory_space<vmem>>, vector<1x1x16xf32>,
        %swap3A_1229 = vector.shape_cast %swap3A_1228 : vector<1x1x16xf32> to vector<16xf32>
        %swap3A_1230 = vector.shape_cast %max3A_1221 : vector<16xf32> to vector<1x1x16xf32>
        tpu.vector_store %arg9[%swap3A_1225, %swap3A_1226, %swap3A_1227], %swap3A_1230 {strides = array<i32>} : memref<3x128x128xf32, #tpu.memory_space<vmem>>, vector<1x1x16xf32>,
        %add3A_1231 = arith.constant 1 : i32
        %add3A_1232 = arith.addi %add3A_1073, %add3A_1231 : i32
        %get3A_1233 = arith.constant 1 : i32
        %get3A_1234 = arith.index_cast %get3A_1233 : i32 to index
        %get3A_1235 = arith.index_cast %add3A_1232 : i32 to index
        %get3A_1236 = arith.constant 0 : index
        %get3A_1237 = tpu.vector_load %arg9[%get3A_1234, %get3A_1235, %get3A_1236] {strides = array<i32>} : memref<3x128x128xf32, #tpu.memory_space<vmem>>, vector<1x1x16xf32>,
        %get3A_1238 = vector.shape_cast %get3A_1237 : vector<1x1x16xf32> to vector<16xf32>
        %max3A_1239 = arith.constant 0.000000e+00 : f32
        %max3A_1240 = vector.broadcast %max3A_1239 : f32 to vector<16xf32>
        %max3A_1241 = arith.maximumf %get3A_1238, %max3A_1240 : vector<16xf32>
        %add3A_1242 = arith.constant 1 : i32
        %add3A_1243 = arith.addi %add3A_1073, %add3A_1242 : i32
        %swap3A_1244 = arith.constant 1 : i32
        %swap3A_1245 = arith.index_cast %swap3A_1244 : i32 to index
        %swap3A_1246 = arith.index_cast %add3A_1243 : i32 to index
        %swap3A_1247 = arith.constant 0 : index
        %swap3A_1248 = tpu.vector_load %arg9[%swap3A_1245, %swap3A_1246, %swap3A_1247] {strides = array<i32>} : memref<3x128x128xf32, #tpu.memory_space<vmem>>, vector<1x1x16xf32>,
        %swap3A_1249 = vector.shape_cast %swap3A_1248 : vector<1x1x16xf32> to vector<16xf32>
        %swap3A_1250 = vector.shape_cast %max3A_1241 : vector<16xf32> to vector<1x1x16xf32>
        tpu.vector_store %arg9[%swap3A_1245, %swap3A_1246, %swap3A_1247], %swap3A_1250 {strides = array<i32>} : memref<3x128x128xf32, #tpu.memory_space<vmem>>, vector<1x1x16xf32>,
        %add3A_1251 = arith.constant 1 : i32
        %add3A_1252 = arith.addi %add3A_1073, %add3A_1251 : i32
        %get3A_1253 = arith.constant 1 : i32
        %get3A_1254 = arith.index_cast %get3A_1253 : i32 to index
        %get3A_1255 = arith.index_cast %add3A_1252 : i32 to index
        %get3A_1256 = arith.constant 16 : index
        %get3A_1257 = tpu.vector_load %arg9[%get3A_1254, %get3A_1255, %get3A_1256] {strides = array<i32>} : memref<3x128x128xf32, #tpu.memory_space<vmem>>, vector<1x1x16xf32>,
        %get3A_1258 = vector.shape_cast %get3A_1257 : vector<1x1x16xf32> to vector<16xf32>
        %max3A_1259 = arith.constant 0.000000e+00 : f32
        %max3A_1260 = vector.broadcast %max3A_1259 : f32 to vector<16xf32>
        %max3A_1261 = arith.maximumf %get3A_1258, %max3A_1260 : vector<16xf32>
        %add3A_1262 = arith.constant 1 : i32
        %add3A_1263 = arith.addi %add3A_1073, %add3A_1262 : i32
        %swap3A_1264 = arith.constant 1 : i32
        %swap3A_1265 = arith.index_cast %swap3A_1264 : i32 to index
        %swap3A_1266 = arith.index_cast %add3A_1263 : i32 to index
        %swap3A_1267 = arith.constant 16 : index
        %swap3A_1268 = tpu.vector_load %arg9[%swap3A_1265, %swap3A_1266, %swap3A_1267] {strides = array<i32>} : memref<3x128x128xf32, #tpu.memory_space<vmem>>, vector<1x1x16xf32>,
        %swap3A_1269 = vector.shape_cast %swap3A_1268 : vector<1x1x16xf32> to vector<16xf32>
        %swap3A_1270 = vector.shape_cast %max3A_1261 : vector<16xf32> to vector<1x1x16xf32>
        tpu.vector_store %arg9[%swap3A_1265, %swap3A_1266, %swap3A_1267], %swap3A_1270 {strides = array<i32>} : memref<3x128x128xf32, #tpu.memory_space<vmem>>, vector<1x1x16xf32>,
        %add3A_1271 = arith.constant 1 : i32
        %add3A_1272 = arith.addi %add3A_1073, %add3A_1271 : i32
        %get3A_1273 = arith.constant 1 : i32
        %get3A_1274 = arith.index_cast %get3A_1273 : i32 to index
        %get3A_1275 = arith.index_cast %add3A_1272 : i32 to index
        %get3A_1276 = arith.constant 32 : index
        %get3A_1277 = tpu.vector_load %arg9[%get3A_1274, %get3A_1275, %get3A_1276] {strides = array<i32>} : memref<3x128x128xf32, #tpu.memory_space<vmem>>, vector<1x1x16xf32>,
        %get3A_1278 = vector.shape_cast %get3A_1277 : vector<1x1x16xf32> to vector<16xf32>
        %max3A_1279 = arith.constant 0.000000e+00 : f32
        %max3A_1280 = vector.broadcast %max3A_1279 : f32 to vector<16xf32>
        %max3A_1281 = arith.maximumf %get3A_1278, %max3A_1280 : vector<16xf32>
        %add3A_1282 = arith.constant 1 : i32
        %add3A_1283 = arith.addi %add3A_1073, %add3A_1282 : i32
        %swap3A_1284 = arith.constant 1 : i32
        %swap3A_1285 = arith.index_cast %swap3A_1284 : i32 to index
        %swap3A_1286 = arith.index_cast %add3A_1283 : i32 to index
        %swap3A_1287 = arith.constant 32 : index
        %swap3A_1288 = tpu.vector_load %arg9[%swap3A_1285, %swap3A_1286, %swap3A_1287] {strides = array<i32>} : memref<3x128x128xf32, #tpu.memory_space<vmem>>, vector<1x1x16xf32>,
        %swap3A_1289 = vector.shape_cast %swap3A_1288 : vector<1x1x16xf32> to vector<16xf32>
        %swap3A_1290 = vector.shape_cast %max3A_1281 : vector<16xf32> to vector<1x1x16xf32>
        tpu.vector_store %arg9[%swap3A_1285, %swap3A_1286, %swap3A_1287], %swap3A_1290 {strides = array<i32>} : memref<3x128x128xf32, #tpu.memory_space<vmem>>, vector<1x1x16xf32>,
        %add3A_1291 = arith.constant 1 : i32
        %add3A_1292 = arith.addi %add3A_1073, %add3A_1291 : i32
        %get3A_1293 = arith.constant 1 : i32
        %get3A_1294 = arith.index_cast %get3A_1293 : i32 to index
        %get3A_1295 = arith.index_cast %add3A_1292 : i32 to index
        %get3A_1296 = arith.constant 48 : index
        %get3A_1297 = tpu.vector_load %arg9[%get3A_1294, %get3A_1295, %get3A_1296] {strides = array<i32>} : memref<3x128x128xf32, #tpu.memory_space<vmem>>, vector<1x1x16xf32>,
        %get3A_1298 = vector.shape_cast %get3A_1297 : vector<1x1x16xf32> to vector<16xf32>
        %max3A_1299 = arith.constant 0.000000e+00 : f32
        %max3A_1300 = vector.broadcast %max3A_1299 : f32 to vector<16xf32>
        %max3A_1301 = arith.maximumf %get3A_1298, %max3A_1300 : vector<16xf32>
        %add3A_1302 = arith.constant 1 : i32
        %add3A_1303 = arith.addi %add3A_1073, %add3A_1302 : i32
        %swap3A_1304 = arith.constant 1 : i32
        %swap3A_1305 = arith.index_cast %swap3A_1304 : i32 to index
        %swap3A_1306 = arith.index_cast %add3A_1303 : i32 to index
        %swap3A_1307 = arith.constant 48 : index
        %swap3A_1308 = tpu.vector_load %arg9[%swap3A_1305, %swap3A_1306, %swap3A_1307] {strides = array<i32>} : memref<3x128x128xf32, #tpu.memory_space<vmem>>, vector<1x1x16xf32>,
        %swap3A_1309 = vector.shape_cast %swap3A_1308 : vector<1x1x16xf32> to vector<16xf32>
        %swap3A_1310 = vector.shape_cast %max3A_1301 : vector<16xf32> to vector<1x1x16xf32>
        tpu.vector_store %arg9[%swap3A_1305, %swap3A_1306, %swap3A_1307], %swap3A_1310 {strides = array<i32>} : memref<3x128x128xf32, #tpu.memory_space<vmem>>, vector<1x1x16xf32>,
        %add3A_1311 = arith.constant 1 : i32
        %add3A_1312 = arith.addi %add3A_1073, %add3A_1311 : i32
        %get3A_1313 = arith.constant 1 : i32
        %get3A_1314 = arith.index_cast %get3A_1313 : i32 to index
        %get3A_1315 = arith.index_cast %add3A_1312 : i32 to index
        %get3A_1316 = arith.constant 64 : index
        %get3A_1317 = tpu.vector_load %arg9[%get3A_1314, %get3A_1315, %get3A_1316] {strides = array<i32>} : memref<3x128x128xf32, #tpu.memory_space<vmem>>, vector<1x1x16xf32>,
        %get3A_1318 = vector.shape_cast %get3A_1317 : vector<1x1x16xf32> to vector<16xf32>
        %max3A_1319 = arith.constant 0.000000e+00 : f32
        %max3A_1320 = vector.broadcast %max3A_1319 : f32 to vector<16xf32>
        %max3A_1321 = arith.maximumf %get3A_1318, %max3A_1320 : vector<16xf32>
        %add3A_1322 = arith.constant 1 : i32
        %add3A_1323 = arith.addi %add3A_1073, %add3A_1322 : i32
        %swap3A_1324 = arith.constant 1 : i32
        %swap3A_1325 = arith.index_cast %swap3A_1324 : i32 to index
        %swap3A_1326 = arith.index_cast %add3A_1323 : i32 to index
        %swap3A_1327 = arith.constant 64 : index
        %swap3A_1328 = tpu.vector_load %arg9[%swap3A_1325, %swap3A_1326, %swap3A_1327] {strides = array<i32>} : memref<3x128x128xf32, #tpu.memory_space<vmem>>, vector<1x1x16xf32>,
        %swap3A_1329 = vector.shape_cast %swap3A_1328 : vector<1x1x16xf32> to vector<16xf32>
        %swap3A_1330 = vector.shape_cast %max3A_1321 : vector<16xf32> to vector<1x1x16xf32>
        tpu.vector_store %arg9[%swap3A_1325, %swap3A_1326, %swap3A_1327], %swap3A_1330 {strides = array<i32>} : memref<3x128x128xf32, #tpu.memory_space<vmem>>, vector<1x1x16xf32>,
        %add3A_1331 = arith.constant 1 : i32
        %add3A_1332 = arith.addi %add3A_1073, %add3A_1331 : i32
        %get3A_1333 = arith.constant 1 : i32
        %get3A_1334 = arith.index_cast %get3A_1333 : i32 to index
        %get3A_1335 = arith.index_cast %add3A_1332 : i32 to index
        %get3A_1336 = arith.constant 80 : index
        %get3A_1337 = tpu.vector_load %arg9[%get3A_1334, %get3A_1335, %get3A_1336] {strides = array<i32>} : memref<3x128x128xf32, #tpu.memory_space<vmem>>, vector<1x1x16xf32>,
        %get3A_1338 = vector.shape_cast %get3A_1337 : vector<1x1x16xf32> to vector<16xf32>
        %max3A_1339 = arith.constant 0.000000e+00 : f32
        %max3A_1340 = vector.broadcast %max3A_1339 : f32 to vector<16xf32>
        %max3A_1341 = arith.maximumf %get3A_1338, %max3A_1340 : vector<16xf32>
        %add3A_1342 = arith.constant 1 : i32
        %add3A_1343 = arith.addi %add3A_1073, %add3A_1342 : i32
        %swap3A_1344 = arith.constant 1 : i32
        %swap3A_1345 = arith.index_cast %swap3A_1344 : i32 to index
        %swap3A_1346 = arith.index_cast %add3A_1343 : i32 to index
        %swap3A_1347 = arith.constant 80 : index
        %swap3A_1348 = tpu.vector_load %arg9[%swap3A_1345, %swap3A_1346, %swap3A_1347] {strides = array<i32>} : memref<3x128x128xf32, #tpu.memory_space<vmem>>, vector<1x1x16xf32>,
        %swap3A_1349 = vector.shape_cast %swap3A_1348 : vector<1x1x16xf32> to vector<16xf32>
        %swap3A_1350 = vector.shape_cast %max3A_1341 : vector<16xf32> to vector<1x1x16xf32>
        tpu.vector_store %arg9[%swap3A_1345, %swap3A_1346, %swap3A_1347], %swap3A_1350 {strides = array<i32>} : memref<3x128x128xf32, #tpu.memory_space<vmem>>, vector<1x1x16xf32>,
        %add3A_1351 = arith.constant 1 : i32
        %add3A_1352 = arith.addi %add3A_1073, %add3A_1351 : i32
        %get3A_1353 = arith.constant 1 : i32
        %get3A_1354 = arith.index_cast %get3A_1353 : i32 to index
        %get3A_1355 = arith.index_cast %add3A_1352 : i32 to index
        %get3A_1356 = arith.constant 96 : index
        %get3A_1357 = tpu.vector_load %arg9[%get3A_1354, %get3A_1355, %get3A_1356] {strides = array<i32>} : memref<3x128x128xf32, #tpu.memory_space<vmem>>, vector<1x1x16xf32>,
        %get3A_1358 = vector.shape_cast %get3A_1357 : vector<1x1x16xf32> to vector<16xf32>
        %max3A_1359 = arith.constant 0.000000e+00 : f32
        %max3A_1360 = vector.broadcast %max3A_1359 : f32 to vector<16xf32>
        %max3A_1361 = arith.maximumf %get3A_1358, %max3A_1360 : vector<16xf32>
        %add3A_1362 = arith.constant 1 : i32
        %add3A_1363 = arith.addi %add3A_1073, %add3A_1362 : i32
        %swap3A_1364 = arith.constant 1 : i32
        %swap3A_1365 = arith.index_cast %swap3A_1364 : i32 to index
        %swap3A_1366 = arith.index_cast %add3A_1363 : i32 to index
        %swap3A_1367 = arith.constant 96 : index
        %swap3A_1368 = tpu.vector_load %arg9[%swap3A_1365, %swap3A_1366, %swap3A_1367] {strides = array<i32>} : memref<3x128x128xf32, #tpu.memory_space<vmem>>, vector<1x1x16xf32>,
        %swap3A_1369 = vector.shape_cast %swap3A_1368 : vector<1x1x16xf32> to vector<16xf32>
        %swap3A_1370 = vector.shape_cast %max3A_1361 : vector<16xf32> to vector<1x1x16xf32>
        tpu.vector_store %arg9[%swap3A_1365, %swap3A_1366, %swap3A_1367], %swap3A_1370 {strides = array<i32>} : memref<3x128x128xf32, #tpu.memory_space<vmem>>, vector<1x1x16xf32>,
        %add3A_1371 = arith.constant 1 : i32
        %add3A_1372 = arith.addi %add3A_1073, %add3A_1371 : i32
        %get3A_1373 = arith.constant 1 : i32
        %get3A_1374 = arith.index_cast %get3A_1373 : i32 to index
        %get3A_1375 = arith.index_cast %add3A_1372 : i32 to index
        %get3A_1376 = arith.constant 112 : index
        %get3A_1377 = tpu.vector_load %arg9[%get3A_1374, %get3A_1375, %get3A_1376] {strides = array<i32>} : memref<3x128x128xf32, #tpu.memory_space<vmem>>, vector<1x1x16xf32>,
        %get3A_1378 = vector.shape_cast %get3A_1377 : vector<1x1x16xf32> to vector<16xf32>
        %max3A_1379 = arith.constant 0.000000e+00 : f32
        %max3A_1380 = vector.broadcast %max3A_1379 : f32 to vector<16xf32>
        %max3A_1381 = arith.maximumf %get3A_1378, %max3A_1380 : vector<16xf32>
        %add3A_1382 = arith.constant 1 : i32
        %add3A_1383 = arith.addi %add3A_1073, %add3A_1382 : i32
        %swap3A_1384 = arith.constant 1 : i32
        %swap3A_1385 = arith.index_cast %swap3A_1384 : i32 to index
        %swap3A_1386 = arith.index_cast %add3A_1383 : i32 to index
        %swap3A_1387 = arith.constant 112 : index
        %swap3A_1388 = tpu.vector_load %arg9[%swap3A_1385, %swap3A_1386, %swap3A_1387] {strides = array<i32>} : memref<3x128x128xf32, #tpu.memory_space<vmem>>, vector<1x1x16xf32>,
        %swap3A_1389 = vector.shape_cast %swap3A_1388 : vector<1x1x16xf32> to vector<16xf32>
        %swap3A_1390 = vector.shape_cast %max3A_1381 : vector<16xf32> to vector<1x1x16xf32>
        tpu.vector_store %arg9[%swap3A_1385, %swap3A_1386, %swap3A_1387], %swap3A_1390 {strides = array<i32>} : memref<3x128x128xf32, #tpu.memory_space<vmem>>, vector<1x1x16xf32>,
      }
      %scan3A_804 = arith.constant 64 : i32
      %dma_start3A_805 = arith.constant 1 : i32
      %dma_start3A_806 = arith.constant 1 : i32
      %dma_start3A_807 = arith.constant 0 : i32
      %dma_start3A_808 = arith.constant 0 : i32
      %dma_start3A_809 = tpu.memref_slice %arg9[%dma_start3A_805, %dma_start3A_807, %dma_start3A_808] : memref<3x128x128xf32, #tpu.memory_space<vmem>> -> memref<1x128x128xf32, #tpu.memory_space<vmem>>
      %dma_start3A_810 = tpu.memref_squeeze %dma_start3A_809 : memref<1x128x128xf32, #tpu.memory_space<vmem>> -> memref<128x128xf32, #tpu.memory_space<vmem>>
      %dma_start3A_811 = arith.constant 0 : i32
      %dma_start3A_812 = tpu.memref_slice %arg8[%dma_start3A_806, %dma_start3A_811] : memref<3x128xi32, #tpu.memory_space<vmem>> -> memref<1x128xi32, #tpu.memory_space<vmem>>
      %dma_start3A_813 = tpu.memref_squeeze %dma_start3A_812 : memref<1x128xi32, #tpu.memory_space<vmem>> -> memref<128xi32, #tpu.memory_space<vmem>>
      %dma_start3A_814 = arith.constant 0 : i32
      %dma_start3A_815 = arith.constant 0 : i32
      %dma_start3A_816 = tpu.memref_slice %arg10[%dma_start3A_814, %dma_start3A_815] : memref<10112x128xf32, #tpu.memory_space<vmem_shared>> -> memref<10112x128xf32, #tpu.memory_space<vmem_shared>>
      tpu.enqueue_indirect_dma source(%dma_start3A_810 : memref<128x128xf32, #tpu.memory_space<vmem>>) target(%dma_start3A_816 : memref<10112x128xf32, #tpu.memory_space<vmem_shared>>) offsets(%dma_start3A_813 : memref<128xi32, #tpu.memory_space<vmem>>) semaphore(%arg12 : memref<!tpu.dma_semaphore, #tpu.memory_space<semaphore_mem>>) {add = true}
      %dma_wait3A_817 = arith.constant 0 : i32
      %dma_wait3A_818 = arith.constant 0 : i32
      %dma_wait3A_819 = arith.constant 0 : i32
      %dma_wait3A_820 = tpu.memref_slice %arg7[%dma_wait3A_818, %dma_wait3A_819] : memref<3x128xi32, #tpu.memory_space<vmem>> -> memref<1x128xi32, #tpu.memory_space<vmem>>
      %dma_wait3A_821 = tpu.memref_squeeze %dma_wait3A_820 : memref<1x128xi32, #tpu.memory_space<vmem>> -> memref<128xi32, #tpu.memory_space<vmem>>
      %dma_wait3A_822 = arith.constant 0 : i32
      %dma_wait3A_823 = tpu.memref_slice %arg4[%dma_wait3A_817, %dma_wait3A_822] : memref<2594x128xi32, #tpu.memory_space<hbm>> -> memref<1x128xi32, #tpu.memory_space<hbm>>
      %dma_wait3A_824 = tpu.memref_squeeze %dma_wait3A_823 : memref<1x128xi32, #tpu.memory_space<hbm>> -> memref<128xi32, #tpu.memory_space<hbm>>
      %dma_wait3A_825 = arith.constant 0 : i32
      %dma_wait3A_826 = tpu.memref_slice %arg7[%dma_wait3A_818, %dma_wait3A_825] : memref<3x128xi32, #tpu.memory_space<vmem>> -> memref<1x128xi32, #tpu.memory_space<vmem>>
      %dma_wait3A_827 = tpu.memref_squeeze %dma_wait3A_826 : memref<1x128xi32, #tpu.memory_space<vmem>> -> memref<128xi32, #tpu.memory_space<vmem>>
      %dma_wait3A_828 = arith.constant 0 : i32
      %dma_wait3A_829 = tpu.memref_slice %arg4[%dma_wait3A_817, %dma_wait3A_828] : memref<2594x128xi32, #tpu.memory_space<hbm>> -> memref<1x128xi32, #tpu.memory_space<hbm>>
      %dma_wait3A_830 = tpu.memref_squeeze %dma_wait3A_829 : memref<1x128xi32, #tpu.memory_space<hbm>> -> memref<128xi32, #tpu.memory_space<hbm>>
      tpu.wait_dma2 semaphore(%arg14 : memref<!tpu.dma_semaphore, #tpu.memory_space<semaphore_mem>>) src(%dma_wait3A_830 : memref<128xi32, #tpu.memory_space<hbm>>) dst(%dma_wait3A_827 : memref<128xi32, #tpu.memory_space<vmem>>)
      %dma_wait3A_831 = arith.constant 0 : i32
      %dma_wait3A_832 = arith.constant 0 : i32
      %dma_wait3A_833 = arith.constant 0 : i32
      %dma_wait3A_834 = tpu.memref_slice %arg8[%dma_wait3A_832, %dma_wait3A_833] : memref<3x128xi32, #tpu.memory_space<vmem>> -> memref<1x128xi32, #tpu.memory_space<vmem>>
      %dma_wait3A_835 = tpu.memref_squeeze %dma_wait3A_834 : memref<1x128xi32, #tpu.memory_space<vmem>> -> memref<128xi32, #tpu.memory_space<vmem>>
      %dma_wait3A_836 = arith.constant 0 : i32
      %dma_wait3A_837 = tpu.memref_slice %arg5[%dma_wait3A_831, %dma_wait3A_836] : memref<2594x128xi32, #tpu.memory_space<hbm>> -> memref<1x128xi32, #tpu.memory_space<hbm>>
      %dma_wait3A_838 = tpu.memref_squeeze %dma_wait3A_837 : memref<1x128xi32, #tpu.memory_space<hbm>> -> memref<128xi32, #tpu.memory_space<hbm>>
      %dma_wait3A_839 = arith.constant 0 : i32
      %dma_wait3A_840 = tpu.memref_slice %arg8[%dma_wait3A_832, %dma_wait3A_839] : memref<3x128xi32, #tpu.memory_space<vmem>> -> memref<1x128xi32, #tpu.memory_space<vmem>>
      %dma_wait3A_841 = tpu.memref_squeeze %dma_wait3A_840 : memref<1x128xi32, #tpu.memory_space<vmem>> -> memref<128xi32, #tpu.memory_space<vmem>>
      %dma_wait3A_842 = arith.constant 0 : i32
      %dma_wait3A_843 = tpu.memref_slice %arg5[%dma_wait3A_831, %dma_wait3A_842] : memref<2594x128xi32, #tpu.memory_space<hbm>> -> memref<1x128xi32, #tpu.memory_space<hbm>>
      %dma_wait3A_844 = tpu.memref_squeeze %dma_wait3A_843 : memref<1x128xi32, #tpu.memory_space<hbm>> -> memref<128xi32, #tpu.memory_space<hbm>>
      tpu.wait_dma2 semaphore(%arg14 : memref<!tpu.dma_semaphore, #tpu.memory_space<semaphore_mem>>) src(%dma_wait3A_844 : memref<128xi32, #tpu.memory_space<hbm>>) dst(%dma_wait3A_841 : memref<128xi32, #tpu.memory_space<vmem>>)
      %dma_start3A_845 = arith.constant 0 : i32
      %dma_start3A_846 = arith.constant 0 : i32
      %dma_start3A_847 = arith.constant 0 : i32
      %dma_start3A_848 = arith.constant 0 : i32
      %dma_start3A_849 = tpu.memref_slice %arg9[%dma_start3A_846, %dma_start3A_847, %dma_start3A_848] : memref<3x128x128xf32, #tpu.memory_space<vmem>> -> memref<1x64x128xf32, #tpu.memory_space<vmem>>
      %dma_start3A_850 = tpu.memref_squeeze %dma_start3A_849 : memref<1x64x128xf32, #tpu.memory_space<vmem>> -> memref<64x128xf32, #tpu.memory_space<vmem>>
      %dma_start3A_851 = arith.constant 0 : i32
      %dma_start3A_852 = tpu.memref_slice %arg8[%dma_start3A_845, %dma_start3A_851] : memref<3x128xi32, #tpu.memory_space<vmem>> -> memref<1x64xi32, #tpu.memory_space<vmem>>
      %dma_start3A_853 = tpu.memref_squeeze %dma_start3A_852 : memref<1x64xi32, #tpu.memory_space<vmem>> -> memref<64xi32, #tpu.memory_space<vmem>>
      %dma_start3A_854 = arith.constant 0 : i32
      %dma_start3A_855 = arith.constant 0 : i32
      %dma_start3A_856 = tpu.memref_slice %arg3[%dma_start3A_854, %dma_start3A_855] : memref<10112x128xf32, #tpu.memory_space<hbm>> -> memref<10112x128xf32, #tpu.memory_space<hbm>>
      tpu.enqueue_indirect_dma source(%dma_start3A_856 : memref<10112x128xf32, #tpu.memory_space<hbm>>) target(%dma_start3A_850 : memref<64x128xf32, #tpu.memory_space<vmem>>) offsets(%dma_start3A_853 : memref<64xi32, #tpu.memory_space<vmem>>) semaphore(%arg11 : memref<!tpu.dma_semaphore, #tpu.memory_space<semaphore_mem>>)
      %dma_start3A_857 = arith.constant 0 : i32
      %dma_start3A_858 = arith.constant 0 : i32
      %dma_start3A_859 = arith.constant 64 : i32
      %dma_start3A_860 = arith.constant 0 : i32
      %dma_start3A_861 = tpu.memref_slice %arg9[%dma_start3A_858, %dma_start3A_859, %dma_start3A_860] : memref<3x128x128xf32, #tpu.memory_space<vmem>> -> memref<1x64x128xf32, #tpu.memory_space<vmem>>
      %dma_start3A_862 = tpu.memref_squeeze %dma_start3A_861 : memref<1x64x128xf32, #tpu.memory_space<vmem>> -> memref<64x128xf32, #tpu.memory_space<vmem>>
      %dma_start3A_863 = arith.constant 64 : i32
      %dma_start3A_864 = tpu.memref_slice %arg8[%dma_start3A_857, %dma_start3A_863] : memref<3x128xi32, #tpu.memory_space<vmem>> -> memref<1x64xi32, #tpu.memory_space<vmem>>
      %dma_start3A_865 = tpu.memref_squeeze %dma_start3A_864 : memref<1x64xi32, #tpu.memory_space<vmem>> -> memref<64xi32, #tpu.memory_space<vmem>>
      %dma_start3A_866 = arith.constant 0 : i32
      %dma_start3A_867 = arith.constant 0 : i32
      %dma_start3A_868 = tpu.memref_slice %arg3[%dma_start3A_866, %dma_start3A_867] : memref<10112x128xf32, #tpu.memory_space<hbm>> -> memref<10112x128xf32, #tpu.memory_space<hbm>>
      tpu.enqueue_indirect_dma source(%dma_start3A_868 : memref<10112x128xf32, #tpu.memory_space<hbm>>) target(%dma_start3A_862 : memref<64x128xf32, #tpu.memory_space<vmem>>) offsets(%dma_start3A_865 : memref<64xi32, #tpu.memory_space<vmem>>) semaphore(%arg14 : memref<!tpu.dma_semaphore, #tpu.memory_space<semaphore_mem>>)
      %add3A_869 = arith.constant 2 : i32
      %add3A_870 = arith.addi %mul3A_468, %add3A_869 : i32
      %dma_wait3A_871 = arith.constant 2 : i32
      %dma_wait3A_872 = arith.constant 0 : i32
      %dma_wait3A_873 = arith.constant 0 : i32
      %dma_wait3A_874 = tpu.memref_slice %arg9[%dma_wait3A_871, %dma_wait3A_872, %dma_wait3A_873] : memref<3x128x128xf32, #tpu.memory_space<vmem>> -> memref<1x64x128xf32, #tpu.memory_space<vmem>>
      %dma_wait3A_875 = tpu.memref_squeeze %dma_wait3A_874 : memref<1x64x128xf32, #tpu.memory_space<vmem>> -> memref<64x128xf32, #tpu.memory_space<vmem>>
      %dma_wait3A_876 = arith.constant 0 : i32
      %dma_wait3A_877 = arith.constant 0 : i32
      %dma_wait3A_878 = tpu.memref_slice %arg2[%dma_wait3A_876, %dma_wait3A_877] : memref<10112x128xf32, #tpu.memory_space<hbm>> -> memref<64x128xf32, #tpu.memory_space<hbm>>
      %dma_wait3A_879 = arith.constant 0 : i32
      %dma_wait3A_880 = arith.constant 0 : i32
      %dma_wait3A_881 = tpu.memref_slice %arg9[%dma_wait3A_871, %dma_wait3A_879, %dma_wait3A_880] : memref<3x128x128xf32, #tpu.memory_space<vmem>> -> memref<1x64x128xf32, #tpu.memory_space<vmem>>
      %dma_wait3A_882 = tpu.memref_squeeze %dma_wait3A_881 : memref<1x64x128xf32, #tpu.memory_space<vmem>> -> memref<64x128xf32, #tpu.memory_space<vmem>>
      %dma_wait3A_883 = arith.constant 0 : i32
      %dma_wait3A_884 = arith.constant 0 : i32
      %dma_wait3A_885 = tpu.memref_slice %arg2[%dma_wait3A_883, %dma_wait3A_884] : memref<10112x128xf32, #tpu.memory_space<hbm>> -> memref<64x128xf32, #tpu.memory_space<hbm>>
      tpu.wait_dma2 semaphore(%arg13 : memref<!tpu.dma_semaphore, #tpu.memory_space<semaphore_mem>>) src(%dma_wait3A_885 : memref<64x128xf32, #tpu.memory_space<hbm>>) dst(%dma_wait3A_882 : memref<64x128xf32, #tpu.memory_space<vmem>>)
      %dma_wait3A_886 = arith.constant 2 : i32
      %dma_wait3A_887 = arith.constant 0 : i32
      %dma_wait3A_888 = arith.constant 0 : i32
      %dma_wait3A_889 = tpu.memref_slice %arg9[%dma_wait3A_886, %dma_wait3A_887, %dma_wait3A_888] : memref<3x128x128xf32, #tpu.memory_space<vmem>> -> memref<1x64x128xf32, #tpu.memory_space<vmem>>
      %dma_wait3A_890 = tpu.memref_squeeze %dma_wait3A_889 : memref<1x64x128xf32, #tpu.memory_space<vmem>> -> memref<64x128xf32, #tpu.memory_space<vmem>>
      %dma_wait3A_891 = arith.constant 0 : i32
      %dma_wait3A_892 = arith.constant 0 : i32
      %dma_wait3A_893 = tpu.memref_slice %arg2[%dma_wait3A_891, %dma_wait3A_892] : memref<10112x128xf32, #tpu.memory_space<hbm>> -> memref<64x128xf32, #tpu.memory_space<hbm>>
      %dma_wait3A_894 = arith.constant 0 : i32
      %dma_wait3A_895 = arith.constant 0 : i32
      %dma_wait3A_896 = tpu.memref_slice %arg9[%dma_wait3A_886, %dma_wait3A_894, %dma_wait3A_895] : memref<3x128x128xf32, #tpu.memory_space<vmem>> -> memref<1x64x128xf32, #tpu.memory_space<vmem>>
      %dma_wait3A_897 = tpu.memref_squeeze %dma_wait3A_896 : memref<1x64x128xf32, #tpu.memory_space<vmem>> -> memref<64x128xf32, #tpu.memory_space<vmem>>
      %dma_wait3A_898 = arith.constant 0 : i32
      %dma_wait3A_899 = arith.constant 0 : i32
      %dma_wait3A_900 = tpu.memref_slice %arg2[%dma_wait3A_898, %dma_wait3A_899] : memref<10112x128xf32, #tpu.memory_space<hbm>> -> memref<64x128xf32, #tpu.memory_space<hbm>>
      tpu.wait_dma2 semaphore(%arg16 : memref<!tpu.dma_semaphore, #tpu.memory_space<semaphore_mem>>) src(%dma_wait3A_900 : memref<64x128xf32, #tpu.memory_space<hbm>>) dst(%dma_wait3A_897 : memref<64x128xf32, #tpu.memory_space<vmem>>)
      %dma_wait3A_901 = arith.constant 1 : i32
      %dma_wait3A_902 = arith.constant 0 : i32
      %dma_wait3A_903 = arith.constant 0 : i32
      %dma_wait3A_904 = tpu.memref_slice %arg9[%dma_wait3A_901, %dma_wait3A_902, %dma_wait3A_903] : memref<3x128x128xf32, #tpu.memory_space<vmem>> -> memref<1x128x128xf32, #tpu.memory_space<vmem>>
      %dma_wait3A_905 = tpu.memref_squeeze %dma_wait3A_904 : memref<1x128x128xf32, #tpu.memory_space<vmem>> -> memref<128x128xf32, #tpu.memory_space<vmem>>
      %dma_wait3A_906 = arith.constant 0 : i32
      %dma_wait3A_907 = arith.constant 0 : i32
      %dma_wait3A_908 = tpu.memref_slice %arg10[%dma_wait3A_906, %dma_wait3A_907] : memref<10112x128xf32, #tpu.memory_space<vmem_shared>> -> memref<128x128xf32, #tpu.memory_space<vmem_shared>>
      %dma_wait3A_909 = arith.constant 0 : i32
      %dma_wait3A_910 = arith.constant 0 : i32
      %dma_wait3A_911 = tpu.memref_slice %arg10[%dma_wait3A_909, %dma_wait3A_910] : memref<10112x128xf32, #tpu.memory_space<vmem_shared>> -> memref<128x128xf32, #tpu.memory_space<vmem_shared>>
      %dma_wait3A_912 = arith.constant 0 : i32
      %dma_wait3A_913 = arith.constant 0 : i32
      %dma_wait3A_914 = tpu.memref_slice %arg9[%dma_wait3A_901, %dma_wait3A_912, %dma_wait3A_913] : memref<3x128x128xf32, #tpu.memory_space<vmem>> -> memref<1x128x128xf32, #tpu.memory_space<vmem>>
      %dma_wait3A_915 = tpu.memref_squeeze %dma_wait3A_914 : memref<1x128x128xf32, #tpu.memory_space<vmem>> -> memref<128x128xf32, #tpu.memory_space<vmem>>
      tpu.wait_dma2 semaphore(%arg12 : memref<!tpu.dma_semaphore, #tpu.memory_space<semaphore_mem>>) src(%dma_wait3A_915 : memref<128x128xf32, #tpu.memory_space<vmem>>) dst(%dma_wait3A_911 : memref<128x128xf32, #tpu.memory_space<vmem_shared>>)
      %add3A_916 = arith.constant 2 : i32
      %add3A_917 = arith.addi %add3A_870, %add3A_916 : i32
      %add3A_918 = arith.addi %mul3A_147, %add3A_917 : i32
      %dma_start3A_919 = arith.constant 1 : i32
      %dma_start3A_920 = arith.constant 0 : i32
      %dma_start3A_921 = tpu.memref_slice %arg7[%dma_start3A_919, %dma_start3A_920] : memref<3x128xi32, #tpu.memory_space<vmem>> -> memref<1x128xi32, #tpu.memory_space<vmem>>
      %dma_start3A_922 = tpu.memref_squeeze %dma_start3A_921 : memref<1x128xi32, #tpu.memory_space<vmem>> -> memref<128xi32, #tpu.memory_space<vmem>>
      %dma_start3A_923 = arith.constant 0 : i32
      %dma_start3A_924 = tpu.memref_slice %arg4[%add3A_918, %dma_start3A_923] : memref<2594x128xi32, #tpu.memory_space<hbm>> -> memref<1x128xi32, #tpu.memory_space<hbm>>
      %dma_start3A_925 = tpu.memref_squeeze %dma_start3A_924 : memref<1x128xi32, #tpu.memory_space<hbm>> -> memref<128xi32, #tpu.memory_space<hbm>>
      %dma_start3A_926 = arith.constant 0 : i32
      %dma_start3A_927 = tpu.memref_slice %arg7[%dma_start3A_919, %dma_start3A_926] : memref<3x128xi32, #tpu.memory_space<vmem>> -> memref<1x128xi32, #tpu.memory_space<vmem>>
      %dma_start3A_928 = tpu.memref_squeeze %dma_start3A_927 : memref<1x128xi32, #tpu.memory_space<vmem>> -> memref<128xi32, #tpu.memory_space<vmem>>
      %dma_start3A_929 = arith.constant 0 : i32
      %dma_start3A_930 = tpu.memref_slice %arg4[%add3A_918, %dma_start3A_929] : memref<2594x128xi32, #tpu.memory_space<hbm>> -> memref<1x128xi32, #tpu.memory_space<hbm>>
      %dma_start3A_931 = tpu.memref_squeeze %dma_start3A_930 : memref<1x128xi32, #tpu.memory_space<hbm>> -> memref<128xi32, #tpu.memory_space<hbm>>
      tpu.enqueue_dma source(%dma_start3A_931 : memref<128xi32, #tpu.memory_space<hbm>>) target(%dma_start3A_928 : memref<128xi32, #tpu.memory_space<vmem>>) target_semaphore(%arg15 : memref<!tpu.dma_semaphore, #tpu.memory_space<semaphore_mem>>)
      %add3A_932 = arith.addi %mul3A_147, %add3A_917 : i32
      %dma_start3A_933 = arith.constant 1 : i32
      %dma_start3A_934 = arith.constant 0 : i32
      %dma_start3A_935 = tpu.memref_slice %arg8[%dma_start3A_933, %dma_start3A_934] : memref<3x128xi32, #tpu.memory_space<vmem>> -> memref<1x128xi32, #tpu.memory_space<vmem>>
      %dma_start3A_936 = tpu.memref_squeeze %dma_start3A_935 : memref<1x128xi32, #tpu.memory_space<vmem>> -> memref<128xi32, #tpu.memory_space<vmem>>
      %dma_start3A_937 = arith.constant 0 : i32
      %dma_start3A_938 = tpu.memref_slice %arg5[%add3A_932, %dma_start3A_937] : memref<2594x128xi32, #tpu.memory_space<hbm>> -> memref<1x128xi32, #tpu.memory_space<hbm>>
      %dma_start3A_939 = tpu.memref_squeeze %dma_start3A_938 : memref<1x128xi32, #tpu.memory_space<hbm>> -> memref<128xi32, #tpu.memory_space<hbm>>
      %dma_start3A_940 = arith.constant 0 : i32
      %dma_start3A_941 = tpu.memref_slice %arg8[%dma_start3A_933, %dma_start3A_940] : memref<3x128xi32, #tpu.memory_space<vmem>> -> memref<1x128xi32, #tpu.memory_space<vmem>>
      %dma_start3A_942 = tpu.memref_squeeze %dma_start3A_941 : memref<1x128xi32, #tpu.memory_space<vmem>> -> memref<128xi32, #tpu.memory_space<vmem>>
      %dma_start3A_943 = arith.constant 0 : i32
      %dma_start3A_944 = tpu.memref_slice %arg5[%add3A_932, %dma_start3A_943] : memref<2594x128xi32, #tpu.memory_space<hbm>> -> memref<1x128xi32, #tpu.memory_space<hbm>>
      %dma_start3A_945 = tpu.memref_squeeze %dma_start3A_944 : memref<1x128xi32, #tpu.memory_space<hbm>> -> memref<128xi32, #tpu.memory_space<hbm>>
      tpu.enqueue_dma source(%dma_start3A_945 : memref<128xi32, #tpu.memory_space<hbm>>) target(%dma_start3A_942 : memref<128xi32, #tpu.memory_space<vmem>>) target_semaphore(%arg15 : memref<!tpu.dma_semaphore, #tpu.memory_space<semaphore_mem>>)
      %dma_wait3A_946 = arith.constant 0 : i32
      %dma_wait3A_947 = arith.constant 0 : i32
      %dma_wait3A_948 = arith.constant 0 : i32
      %dma_wait3A_949 = tpu.memref_slice %arg9[%dma_wait3A_946, %dma_wait3A_947, %dma_wait3A_948] : memref<3x128x128xf32, #tpu.memory_space<vmem>> -> memref<1x64x128xf32, #tpu.memory_space<vmem>>
      %dma_wait3A_950 = tpu.memref_squeeze %dma_wait3A_949 : memref<1x64x128xf32, #tpu.memory_space<vmem>> -> memref<64x128xf32, #tpu.memory_space<vmem>>
      %dma_wait3A_951 = arith.constant 0 : i32
      %dma_wait3A_952 = arith.constant 0 : i32
      %dma_wait3A_953 = tpu.memref_slice %arg2[%dma_wait3A_951, %dma_wait3A_952] : memref<10112x128xf32, #tpu.memory_space<hbm>> -> memref<64x128xf32, #tpu.memory_space<hbm>>
      %dma_wait3A_954 = arith.constant 0 : i32
      %dma_wait3A_955 = arith.constant 0 : i32
      %dma_wait3A_956 = tpu.memref_slice %arg9[%dma_wait3A_946, %dma_wait3A_954, %dma_wait3A_955] : memref<3x128x128xf32, #tpu.memory_space<vmem>> -> memref<1x64x128xf32, #tpu.memory_space<vmem>>
      %dma_wait3A_957 = tpu.memref_squeeze %dma_wait3A_956 : memref<1x64x128xf32, #tpu.memory_space<vmem>> -> memref<64x128xf32, #tpu.memory_space<vmem>>
      %dma_wait3A_958 = arith.constant 0 : i32
      %dma_wait3A_959 = arith.constant 0 : i32
      %dma_wait3A_960 = tpu.memref_slice %arg2[%dma_wait3A_958, %dma_wait3A_959] : memref<10112x128xf32, #tpu.memory_space<hbm>> -> memref<64x128xf32, #tpu.memory_space<hbm>>
      tpu.wait_dma2 semaphore(%arg11 : memref<!tpu.dma_semaphore, #tpu.memory_space<semaphore_mem>>) src(%dma_wait3A_960 : memref<64x128xf32, #tpu.memory_space<hbm>>) dst(%dma_wait3A_957 : memref<64x128xf32, #tpu.memory_space<vmem>>)
      %dma_start3A_961 = arith.constant 0 : i32
      %dma_start3A_962 = arith.constant 0 : i32
      %dma_start3A_963 = arith.constant 0 : i32
      %dma_start3A_964 = arith.constant 0 : i32
      %dma_start3A_965 = tpu.memref_slice %arg9[%dma_start3A_962, %dma_start3A_963, %dma_start3A_964] : memref<3x128x128xf32, #tpu.memory_space<vmem>> -> memref<1x64x128xf32, #tpu.memory_space<vmem>>
      %dma_start3A_966 = tpu.memref_squeeze %dma_start3A_965 : memref<1x64x128xf32, #tpu.memory_space<vmem>> -> memref<64x128xf32, #tpu.memory_space<vmem>>
      %dma_start3A_967 = arith.constant 0 : i32
      %dma_start3A_968 = tpu.memref_slice %arg7[%dma_start3A_961, %dma_start3A_967] : memref<3x128xi32, #tpu.memory_space<vmem>> -> memref<1x64xi32, #tpu.memory_space<vmem>>
      %dma_start3A_969 = tpu.memref_squeeze %dma_start3A_968 : memref<1x64xi32, #tpu.memory_space<vmem>> -> memref<64xi32, #tpu.memory_space<vmem>>
      %dma_start3A_970 = arith.constant 0 : i32
      %dma_start3A_971 = arith.constant 0 : i32
      %dma_start3A_972 = tpu.memref_slice %arg2[%dma_start3A_970, %dma_start3A_971] : memref<10112x128xf32, #tpu.memory_space<hbm>> -> memref<10112x128xf32, #tpu.memory_space<hbm>>
      tpu.enqueue_indirect_dma source(%dma_start3A_972 : memref<10112x128xf32, #tpu.memory_space<hbm>>) target(%dma_start3A_966 : memref<64x128xf32, #tpu.memory_space<vmem>>) offsets(%dma_start3A_969 : memref<64xi32, #tpu.memory_space<vmem>>) semaphore(%arg11 : memref<!tpu.dma_semaphore, #tpu.memory_space<semaphore_mem>>) {add = true}
      %dma_wait3A_973 = arith.constant 0 : i32
      %dma_wait3A_974 = arith.constant 0 : i32
      %dma_wait3A_975 = arith.constant 0 : i32
      %dma_wait3A_976 = tpu.memref_slice %arg9[%dma_wait3A_973, %dma_wait3A_974, %dma_wait3A_975] : memref<3x128x128xf32, #tpu.memory_space<vmem>> -> memref<1x64x128xf32, #tpu.memory_space<vmem>>
      %dma_wait3A_977 = tpu.memref_squeeze %dma_wait3A_976 : memref<1x64x128xf32, #tpu.memory_space<vmem>> -> memref<64x128xf32, #tpu.memory_space<vmem>>
      %dma_wait3A_978 = arith.constant 0 : i32
      %dma_wait3A_979 = arith.constant 0 : i32
      %dma_wait3A_980 = tpu.memref_slice %arg2[%dma_wait3A_978, %dma_wait3A_979] : memref<10112x128xf32, #tpu.memory_space<hbm>> -> memref<64x128xf32, #tpu.memory_space<hbm>>
      %dma_wait3A_981 = arith.constant 0 : i32
      %dma_wait3A_982 = arith.constant 0 : i32
      %dma_wait3A_983 = tpu.memref_slice %arg9[%dma_wait3A_973, %dma_wait3A_981, %dma_wait3A_982] : memref<3x128x128xf32, #tpu.memory_space<vmem>> -> memref<1x64x128xf32, #tpu.memory_space<vmem>>
      %dma_wait3A_984 = tpu.memref_squeeze %dma_wait3A_983 : memref<1x64x128xf32, #tpu.memory_space<vmem>> -> memref<64x128xf32, #tpu.memory_space<vmem>>
      %dma_wait3A_985 = arith.constant 0 : i32
      %dma_wait3A_986 = arith.constant 0 : i32
      %dma_wait3A_987 = tpu.memref_slice %arg2[%dma_wait3A_985, %dma_wait3A_986] : memref<10112x128xf32, #tpu.memory_space<hbm>> -> memref<64x128xf32, #tpu.memory_space<hbm>>
      tpu.wait_dma2 semaphore(%arg14 : memref<!tpu.dma_semaphore, #tpu.memory_space<semaphore_mem>>) src(%dma_wait3A_987 : memref<64x128xf32, #tpu.memory_space<hbm>>) dst(%dma_wait3A_984 : memref<64x128xf32, #tpu.memory_space<vmem>>)
      %dma_start3A_988 = arith.constant 0 : i32
      %dma_start3A_989 = arith.constant 0 : i32
      %dma_start3A_990 = arith.constant 64 : i32
      %dma_start3A_991 = arith.constant 0 : i32
      %dma_start3A_992 = tpu.memref_slice %arg9[%dma_start3A_989, %dma_start3A_990, %dma_start3A_991] : memref<3x128x128xf32, #tpu.memory_space<vmem>> -> memref<1x64x128xf32, #tpu.memory_space<vmem>>
      %dma_start3A_993 = tpu.memref_squeeze %dma_start3A_992 : memref<1x64x128xf32, #tpu.memory_space<vmem>> -> memref<64x128xf32, #tpu.memory_space<vmem>>
      %dma_start3A_994 = arith.constant 64 : i32
      %dma_start3A_995 = tpu.memref_slice %arg7[%dma_start3A_988, %dma_start3A_994] : memref<3x128xi32, #tpu.memory_space<vmem>> -> memref<1x64xi32, #tpu.memory_space<vmem>>
      %dma_start3A_996 = tpu.memref_squeeze %dma_start3A_995 : memref<1x64xi32, #tpu.memory_space<vmem>> -> memref<64xi32, #tpu.memory_space<vmem>>
      %dma_start3A_997 = arith.constant 0 : i32
      %dma_start3A_998 = arith.constant 0 : i32
      %dma_start3A_999 = tpu.memref_slice %arg2[%dma_start3A_997, %dma_start3A_998] : memref<10112x128xf32, #tpu.memory_space<hbm>> -> memref<10112x128xf32, #tpu.memory_space<hbm>>
      tpu.enqueue_indirect_dma source(%dma_start3A_999 : memref<10112x128xf32, #tpu.memory_space<hbm>>) target(%dma_start3A_993 : memref<64x128xf32, #tpu.memory_space<vmem>>) offsets(%dma_start3A_996 : memref<64xi32, #tpu.memory_space<vmem>>) semaphore(%arg14 : memref<!tpu.dma_semaphore, #tpu.memory_space<semaphore_mem>>) {add = true}
      %scan3A_1000 = arith.constant 0 : i32
      %scan3A_1001 = arith.constant 64 : i32
      %scan3A_1002 = arith.addi %scan3A_1000, %scan3A_1001 : i32
      %scan3A_1003 = arith.constant 1 : i32
      scf.for %scan3A_1069 = %scan3A_1000 to %scan3A_1002 step %scan3A_1003  : i32 {
        %mul3A_1070 = arith.constant 2 : i32
        %mul3A_1071 = arith.muli %scan3A_1069, %mul3A_1070 : i32
        %add3A_1072 = arith.constant 0 : i32
        %add3A_1073 = arith.addi %add3A_1072, %mul3A_1071 : i32
        %add3A_1074 = arith.constant 0 : i32
        %add3A_1075 = arith.addi %add3A_1073, %add3A_1074 : i32
        %get3A = arith.constant 2 : i32
        %get3A_1076 = arith.index_cast %get3A : i32 to index
        %get3A_1077 = arith.index_cast %add3A_1075 : i32 to index
        %get3A_1078 = arith.constant 0 : index
        %get3A_1079 = tpu.vector_load %arg9[%get3A_1076, %get3A_1077, %get3A_1078] {strides = array<i32>} : memref<3x128x128xf32, #tpu.memory_space<vmem>>, vector<1x1x16xf32>,
        %get3A_1080 = vector.shape_cast %get3A_1079 : vector<1x1x16xf32> to vector<16xf32>
        %max3A = arith.constant 0.000000e+00 : f32
        %max3A_1081 = vector.broadcast %max3A : f32 to vector<16xf32>
        %max3A_1082 = arith.maximumf %get3A_1080, %max3A_1081 : vector<16xf32>
        %add3A_1083 = arith.constant 0 : i32
        %add3A_1084 = arith.addi %add3A_1073, %add3A_1083 : i32
        %swap3A = arith.constant 2 : i32
        %swap3A_1085 = arith.index_cast %swap3A : i32 to index
        %swap3A_1086 = arith.index_cast %add3A_1084 : i32 to index
        %swap3A_1087 = arith.constant 0 : index
        %swap3A_1088 = tpu.vector_load %arg9[%swap3A_1085, %swap3A_1086, %swap3A_1087] {strides = array<i32>} : memref<3x128x128xf32, #tpu.memory_space<vmem>>, vector<1x1x16xf32>,
        %swap3A_1089 = vector.shape_cast %swap3A_1088 : vector<1x1x16xf32> to vector<16xf32>
        %swap3A_1090 = vector.shape_cast %max3A_1082 : vector<16xf32> to vector<1x1x16xf32>
        tpu.vector_store %arg9[%swap3A_1085, %swap3A_1086, %swap3A_1087], %swap3A_1090 {strides = array<i32>} : memref<3x128x128xf32, #tpu.memory_space<vmem>>, vector<1x1x16xf32>,
        %add3A_1091 = arith.constant 0 : i32
        %add3A_1092 = arith.addi %add3A_1073, %add3A_1091 : i32
        %get3A_1093 = arith.constant 2 : i32
        %get3A_1094 = arith.index_cast %get3A_1093 : i32 to index
        %get3A_1095 = arith.index_cast %add3A_1092 : i32 to index
        %get3A_1096 = arith.constant 16 : index
        %get3A_1097 = tpu.vector_load %arg9[%get3A_1094, %get3A_1095, %get3A_1096] {strides = array<i32>} : memref<3x128x128xf32, #tpu.memory_space<vmem>>, vector<1x1x16xf32>,
        %get3A_1098 = vector.shape_cast %get3A_1097 : vector<1x1x16xf32> to vector<16xf32>
        %max3A_1099 = arith.constant 0.000000e+00 : f32
        %max3A_1100 = vector.broadcast %max3A_1099 : f32 to vector<16xf32>
        %max3A_1101 = arith.maximumf %get3A_1098, %max3A_1100 : vector<16xf32>
        %add3A_1102 = arith.constant 0 : i32
        %add3A_1103 = arith.addi %add3A_1073, %add3A_1102 : i32
        %swap3A_1104 = arith.constant 2 : i32
        %swap3A_1105 = arith.index_cast %swap3A_1104 : i32 to index
        %swap3A_1106 = arith.index_cast %add3A_1103 : i32 to index
        %swap3A_1107 = arith.constant 16 : index
        %swap3A_1108 = tpu.vector_load %arg9[%swap3A_1105, %swap3A_1106, %swap3A_1107] {strides = array<i32>} : memref<3x128x128xf32, #tpu.memory_space<vmem>>, vector<1x1x16xf32>,
        %swap3A_1109 = vector.shape_cast %swap3A_1108 : vector<1x1x16xf32> to vector<16xf32>
        %swap3A_1110 = vector.shape_cast %max3A_1101 : vector<16xf32> to vector<1x1x16xf32>
        tpu.vector_store %arg9[%swap3A_1105, %swap3A_1106, %swap3A_1107], %swap3A_1110 {strides = array<i32>} : memref<3x128x128xf32, #tpu.memory_space<vmem>>, vector<1x1x16xf32>,
        %add3A_1111 = arith.constant 0 : i32
        %add3A_1112 = arith.addi %add3A_1073, %add3A_1111 : i32
        %get3A_1113 = arith.constant 2 : i32
        %get3A_1114 = arith.index_cast %get3A_1113 : i32 to index
        %get3A_1115 = arith.index_cast %add3A_1112 : i32 to index
        %get3A_1116 = arith.constant 32 : index
        %get3A_1117 = tpu.vector_load %arg9[%get3A_1114, %get3A_1115, %get3A_1116] {strides = array<i32>} : memref<3x128x128xf32, #tpu.memory_space<vmem>>, vector<1x1x16xf32>,
        %get3A_1118 = vector.shape_cast %get3A_1117 : vector<1x1x16xf32> to vector<16xf32>
        %max3A_1119 = arith.constant 0.000000e+00 : f32
        %max3A_1120 = vector.broadcast %max3A_1119 : f32 to vector<16xf32>
        %max3A_1121 = arith.maximumf %get3A_1118, %max3A_1120 : vector<16xf32>
        %add3A_1122 = arith.constant 0 : i32
        %add3A_1123 = arith.addi %add3A_1073, %add3A_1122 : i32
        %swap3A_1124 = arith.constant 2 : i32
        %swap3A_1125 = arith.index_cast %swap3A_1124 : i32 to index
        %swap3A_1126 = arith.index_cast %add3A_1123 : i32 to index
        %swap3A_1127 = arith.constant 32 : index
        %swap3A_1128 = tpu.vector_load %arg9[%swap3A_1125, %swap3A_1126, %swap3A_1127] {strides = array<i32>} : memref<3x128x128xf32, #tpu.memory_space<vmem>>, vector<1x1x16xf32>,
        %swap3A_1129 = vector.shape_cast %swap3A_1128 : vector<1x1x16xf32> to vector<16xf32>
        %swap3A_1130 = vector.shape_cast %max3A_1121 : vector<16xf32> to vector<1x1x16xf32>
        tpu.vector_store %arg9[%swap3A_1125, %swap3A_1126, %swap3A_1127], %swap3A_1130 {strides = array<i32>} : memref<3x128x128xf32, #tpu.memory_space<vmem>>, vector<1x1x16xf32>,
        %add3A_1131 = arith.constant 0 : i32
        %add3A_1132 = arith.addi %add3A_1073, %add3A_1131 : i32
        %get3A_1133 = arith.constant 2 : i32
        %get3A_1134 = arith.index_cast %get3A_1133 : i32 to index
        %get3A_1135 = arith.index_cast %add3A_1132 : i32 to index
        %get3A_1136 = arith.constant 48 : index
        %get3A_1137 = tpu.vector_load %arg9[%get3A_1134, %get3A_1135, %get3A_1136] {strides = array<i32>} : memref<3x128x128xf32, #tpu.memory_space<vmem>>, vector<1x1x16xf32>,
        %get3A_1138 = vector.shape_cast %get3A_1137 : vector<1x1x16xf32> to vector<16xf32>
        %max3A_1139 = arith.constant 0.000000e+00 : f32
        %max3A_1140 = vector.broadcast %max3A_1139 : f32 to vector<16xf32>
        %max3A_1141 = arith.maximumf %get3A_1138, %max3A_1140 : vector<16xf32>
        %add3A_1142 = arith.constant 0 : i32
        %add3A_1143 = arith.addi %add3A_1073, %add3A_1142 : i32
        %swap3A_1144 = arith.constant 2 : i32
        %swap3A_1145 = arith.index_cast %swap3A_1144 : i32 to index
        %swap3A_1146 = arith.index_cast %add3A_1143 : i32 to index
        %swap3A_1147 = arith.constant 48 : index
        %swap3A_1148 = tpu.vector_load %arg9[%swap3A_1145, %swap3A_1146, %swap3A_1147] {strides = array<i32>} : memref<3x128x128xf32, #tpu.memory_space<vmem>>, vector<1x1x16xf32>,
        %swap3A_1149 = vector.shape_cast %swap3A_1148 : vector<1x1x16xf32> to vector<16xf32>
        %swap3A_1150 = vector.shape_cast %max3A_1141 : vector<16xf32> to vector<1x1x16xf32>
        tpu.vector_store %arg9[%swap3A_1145, %swap3A_1146, %swap3A_1147], %swap3A_1150 {strides = array<i32>} : memref<3x128x128xf32, #tpu.memory_space<vmem>>, vector<1x1x16xf32>,
        %add3A_1151 = arith.constant 0 : i32
        %add3A_1152 = arith.addi %add3A_1073, %add3A_1151 : i32
        %get3A_1153 = arith.constant 2 : i32
        %get3A_1154 = arith.index_cast %get3A_1153 : i32 to index
        %get3A_1155 = arith.index_cast %add3A_1152 : i32 to index
        %get3A_1156 = arith.constant 64 : index
        %get3A_1157 = tpu.vector_load %arg9[%get3A_1154, %get3A_1155, %get3A_1156] {strides = array<i32>} : memref<3x128x128xf32, #tpu.memory_space<vmem>>, vector<1x1x16xf32>,
        %get3A_1158 = vector.shape_cast %get3A_1157 : vector<1x1x16xf32> to vector<16xf32>
        %max3A_1159 = arith.constant 0.000000e+00 : f32
        %max3A_1160 = vector.broadcast %max3A_1159 : f32 to vector<16xf32>
        %max3A_1161 = arith.maximumf %get3A_1158, %max3A_1160 : vector<16xf32>
        %add3A_1162 = arith.constant 0 : i32
        %add3A_1163 = arith.addi %add3A_1073, %add3A_1162 : i32
        %swap3A_1164 = arith.constant 2 : i32
        %swap3A_1165 = arith.index_cast %swap3A_1164 : i32 to index
        %swap3A_1166 = arith.index_cast %add3A_1163 : i32 to index
        %swap3A_1167 = arith.constant 64 : index
        %swap3A_1168 = tpu.vector_load %arg9[%swap3A_1165, %swap3A_1166, %swap3A_1167] {strides = array<i32>} : memref<3x128x128xf32, #tpu.memory_space<vmem>>, vector<1x1x16xf32>,
        %swap3A_1169 = vector.shape_cast %swap3A_1168 : vector<1x1x16xf32> to vector<16xf32>
        %swap3A_1170 = vector.shape_cast %max3A_1161 : vector<16xf32> to vector<1x1x16xf32>
        tpu.vector_store %arg9[%swap3A_1165, %swap3A_1166, %swap3A_1167], %swap3A_1170 {strides = array<i32>} : memref<3x128x128xf32, #tpu.memory_space<vmem>>, vector<1x1x16xf32>,
        %add3A_1171 = arith.constant 0 : i32
        %add3A_1172 = arith.addi %add3A_1073, %add3A_1171 : i32
        %get3A_1173 = arith.constant 2 : i32
        %get3A_1174 = arith.index_cast %get3A_1173 : i32 to index
        %get3A_1175 = arith.index_cast %add3A_1172 : i32 to index
        %get3A_1176 = arith.constant 80 : index
        %get3A_1177 = tpu.vector_load %arg9[%get3A_1174, %get3A_1175, %get3A_1176] {strides = array<i32>} : memref<3x128x128xf32, #tpu.memory_space<vmem>>, vector<1x1x16xf32>,
        %get3A_1178 = vector.shape_cast %get3A_1177 : vector<1x1x16xf32> to vector<16xf32>
        %max3A_1179 = arith.constant 0.000000e+00 : f32
        %max3A_1180 = vector.broadcast %max3A_1179 : f32 to vector<16xf32>
        %max3A_1181 = arith.maximumf %get3A_1178, %max3A_1180 : vector<16xf32>
        %add3A_1182 = arith.constant 0 : i32
        %add3A_1183 = arith.addi %add3A_1073, %add3A_1182 : i32
        %swap3A_1184 = arith.constant 2 : i32
        %swap3A_1185 = arith.index_cast %swap3A_1184 : i32 to index
        %swap3A_1186 = arith.index_cast %add3A_1183 : i32 to index
        %swap3A_1187 = arith.constant 80 : index
        %swap3A_1188 = tpu.vector_load %arg9[%swap3A_1185, %swap3A_1186, %swap3A_1187] {strides = array<i32>} : memref<3x128x128xf32, #tpu.memory_space<vmem>>, vector<1x1x16xf32>,
        %swap3A_1189 = vector.shape_cast %swap3A_1188 : vector<1x1x16xf32> to vector<16xf32>
        %swap3A_1190 = vector.shape_cast %max3A_1181 : vector<16xf32> to vector<1x1x16xf32>
        tpu.vector_store %arg9[%swap3A_1185, %swap3A_1186, %swap3A_1187], %swap3A_1190 {strides = array<i32>} : memref<3x128x128xf32, #tpu.memory_space<vmem>>, vector<1x1x16xf32>,
        %add3A_1191 = arith.constant 0 : i32
        %add3A_1192 = arith.addi %add3A_1073, %add3A_1191 : i32
        %get3A_1193 = arith.constant 2 : i32
        %get3A_1194 = arith.index_cast %get3A_1193 : i32 to index
        %get3A_1195 = arith.index_cast %add3A_1192 : i32 to index
        %get3A_1196 = arith.constant 96 : index
        %get3A_1197 = tpu.vector_load %arg9[%get3A_1194, %get3A_1195, %get3A_1196] {strides = array<i32>} : memref<3x128x128xf32, #tpu.memory_space<vmem>>, vector<1x1x16xf32>,
        %get3A_1198 = vector.shape_cast %get3A_1197 : vector<1x1x16xf32> to vector<16xf32>
        %max3A_1199 = arith.constant 0.000000e+00 : f32
        %max3A_1200 = vector.broadcast %max3A_1199 : f32 to vector<16xf32>
        %max3A_1201 = arith.maximumf %get3A_1198, %max3A_1200 : vector<16xf32>
        %add3A_1202 = arith.constant 0 : i32
        %add3A_1203 = arith.addi %add3A_1073, %add3A_1202 : i32
        %swap3A_1204 = arith.constant 2 : i32
        %swap3A_1205 = arith.index_cast %swap3A_1204 : i32 to index
        %swap3A_1206 = arith.index_cast %add3A_1203 : i32 to index
        %swap3A_1207 = arith.constant 96 : index
        %swap3A_1208 = tpu.vector_load %arg9[%swap3A_1205, %swap3A_1206, %swap3A_1207] {strides = array<i32>} : memref<3x128x128xf32, #tpu.memory_space<vmem>>, vector<1x1x16xf32>,
        %swap3A_1209 = vector.shape_cast %swap3A_1208 : vector<1x1x16xf32> to vector<16xf32>
        %swap3A_1210 = vector.shape_cast %max3A_1201 : vector<16xf32> to vector<1x1x16xf32>
        tpu.vector_store %arg9[%swap3A_1205, %swap3A_1206, %swap3A_1207], %swap3A_1210 {strides = array<i32>} : memref<3x128x128xf32, #tpu.memory_space<vmem>>, vector<1x1x16xf32>,
        %add3A_1211 = arith.constant 0 : i32
        %add3A_1212 = arith.addi %add3A_1073, %add3A_1211 : i32
        %get3A_1213 = arith.constant 2 : i32
        %get3A_1214 = arith.index_cast %get3A_1213 : i32 to index
        %get3A_1215 = arith.index_cast %add3A_1212 : i32 to index
        %get3A_1216 = arith.constant 112 : index
        %get3A_1217 = tpu.vector_load %arg9[%get3A_1214, %get3A_1215, %get3A_1216] {strides = array<i32>} : memref<3x128x128xf32, #tpu.memory_space<vmem>>, vector<1x1x16xf32>,
        %get3A_1218 = vector.shape_cast %get3A_1217 : vector<1x1x16xf32> to vector<16xf32>
        %max3A_1219 = arith.constant 0.000000e+00 : f32
        %max3A_1220 = vector.broadcast %max3A_1219 : f32 to vector<16xf32>
        %max3A_1221 = arith.maximumf %get3A_1218, %max3A_1220 : vector<16xf32>
        %add3A_1222 = arith.constant 0 : i32
        %add3A_1223 = arith.addi %add3A_1073, %add3A_1222 : i32
        %swap3A_1224 = arith.constant 2 : i32
        %swap3A_1225 = arith.index_cast %swap3A_1224 : i32 to index
        %swap3A_1226 = arith.index_cast %add3A_1223 : i32 to index
        %swap3A_1227 = arith.constant 112 : index
        %swap3A_1228 = tpu.vector_load %arg9[%swap3A_1225, %swap3A_1226, %swap3A_1227] {strides = array<i32>} : memref<3x128x128xf32, #tpu.memory_space<vmem>>, vector<1x1x16xf32>,
        %swap3A_1229 = vector.shape_cast %swap3A_1228 : vector<1x1x16xf32> to vector<16xf32>
        %swap3A_1230 = vector.shape_cast %max3A_1221 : vector<16xf32> to vector<1x1x16xf32>
        tpu.vector_store %arg9[%swap3A_1225, %swap3A_1226, %swap3A_1227], %swap3A_1230 {strides = array<i32>} : memref<3x128x128xf32, #tpu.memory_space<vmem>>, vector<1x1x16xf32>,
        %add3A_1231 = arith.constant 1 : i32
        %add3A_1232 = arith.addi %add3A_1073, %add3A_1231 : i32
        %get3A_1233 = arith.constant 2 : i32
        %get3A_1234 = arith.index_cast %get3A_1233 : i32 to index
        %get3A_1235 = arith.index_cast %add3A_1232 : i32 to index
        %get3A_1236 = arith.constant 0 : index
        %get3A_1237 = tpu.vector_load %arg9[%get3A_1234, %get3A_1235, %get3A_1236] {strides = array<i32>} : memref<3x128x128xf32, #tpu.memory_space<vmem>>, vector<1x1x16xf32>,
        %get3A_1238 = vector.shape_cast %get3A_1237 : vector<1x1x16xf32> to vector<16xf32>
        %max3A_1239 = arith.constant 0.000000e+00 : f32
        %max3A_1240 = vector.broadcast %max3A_1239 : f32 to vector<16xf32>
        %max3A_1241 = arith.maximumf %get3A_1238, %max3A_1240 : vector<16xf32>
        %add3A_1242 = arith.constant 1 : i32
        %add3A_1243 = arith.addi %add3A_1073, %add3A_1242 : i32
        %swap3A_1244 = arith.constant 2 : i32
        %swap3A_1245 = arith.index_cast %swap3A_1244 : i32 to index
        %swap3A_1246 = arith.index_cast %add3A_1243 : i32 to index
        %swap3A_1247 = arith.constant 0 : index
        %swap3A_1248 = tpu.vector_load %arg9[%swap3A_1245, %swap3A_1246, %swap3A_1247] {strides = array<i32>} : memref<3x128x128xf32, #tpu.memory_space<vmem>>, vector<1x1x16xf32>,
        %swap3A_1249 = vector.shape_cast %swap3A_1248 : vector<1x1x16xf32> to vector<16xf32>
        %swap3A_1250 = vector.shape_cast %max3A_1241 : vector<16xf32> to vector<1x1x16xf32>
        tpu.vector_store %arg9[%swap3A_1245, %swap3A_1246, %swap3A_1247], %swap3A_1250 {strides = array<i32>} : memref<3x128x128xf32, #tpu.memory_space<vmem>>, vector<1x1x16xf32>,
        %add3A_1251 = arith.constant 1 : i32
        %add3A_1252 = arith.addi %add3A_1073, %add3A_1251 : i32
        %get3A_1253 = arith.constant 2 : i32
        %get3A_1254 = arith.index_cast %get3A_1253 : i32 to index
        %get3A_1255 = arith.index_cast %add3A_1252 : i32 to index
        %get3A_1256 = arith.constant 16 : index
        %get3A_1257 = tpu.vector_load %arg9[%get3A_1254, %get3A_1255, %get3A_1256] {strides = array<i32>} : memref<3x128x128xf32, #tpu.memory_space<vmem>>, vector<1x1x16xf32>,
        %get3A_1258 = vector.shape_cast %get3A_1257 : vector<1x1x16xf32> to vector<16xf32>
        %max3A_1259 = arith.constant 0.000000e+00 : f32
        %max3A_1260 = vector.broadcast %max3A_1259 : f32 to vector<16xf32>
        %max3A_1261 = arith.maximumf %get3A_1258, %max3A_1260 : vector<16xf32>
        %add3A_1262 = arith.constant 1 : i32
        %add3A_1263 = arith.addi %add3A_1073, %add3A_1262 : i32
        %swap3A_1264 = arith.constant 2 : i32
        %swap3A_1265 = arith.index_cast %swap3A_1264 : i32 to index
        %swap3A_1266 = arith.index_cast %add3A_1263 : i32 to index
        %swap3A_1267 = arith.constant 16 : index
        %swap3A_1268 = tpu.vector_load %arg9[%swap3A_1265, %swap3A_1266, %swap3A_1267] {strides = array<i32>} : memref<3x128x128xf32, #tpu.memory_space<vmem>>, vector<1x1x16xf32>,
        %swap3A_1269 = vector.shape_cast %swap3A_1268 : vector<1x1x16xf32> to vector<16xf32>
        %swap3A_1270 = vector.shape_cast %max3A_1261 : vector<16xf32> to vector<1x1x16xf32>
        tpu.vector_store %arg9[%swap3A_1265, %swap3A_1266, %swap3A_1267], %swap3A_1270 {strides = array<i32>} : memref<3x128x128xf32, #tpu.memory_space<vmem>>, vector<1x1x16xf32>,
        %add3A_1271 = arith.constant 1 : i32
        %add3A_1272 = arith.addi %add3A_1073, %add3A_1271 : i32
        %get3A_1273 = arith.constant 2 : i32
        %get3A_1274 = arith.index_cast %get3A_1273 : i32 to index
        %get3A_1275 = arith.index_cast %add3A_1272 : i32 to index
        %get3A_1276 = arith.constant 32 : index
        %get3A_1277 = tpu.vector_load %arg9[%get3A_1274, %get3A_1275, %get3A_1276] {strides = array<i32>} : memref<3x128x128xf32, #tpu.memory_space<vmem>>, vector<1x1x16xf32>,
        %get3A_1278 = vector.shape_cast %get3A_1277 : vector<1x1x16xf32> to vector<16xf32>
        %max3A_1279 = arith.constant 0.000000e+00 : f32
        %max3A_1280 = vector.broadcast %max3A_1279 : f32 to vector<16xf32>
        %max3A_1281 = arith.maximumf %get3A_1278, %max3A_1280 : vector<16xf32>
        %add3A_1282 = arith.constant 1 : i32
        %add3A_1283 = arith.addi %add3A_1073, %add3A_1282 : i32
        %swap3A_1284 = arith.constant 2 : i32
        %swap3A_1285 = arith.index_cast %swap3A_1284 : i32 to index
        %swap3A_1286 = arith.index_cast %add3A_1283 : i32 to index
        %swap3A_1287 = arith.constant 32 : index
        %swap3A_1288 = tpu.vector_load %arg9[%swap3A_1285, %swap3A_1286, %swap3A_1287] {strides = array<i32>} : memref<3x128x128xf32, #tpu.memory_space<vmem>>, vector<1x1x16xf32>,
        %swap3A_1289 = vector.shape_cast %swap3A_1288 : vector<1x1x16xf32> to vector<16xf32>
        %swap3A_1290 = vector.shape_cast %max3A_1281 : vector<16xf32> to vector<1x1x16xf32>
        tpu.vector_store %arg9[%swap3A_1285, %swap3A_1286, %swap3A_1287], %swap3A_1290 {strides = array<i32>} : memref<3x128x128xf32, #tpu.memory_space<vmem>>, vector<1x1x16xf32>,
        %add3A_1291 = arith.constant 1 : i32
        %add3A_1292 = arith.addi %add3A_1073, %add3A_1291 : i32
        %get3A_1293 = arith.constant 2 : i32
        %get3A_1294 = arith.index_cast %get3A_1293 : i32 to index
        %get3A_1295 = arith.index_cast %add3A_1292 : i32 to index
        %get3A_1296 = arith.constant 48 : index
        %get3A_1297 = tpu.vector_load %arg9[%get3A_1294, %get3A_1295, %get3A_1296] {strides = array<i32>} : memref<3x128x128xf32, #tpu.memory_space<vmem>>, vector<1x1x16xf32>,
        %get3A_1298 = vector.shape_cast %get3A_1297 : vector<1x1x16xf32> to vector<16xf32>
        %max3A_1299 = arith.constant 0.000000e+00 : f32
        %max3A_1300 = vector.broadcast %max3A_1299 : f32 to vector<16xf32>
        %max3A_1301 = arith.maximumf %get3A_1298, %max3A_1300 : vector<16xf32>
        %add3A_1302 = arith.constant 1 : i32
        %add3A_1303 = arith.addi %add3A_1073, %add3A_1302 : i32
        %swap3A_1304 = arith.constant 2 : i32
        %swap3A_1305 = arith.index_cast %swap3A_1304 : i32 to index
        %swap3A_1306 = arith.index_cast %add3A_1303 : i32 to index
        %swap3A_1307 = arith.constant 48 : index
        %swap3A_1308 = tpu.vector_load %arg9[%swap3A_1305, %swap3A_1306, %swap3A_1307] {strides = array<i32>} : memref<3x128x128xf32, #tpu.memory_space<vmem>>, vector<1x1x16xf32>,
        %swap3A_1309 = vector.shape_cast %swap3A_1308 : vector<1x1x16xf32> to vector<16xf32>
        %swap3A_1310 = vector.shape_cast %max3A_1301 : vector<16xf32> to vector<1x1x16xf32>
        tpu.vector_store %arg9[%swap3A_1305, %swap3A_1306, %swap3A_1307], %swap3A_1310 {strides = array<i32>} : memref<3x128x128xf32, #tpu.memory_space<vmem>>, vector<1x1x16xf32>,
        %add3A_1311 = arith.constant 1 : i32
        %add3A_1312 = arith.addi %add3A_1073, %add3A_1311 : i32
        %get3A_1313 = arith.constant 2 : i32
        %get3A_1314 = arith.index_cast %get3A_1313 : i32 to index
        %get3A_1315 = arith.index_cast %add3A_1312 : i32 to index
        %get3A_1316 = arith.constant 64 : index
        %get3A_1317 = tpu.vector_load %arg9[%get3A_1314, %get3A_1315, %get3A_1316] {strides = array<i32>} : memref<3x128x128xf32, #tpu.memory_space<vmem>>, vector<1x1x16xf32>,
        %get3A_1318 = vector.shape_cast %get3A_1317 : vector<1x1x16xf32> to vector<16xf32>
        %max3A_1319 = arith.constant 0.000000e+00 : f32
        %max3A_1320 = vector.broadcast %max3A_1319 : f32 to vector<16xf32>
        %max3A_1321 = arith.maximumf %get3A_1318, %max3A_1320 : vector<16xf32>
        %add3A_1322 = arith.constant 1 : i32
        %add3A_1323 = arith.addi %add3A_1073, %add3A_1322 : i32
        %swap3A_1324 = arith.constant 2 : i32
        %swap3A_1325 = arith.index_cast %swap3A_1324 : i32 to index
        %swap3A_1326 = arith.index_cast %add3A_1323 : i32 to index
        %swap3A_1327 = arith.constant 64 : index
        %swap3A_1328 = tpu.vector_load %arg9[%swap3A_1325, %swap3A_1326, %swap3A_1327] {strides = array<i32>} : memref<3x128x128xf32, #tpu.memory_space<vmem>>, vector<1x1x16xf32>,
        %swap3A_1329 = vector.shape_cast %swap3A_1328 : vector<1x1x16xf32> to vector<16xf32>
        %swap3A_1330 = vector.shape_cast %max3A_1321 : vector<16xf32> to vector<1x1x16xf32>
        tpu.vector_store %arg9[%swap3A_1325, %swap3A_1326, %swap3A_1327], %swap3A_1330 {strides = array<i32>} : memref<3x128x128xf32, #tpu.memory_space<vmem>>, vector<1x1x16xf32>,
        %add3A_1331 = arith.constant 1 : i32
        %add3A_1332 = arith.addi %add3A_1073, %add3A_1331 : i32
        %get3A_1333 = arith.constant 2 : i32
        %get3A_1334 = arith.index_cast %get3A_1333 : i32 to index
        %get3A_1335 = arith.index_cast %add3A_1332 : i32 to index
        %get3A_1336 = arith.constant 80 : index
        %get3A_1337 = tpu.vector_load %arg9[%get3A_1334, %get3A_1335, %get3A_1336] {strides = array<i32>} : memref<3x128x128xf32, #tpu.memory_space<vmem>>, vector<1x1x16xf32>,
        %get3A_1338 = vector.shape_cast %get3A_1337 : vector<1x1x16xf32> to vector<16xf32>
        %max3A_1339 = arith.constant 0.000000e+00 : f32
        %max3A_1340 = vector.broadcast %max3A_1339 : f32 to vector<16xf32>
        %max3A_1341 = arith.maximumf %get3A_1338, %max3A_1340 : vector<16xf32>
        %add3A_1342 = arith.constant 1 : i32
        %add3A_1343 = arith.addi %add3A_1073, %add3A_1342 : i32
        %swap3A_1344 = arith.constant 2 : i32
        %swap3A_1345 = arith.index_cast %swap3A_1344 : i32 to index
        %swap3A_1346 = arith.index_cast %add3A_1343 : i32 to index
        %swap3A_1347 = arith.constant 80 : index
        %swap3A_1348 = tpu.vector_load %arg9[%swap3A_1345, %swap3A_1346, %swap3A_1347] {strides = array<i32>} : memref<3x128x128xf32, #tpu.memory_space<vmem>>, vector<1x1x16xf32>,
        %swap3A_1349 = vector.shape_cast %swap3A_1348 : vector<1x1x16xf32> to vector<16xf32>
        %swap3A_1350 = vector.shape_cast %max3A_1341 : vector<16xf32> to vector<1x1x16xf32>
        tpu.vector_store %arg9[%swap3A_1345, %swap3A_1346, %swap3A_1347], %swap3A_1350 {strides = array<i32>} : memref<3x128x128xf32, #tpu.memory_space<vmem>>, vector<1x1x16xf32>,
        %add3A_1351 = arith.constant 1 : i32
        %add3A_1352 = arith.addi %add3A_1073, %add3A_1351 : i32
        %get3A_1353 = arith.constant 2 : i32
        %get3A_1354 = arith.index_cast %get3A_1353 : i32 to index
        %get3A_1355 = arith.index_cast %add3A_1352 : i32 to index
        %get3A_1356 = arith.constant 96 : index
        %get3A_1357 = tpu.vector_load %arg9[%get3A_1354, %get3A_1355, %get3A_1356] {strides = array<i32>} : memref<3x128x128xf32, #tpu.memory_space<vmem>>, vector<1x1x16xf32>,
        %get3A_1358 = vector.shape_cast %get3A_1357 : vector<1x1x16xf32> to vector<16xf32>
        %max3A_1359 = arith.constant 0.000000e+00 : f32
        %max3A_1360 = vector.broadcast %max3A_1359 : f32 to vector<16xf32>
        %max3A_1361 = arith.maximumf %get3A_1358, %max3A_1360 : vector<16xf32>
        %add3A_1362 = arith.constant 1 : i32
        %add3A_1363 = arith.addi %add3A_1073, %add3A_1362 : i32
        %swap3A_1364 = arith.constant 2 : i32
        %swap3A_1365 = arith.index_cast %swap3A_1364 : i32 to index
        %swap3A_1366 = arith.index_cast %add3A_1363 : i32 to index
        %swap3A_1367 = arith.constant 96 : index
        %swap3A_1368 = tpu.vector_load %arg9[%swap3A_1365, %swap3A_1366, %swap3A_1367] {strides = array<i32>} : memref<3x128x128xf32, #tpu.memory_space<vmem>>, vector<1x1x16xf32>,
        %swap3A_1369 = vector.shape_cast %swap3A_1368 : vector<1x1x16xf32> to vector<16xf32>
        %swap3A_1370 = vector.shape_cast %max3A_1361 : vector<16xf32> to vector<1x1x16xf32>
        tpu.vector_store %arg9[%swap3A_1365, %swap3A_1366, %swap3A_1367], %swap3A_1370 {strides = array<i32>} : memref<3x128x128xf32, #tpu.memory_space<vmem>>, vector<1x1x16xf32>,
        %add3A_1371 = arith.constant 1 : i32
        %add3A_1372 = arith.addi %add3A_1073, %add3A_1371 : i32
        %get3A_1373 = arith.constant 2 : i32
        %get3A_1374 = arith.index_cast %get3A_1373 : i32 to index
        %get3A_1375 = arith.index_cast %add3A_1372 : i32 to index
        %get3A_1376 = arith.constant 112 : index
        %get3A_1377 = tpu.vector_load %arg9[%get3A_1374, %get3A_1375, %get3A_1376] {strides = array<i32>} : memref<3x128x128xf32, #tpu.memory_space<vmem>>, vector<1x1x16xf32>,
        %get3A_1378 = vector.shape_cast %get3A_1377 : vector<1x1x16xf32> to vector<16xf32>
        %max3A_1379 = arith.constant 0.000000e+00 : f32
        %max3A_1380 = vector.broadcast %max3A_1379 : f32 to vector<16xf32>
        %max3A_1381 = arith.maximumf %get3A_1378, %max3A_1380 : vector<16xf32>
        %add3A_1382 = arith.constant 1 : i32
        %add3A_1383 = arith.addi %add3A_1073, %add3A_1382 : i32
        %swap3A_1384 = arith.constant 2 : i32
        %swap3A_1385 = arith.index_cast %swap3A_1384 : i32 to index
        %swap3A_1386 = arith.index_cast %add3A_1383 : i32 to index
        %swap3A_1387 = arith.constant 112 : index
        %swap3A_1388 = tpu.vector_load %arg9[%swap3A_1385, %swap3A_1386, %swap3A_1387] {strides = array<i32>} : memref<3x128x128xf32, #tpu.memory_space<vmem>>, vector<1x1x16xf32>,
        %swap3A_1389 = vector.shape_cast %swap3A_1388 : vector<1x1x16xf32> to vector<16xf32>
        %swap3A_1390 = vector.shape_cast %max3A_1381 : vector<16xf32> to vector<1x1x16xf32>
        tpu.vector_store %arg9[%swap3A_1385, %swap3A_1386, %swap3A_1387], %swap3A_1390 {strides = array<i32>} : memref<3x128x128xf32, #tpu.memory_space<vmem>>, vector<1x1x16xf32>,
      }
      %scan3A_1004 = arith.constant 64 : i32
      %dma_start3A_1005 = arith.constant 2 : i32
      %dma_start3A_1006 = arith.constant 2 : i32
      %dma_start3A_1007 = arith.constant 0 : i32
      %dma_start3A_1008 = arith.constant 0 : i32
      %dma_start3A_1009 = tpu.memref_slice %arg9[%dma_start3A_1005, %dma_start3A_1007, %dma_start3A_1008] : memref<3x128x128xf32, #tpu.memory_space<vmem>> -> memref<1x128x128xf32, #tpu.memory_space<vmem>>
      %dma_start3A_1010 = tpu.memref_squeeze %dma_start3A_1009 : memref<1x128x128xf32, #tpu.memory_space<vmem>> -> memref<128x128xf32, #tpu.memory_space<vmem>>
      %dma_start3A_1011 = arith.constant 0 : i32
      %dma_start3A_1012 = tpu.memref_slice %arg8[%dma_start3A_1006, %dma_start3A_1011] : memref<3x128xi32, #tpu.memory_space<vmem>> -> memref<1x128xi32, #tpu.memory_space<vmem>>
      %dma_start3A_1013 = tpu.memref_squeeze %dma_start3A_1012 : memref<1x128xi32, #tpu.memory_space<vmem>> -> memref<128xi32, #tpu.memory_space<vmem>>
      %dma_start3A_1014 = arith.constant 0 : i32
      %dma_start3A_1015 = arith.constant 0 : i32
      %dma_start3A_1016 = tpu.memref_slice %arg10[%dma_start3A_1014, %dma_start3A_1015] : memref<10112x128xf32, #tpu.memory_space<vmem_shared>> -> memref<10112x128xf32, #tpu.memory_space<vmem_shared>>
      tpu.enqueue_indirect_dma source(%dma_start3A_1010 : memref<128x128xf32, #tpu.memory_space<vmem>>) target(%dma_start3A_1016 : memref<10112x128xf32, #tpu.memory_space<vmem_shared>>) offsets(%dma_start3A_1013 : memref<128xi32, #tpu.memory_space<vmem>>) semaphore(%arg13 : memref<!tpu.dma_semaphore, #tpu.memory_space<semaphore_mem>>) {add = true}
      %dma_wait3A_1017 = arith.constant 0 : i32
      %dma_wait3A_1018 = arith.constant 1 : i32
      %dma_wait3A_1019 = arith.constant 0 : i32
      %dma_wait3A_1020 = tpu.memref_slice %arg7[%dma_wait3A_1018, %dma_wait3A_1019] : memref<3x128xi32, #tpu.memory_space<vmem>> -> memref<1x128xi32, #tpu.memory_space<vmem>>
      %dma_wait3A_1021 = tpu.memref_squeeze %dma_wait3A_1020 : memref<1x128xi32, #tpu.memory_space<vmem>> -> memref<128xi32, #tpu.memory_space<vmem>>
      %dma_wait3A_1022 = arith.constant 0 : i32
      %dma_wait3A_1023 = tpu.memref_slice %arg4[%dma_wait3A_1017, %dma_wait3A_1022] : memref<2594x128xi32, #tpu.memory_space<hbm>> -> memref<1x128xi32, #tpu.memory_space<hbm>>
      %dma_wait3A_1024 = tpu.memref_squeeze %dma_wait3A_1023 : memref<1x128xi32, #tpu.memory_space<hbm>> -> memref<128xi32, #tpu.memory_space<hbm>>
      %dma_wait3A_1025 = arith.constant 0 : i32
      %dma_wait3A_1026 = tpu.memref_slice %arg7[%dma_wait3A_1018, %dma_wait3A_1025] : memref<3x128xi32, #tpu.memory_space<vmem>> -> memref<1x128xi32, #tpu.memory_space<vmem>>
      %dma_wait3A_1027 = tpu.memref_squeeze %dma_wait3A_1026 : memref<1x128xi32, #tpu.memory_space<vmem>> -> memref<128xi32, #tpu.memory_space<vmem>>
      %dma_wait3A_1028 = arith.constant 0 : i32
      %dma_wait3A_1029 = tpu.memref_slice %arg4[%dma_wait3A_1017, %dma_wait3A_1028] : memref<2594x128xi32, #tpu.memory_space<hbm>> -> memref<1x128xi32, #tpu.memory_space<hbm>>
      %dma_wait3A_1030 = tpu.memref_squeeze %dma_wait3A_1029 : memref<1x128xi32, #tpu.memory_space<hbm>> -> memref<128xi32, #tpu.memory_space<hbm>>
      tpu.wait_dma2 semaphore(%arg15 : memref<!tpu.dma_semaphore, #tpu.memory_space<semaphore_mem>>) src(%dma_wait3A_1030 : memref<128xi32, #tpu.memory_space<hbm>>) dst(%dma_wait3A_1027 : memref<128xi32, #tpu.memory_space<vmem>>)
      %dma_wait3A_1031 = arith.constant 0 : i32
      %dma_wait3A_1032 = arith.constant 1 : i32
      %dma_wait3A_1033 = arith.constant 0 : i32
      %dma_wait3A_1034 = tpu.memref_slice %arg8[%dma_wait3A_1032, %dma_wait3A_1033] : memref<3x128xi32, #tpu.memory_space<vmem>> -> memref<1x128xi32, #tpu.memory_space<vmem>>
      %dma_wait3A_1035 = tpu.memref_squeeze %dma_wait3A_1034 : memref<1x128xi32, #tpu.memory_space<vmem>> -> memref<128xi32, #tpu.memory_space<vmem>>
      %dma_wait3A_1036 = arith.constant 0 : i32
      %dma_wait3A_1037 = tpu.memref_slice %arg5[%dma_wait3A_1031, %dma_wait3A_1036] : memref<2594x128xi32, #tpu.memory_space<hbm>> -> memref<1x128xi32, #tpu.memory_space<hbm>>
      %dma_wait3A_1038 = tpu.memref_squeeze %dma_wait3A_1037 : memref<1x128xi32, #tpu.memory_space<hbm>> -> memref<128xi32, #tpu.memory_space<hbm>>
      %dma_wait3A_1039 = arith.constant 0 : i32
      %dma_wait3A_1040 = tpu.memref_slice %arg8[%dma_wait3A_1032, %dma_wait3A_1039] : memref<3x128xi32, #tpu.memory_space<vmem>> -> memref<1x128xi32, #tpu.memory_space<vmem>>
      %dma_wait3A_1041 = tpu.memref_squeeze %dma_wait3A_1040 : memref<1x128xi32, #tpu.memory_space<vmem>> -> memref<128xi32, #tpu.memory_space<vmem>>
      %dma_wait3A_1042 = arith.constant 0 : i32
      %dma_wait3A_1043 = tpu.memref_slice %arg5[%dma_wait3A_1031, %dma_wait3A_1042] : memref<2594x128xi32, #tpu.memory_space<hbm>> -> memref<1x128xi32, #tpu.memory_space<hbm>>
      %dma_wait3A_1044 = tpu.memref_squeeze %dma_wait3A_1043 : memref<1x128xi32, #tpu.memory_space<hbm>> -> memref<128xi32, #tpu.memory_space<hbm>>
      tpu.wait_dma2 semaphore(%arg15 : memref<!tpu.dma_semaphore, #tpu.memory_space<semaphore_mem>>) src(%dma_wait3A_1044 : memref<128xi32, #tpu.memory_space<hbm>>) dst(%dma_wait3A_1041 : memref<128xi32, #tpu.memory_space<vmem>>)
      %dma_start3A_1045 = arith.constant 1 : i32
      %dma_start3A_1046 = arith.constant 1 : i32
      %dma_start3A_1047 = arith.constant 0 : i32
      %dma_start3A_1048 = arith.constant 0 : i32
      %dma_start3A_1049 = tpu.memref_slice %arg9[%dma_start3A_1046, %dma_start3A_1047, %dma_start3A_1048] : memref<3x128x128xf32, #tpu.memory_space<vmem>> -> memref<1x64x128xf32, #tpu.memory_space<vmem>>
      %dma_start3A_1050 = tpu.memref_squeeze %dma_start3A_1049 : memref<1x64x128xf32, #tpu.memory_space<vmem>> -> memref<64x128xf32, #tpu.memory_space<vmem>>
      %dma_start3A_1051 = arith.constant 0 : i32
      %dma_start3A_1052 = tpu.memref_slice %arg8[%dma_start3A_1045, %dma_start3A_1051] : memref<3x128xi32, #tpu.memory_space<vmem>> -> memref<1x64xi32, #tpu.memory_space<vmem>>
      %dma_start3A_1053 = tpu.memref_squeeze %dma_start3A_1052 : memref<1x64xi32, #tpu.memory_space<vmem>> -> memref<64xi32, #tpu.memory_space<vmem>>
      %dma_start3A_1054 = arith.constant 0 : i32
      %dma_start3A_1055 = arith.constant 0 : i32
      %dma_start3A_1056 = tpu.memref_slice %arg3[%dma_start3A_1054, %dma_start3A_1055] : memref<10112x128xf32, #tpu.memory_space<hbm>> -> memref<10112x128xf32, #tpu.memory_space<hbm>>
      tpu.enqueue_indirect_dma source(%dma_start3A_1056 : memref<10112x128xf32, #tpu.memory_space<hbm>>) target(%dma_start3A_1050 : memref<64x128xf32, #tpu.memory_space<vmem>>) offsets(%dma_start3A_1053 : memref<64xi32, #tpu.memory_space<vmem>>) semaphore(%arg12 : memref<!tpu.dma_semaphore, #tpu.memory_space<semaphore_mem>>)
      %dma_start3A_1057 = arith.constant 1 : i32
      %dma_start3A_1058 = arith.constant 1 : i32
      %dma_start3A_1059 = arith.constant 64 : i32
      %dma_start3A_1060 = arith.constant 0 : i32
      %dma_start3A_1061 = tpu.memref_slice %arg9[%dma_start3A_1058, %dma_start3A_1059, %dma_start3A_1060] : memref<3x128x128xf32, #tpu.memory_space<vmem>> -> memref<1x64x128xf32, #tpu.memory_space<vmem>>
      %dma_start3A_1062 = tpu.memref_squeeze %dma_start3A_1061 : memref<1x64x128xf32, #tpu.memory_space<vmem>> -> memref<64x128xf32, #tpu.memory_space<vmem>>
      %dma_start3A_1063 = arith.constant 64 : i32
      %dma_start3A_1064 = tpu.memref_slice %arg8[%dma_start3A_1057, %dma_start3A_1063] : memref<3x128xi32, #tpu.memory_space<vmem>> -> memref<1x64xi32, #tpu.memory_space<vmem>>
      %dma_start3A_1065 = tpu.memref_squeeze %dma_start3A_1064 : memref<1x64xi32, #tpu.memory_space<vmem>> -> memref<64xi32, #tpu.memory_space<vmem>>
      %dma_start3A_1066 = arith.constant 0 : i32
      %dma_start3A_1067 = arith.constant 0 : i32
      %dma_start3A_1068 = tpu.memref_slice %arg3[%dma_start3A_1066, %dma_start3A_1067] : memref<10112x128xf32, #tpu.memory_space<hbm>> -> memref<10112x128xf32, #tpu.memory_space<hbm>>
      tpu.enqueue_indirect_dma source(%dma_start3A_1068 : memref<10112x128xf32, #tpu.memory_space<hbm>>) target(%dma_start3A_1062 : memref<64x128xf32, #tpu.memory_space<vmem>>) offsets(%dma_start3A_1065 : memref<64xi32, #tpu.memory_space<vmem>>) semaphore(%arg15 : memref<!tpu.dma_semaphore, #tpu.memory_space<semaphore_mem>>)
    }
    %scan3A_385 = arith.constant 27 : i32
    %dma_wait3A_386 = arith.constant 0 : i32
    %dma_wait3A_387 = arith.constant 0 : i32
    %dma_wait3A_388 = arith.constant 0 : i32
    %dma_wait3A_389 = tpu.memref_slice %arg9[%dma_wait3A_386, %dma_wait3A_387, %dma_wait3A_388] : memref<3x128x128xf32, #tpu.memory_space<vmem>> -> memref<1x64x128xf32, #tpu.memory_space<vmem>>
    %dma_wait3A_390 = tpu.memref_squeeze %dma_wait3A_389 : memref<1x64x128xf32, #tpu.memory_space<vmem>> -> memref<64x128xf32, #tpu.memory_space<vmem>>
    %dma_wait3A_391 = arith.constant 0 : i32
    %dma_wait3A_392 = arith.constant 0 : i32
    %dma_wait3A_393 = tpu.memref_slice %arg2[%dma_wait3A_391, %dma_wait3A_392] : memref<10112x128xf32, #tpu.memory_space<hbm>> -> memref<64x128xf32, #tpu.memory_space<hbm>>
    %dma_wait3A_394 = arith.constant 0 : i32
    %dma_wait3A_395 = arith.constant 0 : i32
    %dma_wait3A_396 = tpu.memref_slice %arg9[%dma_wait3A_386, %dma_wait3A_394, %dma_wait3A_395] : memref<3x128x128xf32, #tpu.memory_space<vmem>> -> memref<1x64x128xf32, #tpu.memory_space<vmem>>
    %dma_wait3A_397 = tpu.memref_squeeze %dma_wait3A_396 : memref<1x64x128xf32, #tpu.memory_space<vmem>> -> memref<64x128xf32, #tpu.memory_space<vmem>>
    %dma_wait3A_398 = arith.constant 0 : i32
    %dma_wait3A_399 = arith.constant 0 : i32
    %dma_wait3A_400 = tpu.memref_slice %arg2[%dma_wait3A_398, %dma_wait3A_399] : memref<10112x128xf32, #tpu.memory_space<hbm>> -> memref<64x128xf32, #tpu.memory_space<hbm>>
    tpu.wait_dma2 semaphore(%arg11 : memref<!tpu.dma_semaphore, #tpu.memory_space<semaphore_mem>>) src(%dma_wait3A_400 : memref<64x128xf32, #tpu.memory_space<hbm>>) dst(%dma_wait3A_397 : memref<64x128xf32, #tpu.memory_space<vmem>>)
    %dma_wait3A_401 = arith.constant 0 : i32
    %dma_wait3A_402 = arith.constant 0 : i32
    %dma_wait3A_403 = arith.constant 0 : i32
    %dma_wait3A_404 = tpu.memref_slice %arg9[%dma_wait3A_401, %dma_wait3A_402, %dma_wait3A_403] : memref<3x128x128xf32, #tpu.memory_space<vmem>> -> memref<1x64x128xf32, #tpu.memory_space<vmem>>
    %dma_wait3A_405 = tpu.memref_squeeze %dma_wait3A_404 : memref<1x64x128xf32, #tpu.memory_space<vmem>> -> memref<64x128xf32, #tpu.memory_space<vmem>>
    %dma_wait3A_406 = arith.constant 0 : i32
    %dma_wait3A_407 = arith.constant 0 : i32
    %dma_wait3A_408 = tpu.memref_slice %arg2[%dma_wait3A_406, %dma_wait3A_407] : memref<10112x128xf32, #tpu.memory_space<hbm>> -> memref<64x128xf32, #tpu.memory_space<hbm>>
    %dma_wait3A_409 = arith.constant 0 : i32
    %dma_wait3A_410 = arith.constant 0 : i32
    %dma_wait3A_411 = tpu.memref_slice %arg9[%dma_wait3A_401, %dma_wait3A_409, %dma_wait3A_410] : memref<3x128x128xf32, #tpu.memory_space<vmem>> -> memref<1x64x128xf32, #tpu.memory_space<vmem>>
    %dma_wait3A_412 = tpu.memref_squeeze %dma_wait3A_411 : memref<1x64x128xf32, #tpu.memory_space<vmem>> -> memref<64x128xf32, #tpu.memory_space<vmem>>
    %dma_wait3A_413 = arith.constant 0 : i32
    %dma_wait3A_414 = arith.constant 0 : i32
    %dma_wait3A_415 = tpu.memref_slice %arg2[%dma_wait3A_413, %dma_wait3A_414] : memref<10112x128xf32, #tpu.memory_space<hbm>> -> memref<64x128xf32, #tpu.memory_space<hbm>>
    tpu.wait_dma2 semaphore(%arg14 : memref<!tpu.dma_semaphore, #tpu.memory_space<semaphore_mem>>) src(%dma_wait3A_415 : memref<64x128xf32, #tpu.memory_space<hbm>>) dst(%dma_wait3A_412 : memref<64x128xf32, #tpu.memory_space<vmem>>)
    %dma_wait3A_416 = arith.constant 1 : i32
    %dma_wait3A_417 = arith.constant 0 : i32
    %dma_wait3A_418 = arith.constant 0 : i32
    %dma_wait3A_419 = tpu.memref_slice %arg9[%dma_wait3A_416, %dma_wait3A_417, %dma_wait3A_418] : memref<3x128x128xf32, #tpu.memory_space<vmem>> -> memref<1x64x128xf32, #tpu.memory_space<vmem>>
    %dma_wait3A_420 = tpu.memref_squeeze %dma_wait3A_419 : memref<1x64x128xf32, #tpu.memory_space<vmem>> -> memref<64x128xf32, #tpu.memory_space<vmem>>
    %dma_wait3A_421 = arith.constant 0 : i32
    %dma_wait3A_422 = arith.constant 0 : i32
    %dma_wait3A_423 = tpu.memref_slice %arg2[%dma_wait3A_421, %dma_wait3A_422] : memref<10112x128xf32, #tpu.memory_space<hbm>> -> memref<64x128xf32, #tpu.memory_space<hbm>>
    %dma_wait3A_424 = arith.constant 0 : i32
    %dma_wait3A_425 = arith.constant 0 : i32
    %dma_wait3A_426 = tpu.memref_slice %arg9[%dma_wait3A_416, %dma_wait3A_424, %dma_wait3A_425] : memref<3x128x128xf32, #tpu.memory_space<vmem>> -> memref<1x64x128xf32, #tpu.memory_space<vmem>>
    %dma_wait3A_427 = tpu.memref_squeeze %dma_wait3A_426 : memref<1x64x128xf32, #tpu.memory_space<vmem>> -> memref<64x128xf32, #tpu.memory_space<vmem>>
    %dma_wait3A_428 = arith.constant 0 : i32
    %dma_wait3A_429 = arith.constant 0 : i32
    %dma_wait3A_430 = tpu.memref_slice %arg2[%dma_wait3A_428, %dma_wait3A_429] : memref<10112x128xf32, #tpu.memory_space<hbm>> -> memref<64x128xf32, #tpu.memory_space<hbm>>
    tpu.wait_dma2 semaphore(%arg12 : memref<!tpu.dma_semaphore, #tpu.memory_space<semaphore_mem>>) src(%dma_wait3A_430 : memref<64x128xf32, #tpu.memory_space<hbm>>) dst(%dma_wait3A_427 : memref<64x128xf32, #tpu.memory_space<vmem>>)
    %dma_wait3A_431 = arith.constant 1 : i32
    %dma_wait3A_432 = arith.constant 0 : i32
    %dma_wait3A_433 = arith.constant 0 : i32
    %dma_wait3A_434 = tpu.memref_slice %arg9[%dma_wait3A_431, %dma_wait3A_432, %dma_wait3A_433] : memref<3x128x128xf32, #tpu.memory_space<vmem>> -> memref<1x64x128xf32, #tpu.memory_space<vmem>>
    %dma_wait3A_435 = tpu.memref_squeeze %dma_wait3A_434 : memref<1x64x128xf32, #tpu.memory_space<vmem>> -> memref<64x128xf32, #tpu.memory_space<vmem>>
    %dma_wait3A_436 = arith.constant 0 : i32
    %dma_wait3A_437 = arith.constant 0 : i32
    %dma_wait3A_438 = tpu.memref_slice %arg2[%dma_wait3A_436, %dma_wait3A_437] : memref<10112x128xf32, #tpu.memory_space<hbm>> -> memref<64x128xf32, #tpu.memory_space<hbm>>
    %dma_wait3A_439 = arith.constant 0 : i32
    %dma_wait3A_440 = arith.constant 0 : i32
    %dma_wait3A_441 = tpu.memref_slice %arg9[%dma_wait3A_431, %dma_wait3A_439, %dma_wait3A_440] : memref<3x128x128xf32, #tpu.memory_space<vmem>> -> memref<1x64x128xf32, #tpu.memory_space<vmem>>
    %dma_wait3A_442 = tpu.memref_squeeze %dma_wait3A_441 : memref<1x64x128xf32, #tpu.memory_space<vmem>> -> memref<64x128xf32, #tpu.memory_space<vmem>>
    %dma_wait3A_443 = arith.constant 0 : i32
    %dma_wait3A_444 = arith.constant 0 : i32
    %dma_wait3A_445 = tpu.memref_slice %arg2[%dma_wait3A_443, %dma_wait3A_444] : memref<10112x128xf32, #tpu.memory_space<hbm>> -> memref<64x128xf32, #tpu.memory_space<hbm>>
    tpu.wait_dma2 semaphore(%arg15 : memref<!tpu.dma_semaphore, #tpu.memory_space<semaphore_mem>>) src(%dma_wait3A_445 : memref<64x128xf32, #tpu.memory_space<hbm>>) dst(%dma_wait3A_442 : memref<64x128xf32, #tpu.memory_space<vmem>>)
    %dma_wait3A_446 = arith.constant 2 : i32
    %dma_wait3A_447 = arith.constant 0 : i32
    %dma_wait3A_448 = arith.constant 0 : i32
    %dma_wait3A_449 = tpu.memref_slice %arg9[%dma_wait3A_446, %dma_wait3A_447, %dma_wait3A_448] : memref<3x128x128xf32, #tpu.memory_space<vmem>> -> memref<1x128x128xf32, #tpu.memory_space<vmem>>
    %dma_wait3A_450 = tpu.memref_squeeze %dma_wait3A_449 : memref<1x128x128xf32, #tpu.memory_space<vmem>> -> memref<128x128xf32, #tpu.memory_space<vmem>>
    %dma_wait3A_451 = arith.constant 0 : i32
    %dma_wait3A_452 = arith.constant 0 : i32
    %dma_wait3A_453 = tpu.memref_slice %arg10[%dma_wait3A_451, %dma_wait3A_452] : memref<10112x128xf32, #tpu.memory_space<vmem_shared>> -> memref<128x128xf32, #tpu.memory_space<vmem_shared>>
    %dma_wait3A_454 = arith.constant 0 : i32
    %dma_wait3A_455 = arith.constant 0 : i32
    %dma_wait3A_456 = tpu.memref_slice %arg10[%dma_wait3A_454, %dma_wait3A_455] : memref<10112x128xf32, #tpu.memory_space<vmem_shared>> -> memref<128x128xf32, #tpu.memory_space<vmem_shared>>
    %dma_wait3A_457 = arith.constant 0 : i32
    %dma_wait3A_458 = arith.constant 0 : i32
    %dma_wait3A_459 = tpu.memref_slice %arg9[%dma_wait3A_446, %dma_wait3A_457, %dma_wait3A_458] : memref<3x128x128xf32, #tpu.memory_space<vmem>> -> memref<1x128x128xf32, #tpu.memory_space<vmem>>
    %dma_wait3A_460 = tpu.memref_squeeze %dma_wait3A_459 : memref<1x128x128xf32, #tpu.memory_space<vmem>> -> memref<128x128xf32, #tpu.memory_space<vmem>>
    tpu.wait_dma2 semaphore(%arg13 : memref<!tpu.dma_semaphore, #tpu.memory_space<semaphore_mem>>) src(%dma_wait3A_460 : memref<128x128xf32, #tpu.memory_space<vmem>>) dst(%dma_wait3A_456 : memref<128x128xf32, #tpu.memory_space<vmem_shared>>)
    %barrier3A_461 = arith.constant 0 : index
    tpu.barrier barrier_id(%barrier3A_461)
    "tpu.region"() ({
      %run_scoped3A = tpu.sem_alloc : memref<!tpu.dma_semaphore, #tpu.memory_space<semaphore_mem>>
      %dma_start3A_462 = arith.constant 0 : i32
      %dma_start3A_463 = tpu.memref_slice %arg6[%arg0, %mul3A_7, %dma_start3A_462] : memref<2x10112x128xf32, #tpu.memory_space<hbm>> -> memref<1x632x128xf32, #tpu.memory_space<hbm>>
      %dma_start3A_464 = tpu.memref_squeeze %dma_start3A_463 : memref<1x632x128xf32, #tpu.memory_space<hbm>> -> memref<632x128xf32, #tpu.memory_space<hbm>>
      %dma_start3A_465 = arith.constant 0 : i32
      %dma_start3A_466 = tpu.memref_slice %arg10[%mul3A_7, %dma_start3A_465] : memref<10112x128xf32, #tpu.memory_space<vmem_shared>> -> memref<632x128xf32, #tpu.memory_space<vmem_shared>>
      tpu.enqueue_dma source(%dma_start3A_466 : memref<632x128xf32, #tpu.memory_space<vmem_shared>>) target(%dma_start3A_464 : memref<632x128xf32, #tpu.memory_space<hbm>>) target_semaphore(%run_scoped3A : memref<!tpu.dma_semaphore, #tpu.memory_space<semaphore_mem>>)
      %dma_wait3A_467 = arith.constant 0 : i32
      %dma_wait3A_468 = tpu.memref_slice %arg6[%arg0, %mul3A_7, %dma_wait3A_467] : memref<2x10112x128xf32, #tpu.memory_space<hbm>> -> memref<1x632x128xf32, #tpu.memory_space<hbm>>
      %dma_wait3A_469 = tpu.memref_squeeze %dma_wait3A_468 : memref<1x632x128xf32, #tpu.memory_space<hbm>> -> memref<632x128xf32, #tpu.memory_space<hbm>>
      %dma_wait3A_470 = arith.constant 0 : i32
      %dma_wait3A_471 = tpu.memref_slice %arg10[%mul3A_7, %dma_wait3A_470] : memref<10112x128xf32, #tpu.memory_space<vmem_shared>> -> memref<632x128xf32, #tpu.memory_space<vmem_shared>>
      tpu.wait_dma2 semaphore(%run_scoped3A : memref<!tpu.dma_semaphore, #tpu.memory_space<semaphore_mem>>) src(%dma_wait3A_471 : memref<632x128xf32, #tpu.memory_space<vmem_shared>>) dst(%dma_wait3A_469 : memref<632x128xf32, #tpu.memory_space<hbm>>)
      tpu.yield
    }) : () -> ()
    return
  }
}

module attributes {stable_mosaic.version = 14 : i64} {
  func.func @_proj_body(%arg0: i32, %arg1: memref<2000x128xf32, #tpu.memory_space<vmem>>, %arg2: memref<2000x128xf32, #tpu.memory_space<vmem>>, %arg3: memref<2000x2xf32, #tpu.memory_space<vmem>>, %arg4: memref<516x128xf32, #tpu.memory_space<vmem>>, %arg5: memref<386x128xf32, #tpu.memory_space<vmem>>, %arg6: memref<1x128xf32, #tpu.memory_space<vmem>>, %arg7: memref<2000x128xf32, #tpu.memory_space<vmem>>, %arg8: memref<2000x128xf32, #tpu.memory_space<vmem>>, %arg9: memref<2000x128xf32, #tpu.memory_space<vmem>>) attributes {dimension_semantics = [#tpu.dimension_semantics<arbitrary>], iteration_bounds = array<i64: 5>, scalar_prefetch = 0 : i64, scratch_operands = 0 : i64, tpu.core_type = #tpu.core_type<tc>, window_params = [{transform_indices = @transform_0, window_bounds = array<i64: 2000, 128>}, {transform_indices = @transform_1, window_bounds = array<i64: 2000, 128>}, {transform_indices = @transform_2, window_bounds = array<i64: 2000, 2>}, {pipeline_mode = #tpu.pipeline_mode<synchronous>, transform_indices = @transform_3, window_bounds = array<i64: 516, 128>}, {pipeline_mode = #tpu.pipeline_mode<synchronous>, transform_indices = @transform_4, window_bounds = array<i64: 386, 128>}, {pipeline_mode = #tpu.pipeline_mode<synchronous>, transform_indices = @transform_5, window_bounds = array<i64: 1, 128>}, {transform_indices = @transform_6, window_bounds = array<i64: 2000, 128>}, {transform_indices = @transform_7, window_bounds = array<i64: 2000, 128>}, {transform_indices = @transform_8, window_bounds = array<i64: 2000, 128>}]} {
    %get3A = arith.constant 0 : index
    %get3A_0 = arith.constant 0 : index
    %get3A_1 = vector.load %arg1[%get3A, %get3A_0] : memref<2000x128xf32, #tpu.memory_space<vmem>>, vector<2000x128xf32>
    %get3A_2 = arith.constant 0 : index
    %get3A_3 = arith.constant 0 : index
    %get3A_4 = vector.load %arg2[%get3A_2, %get3A_3] : memref<2000x128xf32, #tpu.memory_space<vmem>>, vector<2000x128xf32>
    %get3A_5 = arith.constant 0 : index
    %get3A_6 = arith.constant 0 : index
    %get3A_7 = vector.load %arg3[%get3A_5, %get3A_6] : memref<2000x2xf32, #tpu.memory_space<vmem>>, vector<2000x2xf32>
    %concatenate3A = tpu.concatenate %get3A_1, %get3A_4, %get3A_7 in 1 : vector<2000x128xf32>, vector<2000x128xf32>, vector<2000x2xf32> -> vector<2000x258xf32>
    %get3A_8 = arith.constant 0 : index
    %get3A_9 = arith.constant 0 : index
    %get3A_10 = vector.load %arg4[%get3A_8, %get3A_9] : memref<516x128xf32, #tpu.memory_space<vmem>>, vector<258x128xf32>
    %get3A_11 = arith.constant 258 : index
    %get3A_12 = arith.constant 0 : index
    %get3A_13 = vector.load %arg4[%get3A_11, %get3A_12] : memref<516x128xf32, #tpu.memory_space<vmem>>, vector<258x128xf32>
    %get3A_14 = arith.constant 0 : index
    %get3A_15 = arith.constant 0 : index
    %get3A_16 = vector.load %arg5[%get3A_14, %get3A_15] : memref<386x128xf32, #tpu.memory_space<vmem>>, vector<258x128xf32>
    %concatenate3A_17 = tpu.concatenate %get3A_10, %get3A_13, %get3A_16 in 1 : vector<258x128xf32>, vector<258x128xf32>, vector<258x128xf32> -> vector<258x384xf32>
    %dot_general3A = arith.constant dense<0.000000e+00> : vector<2000x384xf32>
    %dot_general3A_18 = tpu.matmul %concatenate3A, %concatenate3A_17, %dot_general3A {dimension_numbers = #tpu.dot_dimension_numbers<[1], [0], [0], [1], [0, 0, 1, 1], [], []>, precision = #tpu.contract_precision<fp32>, transpose_lhs_hint = false} : vector<2000x258xf32>, vector<258x384xf32>, vector<2000x384xf32> -> vector<2000x384xf32>
    %slice3A = vector.extract_strided_slice %dot_general3A_18 {offsets = [0, 0], sizes = [2000, 128], strides = [1, 1]} : vector<2000x384xf32> to vector<2000x128xf32>
    %swap3A = arith.constant 0 : index
    %swap3A_19 = arith.constant 0 : index
    %swap3A_20 = vector.load %arg7[%swap3A, %swap3A_19] : memref<2000x128xf32, #tpu.memory_space<vmem>>, vector<2000x128xf32>
    tpu.vector_store %arg7[%swap3A, %swap3A_19], %slice3A {strides = array<i32>} : memref<2000x128xf32, #tpu.memory_space<vmem>>, vector<2000x128xf32>,
    %slice3A_21 = vector.extract_strided_slice %dot_general3A_18 {offsets = [0, 128], sizes = [2000, 128], strides = [1, 1]} : vector<2000x384xf32> to vector<2000x128xf32>
    %get3A_22 = arith.constant 0 : index
    %get3A_23 = arith.constant 0 : index
    %get3A_24 = vector.load %arg6[%get3A_22, %get3A_23] : memref<1x128xf32, #tpu.memory_space<vmem>>, vector<1x128xf32>
    %add3A = vector.broadcast %get3A_24 : vector<1x128xf32> to vector<2000x128xf32>
    %add3A_25 = arith.addf %slice3A_21, %add3A : vector<2000x128xf32>
    %swap3A_26 = arith.constant 0 : index
    %swap3A_27 = arith.constant 0 : index
    %swap3A_28 = vector.load %arg8[%swap3A_26, %swap3A_27] : memref<2000x128xf32, #tpu.memory_space<vmem>>, vector<2000x128xf32>
    tpu.vector_store %arg8[%swap3A_26, %swap3A_27], %add3A_25 {strides = array<i32>} : memref<2000x128xf32, #tpu.memory_space<vmem>>, vector<2000x128xf32>,
    %slice3A_29 = vector.extract_strided_slice %dot_general3A_18 {offsets = [0, 256], sizes = [2000, 128], strides = [1, 1]} : vector<2000x384xf32> to vector<2000x128xf32>
    %swap3A_30 = arith.constant 0 : index
    %swap3A_31 = arith.constant 0 : index
    %swap3A_32 = vector.load %arg9[%swap3A_30, %swap3A_31] : memref<2000x128xf32, #tpu.memory_space<vmem>>, vector<2000x128xf32>
    tpu.vector_store %arg9[%swap3A_30, %swap3A_31], %slice3A_29 {strides = array<i32>} : memref<2000x128xf32, #tpu.memory_space<vmem>>, vector<2000x128xf32>,
    return
  }
  func.func @transform_0(%arg0: i32) -> (i32, i32) {
    %c0_i32 = arith.constant 0 : i32
    %c0_i32_0 = arith.constant 0 : i32
    return %arg0, %c0_i32 : i32, i32
  }
  func.func @transform_1(%arg0: i32) -> (i32, i32) {
    %c0_i32 = arith.constant 0 : i32
    %c0_i32_0 = arith.constant 0 : i32
    return %arg0, %c0_i32 : i32, i32
  }
  func.func @transform_2(%arg0: i32) -> (i32, i32) {
    %c0_i32 = arith.constant 0 : i32
    %c0_i32_0 = arith.constant 0 : i32
    return %arg0, %c0_i32 : i32, i32
  }
  func.func @transform_3(%arg0: i32) -> (i32, i32) {
    %c0_i32 = arith.constant 0 : i32
    %c0_i32_0 = arith.constant 0 : i32
    %c0_i32_1 = arith.constant 0 : i32
    return %c0_i32, %c0_i32_0 : i32, i32
  }
  func.func @transform_4(%arg0: i32) -> (i32, i32) {
    %c0_i32 = arith.constant 0 : i32
    %c0_i32_0 = arith.constant 0 : i32
    %c0_i32_1 = arith.constant 0 : i32
    return %c0_i32, %c0_i32_0 : i32, i32
  }
  func.func @transform_5(%arg0: i32) -> (i32, i32) {
    %c0_i32 = arith.constant 0 : i32
    %c0_i32_0 = arith.constant 0 : i32
    %c0_i32_1 = arith.constant 0 : i32
    return %c0_i32, %c0_i32_0 : i32, i32
  }
  func.func @transform_6(%arg0: i32) -> (i32, i32) {
    %c0_i32 = arith.constant 0 : i32
    %c0_i32_0 = arith.constant 0 : i32
    return %arg0, %c0_i32 : i32, i32
  }
  func.func @transform_7(%arg0: i32) -> (i32, i32) {
    %c0_i32 = arith.constant 0 : i32
    %c0_i32_0 = arith.constant 0 : i32
    return %arg0, %c0_i32 : i32, i32
  }
  func.func @transform_8(%arg0: i32) -> (i32, i32) {
    %c0_i32 = arith.constant 0 : i32
    %c0_i32_0 = arith.constant 0 : i32
    return %arg0, %c0_i32 : i32, i32
  }
}

module attributes {stable_mosaic.version = 14 : i64} {
  func.func @_node_body(%arg0: i32, %arg1: memref<2000x128xf32, #tpu.memory_space<vmem>>, %arg2: memref<2x2000x128xf32, #tpu.memory_space<vmem>>, %arg3: memref<128x128xf32, #tpu.memory_space<vmem>>, %arg4: memref<1x128xf32, #tpu.memory_space<vmem>>, %arg5: memref<2000x128xf32, #tpu.memory_space<vmem>>) attributes {dimension_semantics = [#tpu.dimension_semantics<arbitrary>], iteration_bounds = array<i64: 5>, scalar_prefetch = 0 : i64, scratch_operands = 0 : i64, tpu.core_type = #tpu.core_type<tc>, window_params = [{transform_indices = @transform_0, window_bounds = array<i64: 2000, 128>}, {transform_indices = @transform_1, window_bounds = array<i64: 2, 2000, 128>}, {pipeline_mode = #tpu.pipeline_mode<synchronous>, transform_indices = @transform_2, window_bounds = array<i64: 128, 128>}, {pipeline_mode = #tpu.pipeline_mode<synchronous>, transform_indices = @transform_3, window_bounds = array<i64: 1, 128>}, {transform_indices = @transform_4, window_bounds = array<i64: 2000, 128>}]} {
    %get3A = arith.constant 0 : index
    %get3A_0 = arith.constant 0 : index
    %get3A_1 = arith.constant 0 : index
    %get3A_2 = vector.load %arg2[%get3A, %get3A_0, %get3A_1] : memref<2x2000x128xf32, #tpu.memory_space<vmem>>, vector<1x2000x128xf32>
    %get3A_3 = vector.shape_cast %get3A_2 : vector<1x2000x128xf32> to vector<2000x128xf32>
    %get3A_4 = arith.constant 1 : index
    %get3A_5 = arith.constant 0 : index
    %get3A_6 = arith.constant 0 : index
    %get3A_7 = vector.load %arg2[%get3A_4, %get3A_5, %get3A_6] : memref<2x2000x128xf32, #tpu.memory_space<vmem>>, vector<1x2000x128xf32>
    %get3A_8 = vector.shape_cast %get3A_7 : vector<1x2000x128xf32> to vector<2000x128xf32>
    %add3A = arith.addf %get3A_3, %get3A_8 : vector<2000x128xf32>
    %get3A_9 = arith.constant 0 : index
    %get3A_10 = arith.constant 0 : index
    %get3A_11 = vector.load %arg1[%get3A_9, %get3A_10] : memref<2000x128xf32, #tpu.memory_space<vmem>>, vector<2000x128xf32>
    %get3A_12 = arith.constant 0 : index
    %get3A_13 = arith.constant 0 : index
    %get3A_14 = vector.load %arg3[%get3A_12, %get3A_13] : memref<128x128xf32, #tpu.memory_space<vmem>>, vector<128x128xf32>
    %dot_general3A = arith.constant dense<0.000000e+00> : vector<2000x128xf32>
    %dot_general3A_15 = tpu.matmul %add3A, %get3A_14, %dot_general3A {dimension_numbers = #tpu.dot_dimension_numbers<[1], [0], [0], [1], [0, 0, 1, 1], [], []>, precision = #tpu.contract_precision<fp32>, transpose_lhs_hint = false} : vector<2000x128xf32>, vector<128x128xf32>, vector<2000x128xf32> -> vector<2000x128xf32>
    %add3A_16 = arith.addf %get3A_11, %dot_general3A_15 : vector<2000x128xf32>
    %get3A_17 = arith.constant 0 : index
    %get3A_18 = arith.constant 0 : index
    %get3A_19 = vector.load %arg4[%get3A_17, %get3A_18] : memref<1x128xf32, #tpu.memory_space<vmem>>, vector<1x128xf32>
    %add3A_20 = vector.broadcast %get3A_19 : vector<1x128xf32> to vector<2000x128xf32>
    %add3A_21 = arith.addf %add3A_16, %add3A_20 : vector<2000x128xf32>
    %max3A = arith.constant 0.000000e+00 : f32
    %max3A_22 = vector.broadcast %max3A : f32 to vector<2000x128xf32>
    %max3A_23 = arith.maximumf %add3A_21, %max3A_22 : vector<2000x128xf32>
    %swap3A = arith.constant 0 : index
    %swap3A_24 = arith.constant 0 : index
    %swap3A_25 = vector.load %arg5[%swap3A, %swap3A_24] : memref<2000x128xf32, #tpu.memory_space<vmem>>, vector<2000x128xf32>
    tpu.vector_store %arg5[%swap3A, %swap3A_24], %max3A_23 {strides = array<i32>} : memref<2000x128xf32, #tpu.memory_space<vmem>>, vector<2000x128xf32>,
    return
  }
  func.func @transform_0(%arg0: i32) -> (i32, i32) {
    %c0_i32 = arith.constant 0 : i32
    %c0_i32_0 = arith.constant 0 : i32
    return %arg0, %c0_i32 : i32, i32
  }
  func.func @transform_1(%arg0: i32) -> (i32, i32, i32) {
    %c0_i32 = arith.constant 0 : i32
    %c0_i32_0 = arith.constant 0 : i32
    %c0_i32_1 = arith.constant 0 : i32
    return %c0_i32, %arg0, %c0_i32_0 : i32, i32, i32
  }
  func.func @transform_2(%arg0: i32) -> (i32, i32) {
    %c0_i32 = arith.constant 0 : i32
    %c0_i32_0 = arith.constant 0 : i32
    %c0_i32_1 = arith.constant 0 : i32
    return %c0_i32, %c0_i32_0 : i32, i32
  }
  func.func @transform_3(%arg0: i32) -> (i32, i32) {
    %c0_i32 = arith.constant 0 : i32
    %c0_i32_0 = arith.constant 0 : i32
    %c0_i32_1 = arith.constant 0 : i32
    return %c0_i32, %c0_i32_0 : i32, i32
  }
  func.func @transform_4(%arg0: i32) -> (i32, i32) {
    %c0_i32 = arith.constant 0 : i32
    %c0_i32_0 = arith.constant 0 : i32
    return %arg0, %c0_i32 : i32, i32
  }
}

</mosaic_0001>

<sc_bundles>
// kernel: kernel.5.cloned.1.call-start
scs
__scs_entry_jumppad:
0x0: {  	(pc) =	sbr.rel $0x88, $3  }
0x1: {  	(tag) =	ssettag $0x0;
	lr =	simm.s32 $0x1  }
0x2: {  	[smem:$0x3F99] =	sst lr;
	_ =	strace $0xD0000000  }
0x3: {  	_ = 	snop  }
0x4: {  	_ = 	snop  }
0x5: {  	_ = 	snop  }
0x6: {  	_ = 	snop  }
0x7: {  	_ = 	snop  }
__scs_overlays_trampoline_lowered:
0x8: {  	[smem:$0x3FA8] =	sst s0  }
0x9: {  	[smem:$0x3FA9] =	sst s1  }
0xa: {  	[smem:$0x3FAA] =	sst s2  }
0xb: {  	[smem:$0x3FAB] =	sst s3  }
0xc: {  	[smem:$0x3FAC] =	sst s4  }
0xd: {  	[smem:$0x3FAD] =	sst s5  }
0xe: {  	[smem:$0x3FAE] =	sst s6  }
0xf: {  	[smem:$0x3FAF] =	sst s7  }
0x10: {  	[smem:$0x3FB0] =	sst s8  }
0x11: {  	[smem:$0x3FB1] =	sst s9;
	s0 =	simm.s32 @!p0 $0x0  }
0x12: {  	s1 =	sld [smem:$0x3F97];
	s0 =	simm.s32 @p0 $0x1  }
0x13: {  	[smem:$0x3FB2] =	sst s0;
	s0 =	simm.s32 @!p1 $0x0  }
0x14: {  	s2 =	sld [smem:$0x3F96];
	s0 =	simm.s32 @p1 $0x1  }
0x15: {  	[smem:$0x3FB3] =	sst s0;
	s0 =	simm.s32 @!p2 $0x0  }
0x16: {  	s3 =	sld [smem:$0x3FDB];
	s0 =	simm.s32 @p2 $0x1  }
0x17: {  	s4 =	simm.s32 $0x1BF5;
	[smem:$0x3FB5] =	sst s0  }
0x18: {  	s0 =	sld [smem:$0x3F98];
	_ =	swait.ge [sflag:s4], $0x0  }
0x19: {  	s7 =	sld [smem:$0x3F99]  }
0x1a: {  	s8 =	sadd.s32 $0xFFFFE003, lr  }
0x1b: {  	s9 =	sadd.s32 $0xFFFFFEF7, lr;
	s5 =	simm.s32 $0xFFFFFFFF;
	p2 =	slt.u32 s8, $0xFFFFF086  }
0x1c: {  	p1 =	slt.u32 s9, $0xF7A;
	s5 =	simm.s32 @!p2 $0x0  }
0x1d: {  	s5 =	simm.s32 @p1 $0x1;
	p0 =	seq.s32 s7, s2  }
0x1e: {  	s7 =	smul.u32 @!p0 $0xF7A, s2;
	p2 =	seq.s32 @!p0 s5, $0x0  }
0x1f: {  	s9 =	smul.u32 $0xF7A, s1;
	s8 =	simm.s32 @!p0 $0x1BF5;
	p2 =	por !p2, p0  }
0x20: {  	[sflag:s8] =	ssyncset.s32 @!p0 $0xFFFFF086;
	s6 =	sadd.s32 @!p0 s3, s7;
	s7 =	simm.s32 @!p0 $0x108  }
0x21: {  	s3 =	sadd.s32 s3, s9;
	s6 =	sadd.s32 @!p0 $0x88, s6;
	s7 =	simm.s32 @p2 $0x1082  }
0x22: {  	[simem:s7], [sflag:s8] =	dma.local @!p0 [hbm:s6], $0xF7A  }
0x23: {  	s9 =	sor.u32 $0xD0000000, s2;
	s6 =	simm.s32 $0x108;
	_ =	swait.ge @!p0 [sflag:s8], $0x0  }
0x24: {  	s3 =	sadd.s32 $0x88, s3;
	s6 =	simm.s32 @!p1 $0x1082;
	[sflag:s4] =	ssyncset.s32 $0xFFFFF086  }
0x25: {  	[simem:s6], [sflag:s4] =	dma.local [hbm:s3], $0xF7A  }
0x26: {  	[smem:$0x3F99] =	sst s1;
	(tag) =	ssettag s2;
	_ =	strace s9  }
0x27: {  	s1 =	sld [smem:$0x3FA9]  }
0x28: {  	s2 =	sld [smem:$0x3FAA]  }
0x29: {  	s4 =	sld [smem:$0x3FAC]  }
0x2a: {  	p0 =	seq.s32 s5, $0x0;
	s5 =	sld [smem:$0x3FAD]  }
0x2b: {  	s6 =	sld [smem:$0x3FAE]  }
0x2c: {  	s7 =	sld [smem:$0x3FAF]  }
0x2d: {  	s3 =	simm.s32 $0x108;
	s8 =	sld [smem:$0x3FB0]  }
0x2e: {  	s3 =	simm.s32 @!p0 $0x1082;
	s9 =	sld [smem:$0x3FB1]  }
0x2f: {  	lr =	sadd.s32 s0, s3;
	s0 =	sld [smem:$0x3FA8]  }
0x30: {  	s3 =	sld [smem:$0x3FAB]  }
0x31: {  	[smem:$0x3FB4] =	sst s10  }
0x32: {  	s10 =	sld [smem:$0x3FB2];
	_ =	sdelay $0x3  }
0x33: {  	p0 =	seq.s32 s10, $0x1;
	s10 =	sld [smem:$0x3FB4];
	_ =	sdelay $0x3  }
0x34: {  	[smem:$0x3FB4] =	sst s10  }
0x35: {  	s10 =	sld [smem:$0x3FB3];
	_ =	sdelay $0x3  }
0x36: {  	p1 =	seq.s32 s10, $0x1;
	s10 =	sld [smem:$0x3FB4];
	_ =	sdelay $0x3  }
0x37: {  	[smem:$0x3FB4] =	sst s10  }
0x38: {  	s10 =	sld [smem:$0x3FB5]  }
0x39: {  	_ = 	snop;
	(pc) =	sbr.ind lr, $3  }
0x3a: {  	_ = 	snop  }
0x3b: {  	_ = 	snop  }
0x3c: {  	p2 =	seq.s32 s10, $0x1;
	s10 =	sld [smem:$0x3FB4]  }
0x3d: {  	_ =	shalt  }
0x3e: {  	_ =	shalt  }
0x3f: {  	_ =	shalt  }
0x40: {  	_ =	shalt  }
0x41: {  	_ =	shalt  }
0x42: {  	_ =	shalt  }
0x43: {  	_ =	shalt  }
0x44: {  	_ =	shalt  }
0x45: {  	_ =	shalt  }
0x46: {  	_ =	shalt  }
0x47: {  	_ =	shalt  }
0x48: {  	_ =	shalt  }
0x49: {  	_ =	shalt  }
0x4a: {  	_ =	shalt  }
0x4b: {  	_ =	shalt  }
0x4c: {  	_ =	shalt  }
0x4d: {  	_ =	shalt  }
0x4e: {  	_ =	shalt  }
0x4f: {  	_ =	shalt  }
0x50: {  	_ =	shalt  }
0x51: {  	_ =	shalt  }
0x52: {  	_ =	shalt  }
0x53: {  	_ =	shalt  }
0x54: {  	_ =	shalt  }
0x55: {  	_ =	shalt  }
0x56: {  	_ =	shalt  }
0x57: {  	_ =	shalt  }
0x58: {  	_ =	shalt  }
0x59: {  	_ =	shalt  }
0x5a: {  	_ =	shalt  }
0x5b: {  	_ =	shalt  }
0x5c: {  	_ =	shalt  }
0x5d: {  	_ =	shalt  }
0x5e: {  	_ =	shalt  }
0x5f: {  	_ =	shalt  }
0x60: {  	_ =	shalt  }
0x61: {  	_ =	shalt  }
0x62: {  	_ =	shalt  }
0x63: {  	_ =	shalt  }
0x64: {  	_ =	shalt  }
0x65: {  	_ =	shalt  }
0x66: {  	_ =	shalt  }
0x67: {  	_ =	shalt  }
0x68: {  	_ =	shalt  }
0x69: {  	_ =	shalt  }
0x6a: {  	_ =	shalt  }
0x6b: {  	_ =	shalt  }
0x6c: {  	_ =	shalt  }
0x6d: {  	_ =	shalt  }
0x6e: {  	_ =	shalt  }
0x6f: {  	_ =	shalt  }
0x70: {  	_ =	shalt  }
0x71: {  	_ =	shalt  }
0x72: {  	_ =	shalt  }
0x73: {  	_ =	shalt  }
0x74: {  	_ =	shalt  }
0x75: {  	_ =	shalt  }
0x76: {  	_ =	shalt  }
0x77: {  	_ =	shalt  }
0x78: {  	_ =	shalt  }
0x79: {  	_ =	shalt  }
0x7a: {  	_ =	shalt  }
0x7b: {  	_ =	shalt  }
0x7c: {  	_ =	shalt  }
0x7d: {  	_ =	shalt  }
0x7e: {  	_ =	shalt  }
0x7f: {  	_ =	shalt  }
0x80: {  	_ =	shalt  }
0x81: {  	_ =	shalt  }
0x82: {  	_ =	shalt  }
0x83: {  	_ =	shalt  }
0x84: {  	_ =	shalt  }
0x85: {  	_ =	shalt  }
0x86: {  	_ =	shalt  }
0x87: {  	_ =	shalt  }
.Lfunc_end0:
.L_simem_size_0:
called_computation_lowered:
.L_overlay_start_0:
0x88: {  	s2 =	sld [smem:$0x3FD9]  }
0x89: {  	s3 =	sld [smem:$0x3FFE];
	_ =	sdelay $0x1  }
0x8a: {  	s1 =	srdreg.scid  }
0x8b: {  	s0 =	sand.u32 $0x1, s1  }
0x8c: {  	s17 =	sshll.u32 s0, $0xA;
	s2 =	sadd.s32 s3, s2  }
0x8d: {  	s2 =	sadd.s32 s2, s17  }
0x8e: {  	[smem:$0x3FC0] =	sst s2  }
0x8f: {  	_ = 	snop  }
0x90: {  	s2 =	sld [smem:$0x3FD0];
	(tm) =	ssettm $0x1  }
0x91: {  	s18 =	sld [smem:$0x3FFB];
	_ =	sdelay $0x3  }
0x92: {  	_ =	strace s18  }
0x93: {  	s3 =	sld [smem:$0x3FFC];
	_ =	sdelay $0x3  }
0x94: {  	_ =	strace s3  }
0x95: {  	s3 =	sld [smem:$0x3FFD];
	_ =	sdelay $0x3  }
0x96: {  	_ =	strace s3  }
0x97: {  	_ =	strace $0x8FFFFFFF  }
0x98: {  	s19 =	sld [smem:$0x3FDB];
	_ =	sdelay $0x1  }
0x99: {  	s4 =	simm.s32 $_scs_section_size  }
0x9a: {  	s5 =	simm.s32 $_size__tile_overlayer_lowered;
	s6 =	simm.s32 $_tile_overlayer_lowered  }
0x9b: {  	s22 =	simm.s32 $0x1BFF;
	s21 =	sshll.u32 s6, $0x1;
	s3 =	sadd.s32 s4, s19  }
0x9c: {  	s7 =	simm.s32 $0x0;
	s20 =	sshll.u32 s5, $0x1;
	s5 =	sadd.s32 s21, s3  }
0x9d: {  	[timem:s7], [sflag:s22] =	dma.local [hbm:s5], s20  }
0x9e: {  	_ =	swait.ge [sflag:s22], s20  }
0x9f: {  	s4 =	ssub.s32 $0x0, s20;
	[sflag:s22] =	ssyncset.done $0x0  }
0xa0: {  	[sflag:s22] =	ssyncadd.s32 s4;
	_ =	sdelay $0x1  }
0xa1: {  	s23 =	simm.s32 $0x1B8B  }
0xa2: {  	_ =	swait.ge [sflag:s23], $0x1  }
0xa3: {  	[sflag:s23] =	ssyncset.done $0x0  }
0xa4: {  	s25 =	simm.s32 $0x1B8E;
	s24 =	sld [smem:$0x3FFE];
	[sflag:s23] =	ssyncadd.s32 $0xFFFFFFFF  }
0xa5: {  	s26 =	simm.s32 $execute0_lowered;
	[smem:$0x3FD2] =	sst s25  }
0xa6: {  	s5 =	sshll.u32 s26, $0x1;
	_ =	strace $0x80000046;
	[dreg:$0x1] =	wrdreg $0xFFFFFFFF  }
0xa7: {  	s28 =	simm.s32 $_size_execute0_lowered;
	s3 =	sadd.s32 s3, s5;
	[dreg:$0x0] =	wrdreg $0x0  }
0xa8: {  	s5 =	sshll.u32 s28, $0x1;
	[dreg:$0x2] =	wrdreg s3  }
0xa9: {  	[dreg:$0x3] =	wrdreg s5  }
0xaa: {  	[dreg:$0x4] =	wrdreg $0xC0  }
0xab: {  	_ =	task [dreg:s7], $0x5FFFF  }
0xac: {  	[dreg:$0x1] =	wrdreg $0xFFFFFFFF  }
0xad: {  	[dreg:$0x0] =	wrdreg $0x60  }
0xae: {  	[dreg:$0x2] =	wrdreg s24  }
0xaf: {  	[dreg:$0x3] =	wrdreg s2  }
0xb0: {  	[dreg:$0x4] =	wrdreg $0xC4000  }
0xb1: {  	[dreg:$0x5] =	wrdreg $0x9  }
0xb2: {  	_ =	task.clear_ibuf [dreg:s7], $0x6FFFF;
	_ =	strace $0x90000046  }
0xb3: {  	s29 =	simm.s32 $0x9;
	_ =	strace $0x80000048  }
0xb4: {  	_ =	swait.ge [sflag:s29], $0x1  }
0xb5: {  	[sflag:s29] =	ssyncadd.s32 $0xFFFFFFFF  }
0xb6: {  	_ =	strace $0x90000048  }
0xb7: {  	_ =	sfence  }
0xb8: {  	s30 =	sld [smem:$0x0];
	_ =	sdelay $0x2  }
0xb9: {  	s31 =	sshll.u32 s1, $0xD;
	s1 =	sshrl.u32 s1, $0x2  }
0xba: {  	s3 =	sand.u32 $0x4000, s31;
	s1 =	sadd.s32 s1, s30  }
0xbb: {  	s0 =	sor.u32 s3, s0;
	s1 =	sshll.u32 s1, $0x11  }
0xbc: {  	s0 =	sor.u32 s1, s0  }
0xbd: {  	s0 =	sadd.s32 $0x8F2B, s0  }
0xbe: {  	[sflag:s0] =	ssyncadd.remote.s32 $0x1  }
0xbf: {  	_ =	sfence.sel $0xFFFF  }
0xc0: {  	[dreg:$0x0] =	wrdreg $0xFFFFFFFF;
	(pc) =	sbr.abs _section_cstart, $3  }
0xc1: {  	[dreg:$0x1] =	wrdreg $0xFFFFFFFF  }
0xc2: {  	_ =	task.clear_ibuf [dreg:s7], $0x2FFFF;
	_ =	strace $0x9FFFFFFF  }
0xc3: {  	(tm) =	ssettm $0x7FFFFFFF  }
tec
execute0_lowered:
.L_overlay_start_1:
0x0: {  	(tag) =	ssettag $0x1  }
0x1: {  	s0 =	rddreg [dreg:$0x0]  }
0x2: {  	s1 =	rddreg [dreg:$0x1]  }
0x3: {  	s2 =	rddreg [dreg:$0x2];
	s3 =	srdreg.scid;
	s11 =	simm.s32 $0x0  }
0x4: {  	s10 =	stileid.u32;
	s28 =	simm.s32 $0x200;
	s29 =	simm.s32 $0x80  }
0x5: {  	s30 =	simm.s32 $0x280;
	s31 =	simm.s32 $0x40;
	s13 =	simm.s32 $0x8400  }
0x6: {  	s14 =	simm.s32 $0x100;
	s15 =	simm.s32 $0x300;
	s3 =	sand.u32 $0x1, s3  }
0x7: {  	[smem:$0x7FF] =	sst s11;
	s7 =	smul.u32 $0x13C00, s10;
	s5 =	sadd.s32 $0xC000, s0  }
0x8: {  	s6 =	sadd.s32 $0x33800, s0;
	s8 =	smul.u32 $0x4F000, s10;
	s20 =	sshll.u32 s10, $0x7  }
0x9: {  	s4 =	smul.u32 $0x13C000, s3;
	s16 =	ssub.s32 $0x2, s3;
	s3 =	sshll.u32 s3, $0x4  }
0xa: {  	_ =	strace $0x80000047;
	s9 =	sshrl.u32 s16, $0x1;
	s3 =	sor.u32 s10, s3  }
0xb: {  	s8 =	sshrl.u32 s8, $0x2;
	s10 =	simm.s32 $0x4400;
	s4 =	sadd.s32 s7, s4  }
0xc: {  	s7 =	sadd.s32 $0x1C00, s0;
	s17 =	smul.u32 $0x2880, s3;
	s4 =	sshrl.u32 s4, $0x3  }
0xd: {  	s3 =	smul.u32 $0x51, s3;
	s0 =	sadd.s32 s4, s0;
	s4 =	ssub.s32 s16, s9  }
0xe: {  	s16 =	sadd.s32 s8, s2;
	s22 =	sand.u32 $0x7FC00, s17;
	s9 =	sand.u32 $0x380, s20  }
0xf: {  	s8 =	sshrl.u32 s17, $0x3;
	s25 =	sadd.s32 $0x2, s3;
	s20 =	simm.s32 $0x6  }
0x10: {  	s18 =	sadd.s32 $0x4000, s16;
	s19 =	sadd.s32 $0x8000, s16;
	[dreg:$0xe] =	wrdreg s25  }
0x11: {  	s21 =	sadd.s32 $0xC000, s16;
	s12 =	sadd.s32 $0x10000, s16;
	[dreg:$0x5] =	wrdreg s16  }
0x12: {  	s9 =	sor.u32 s9, s22;
	s8 =	sadd.s32 $0x10, s8;
	[dreg:$0x6] =	wrdreg s18  }
0x13: {  	s0 =	sadd.s32 $0x5B000, s0;
	s26 =	smax.u32 s4, $0x1;
	[dreg:$0x7] =	wrdreg s19  }
0x14: {  	s22 =	simm.s32 $0x400;
	s25 =	simm.s32 $0x3;
	[dreg:$0x8] =	wrdreg s21  }
0x15: {  	[dreg:$0x9] =	wrdreg s12;
	s9 =	sshrl.u32 s9, $0x3;
	s24 =	sadd.s32 s7, s8  }
0x16: {  	s8 =	sadd.s32 s1, s8;
	s18 =	sadd.s32 $0x3, s3;
	[dreg:$0xf] =	wrdreg s0  }
0x17: {  	s19 =	sadd.s32 $0x4, s3;
	[dreg:$0x10] =	wrdreg s26;
	s26 =	simm.s32 $0x4  }
0x18: {  	s3 =	simm.s32 $0x2400;
	s12 =	simm.s32 $0x6400;
	[dreg:$0xc] =	wrdreg s24  }
0x19: {  	s23 =	sadd.s32 s7, s9;
	s9 =	sadd.s32 s1, s9;
	[dreg:$0xd] =	wrdreg s8  }
0x1a: {  	s24 =	simm.s32 $0x2;
	s8 =	simm.s32 $0xA400;
	[dreg:$0xa] =	wrdreg s23  }
0x1b: {  	v0 =	vimm.f32 $0.0e+00;
	[dreg:$0xb] =	wrdreg s9;
	s23 =	simm.s32 $0x1;
	s9 =	simm.s32 $0x5  }
.LBB2_1:
0x1c: {  	[dreg:$0x4] =	wrdreg s11;
	s0 =	simm.s32 $0x0;
	s4 =	simm.s32 $0x200  }
.LBB2_2:
0x1d: {  	p0 =	sne.s32 s4, $0xFE00;
	[tilespmem:s0+$0x470] =	vst v0  }
0x1e: {  	[tilespmem:s0+$0x400] =	vst v0  }
0x1f: {  	[tilespmem:s0+$0x410] =	vst v0  }
.Ltmp0:
0x20: {  	[tilespmem:s0+$0x420] =	vst v0;
	(pc) =	sbr.rel @p0 .LBB2_2-.Ltmp0, $4  }
0x21: {  	[tilespmem:s0+$0x430] =	vst v0  }
0x22: {  	[tilespmem:s0+$0x440] =	vst v0  }
0x23: {  	[tilespmem:s0+$0x450] =	vst v0  }
0x24: {  	[tilespmem:s0+$0x460] =	vst v0;
	s0 =	sshra.s32 s4, $0x2;
	s4 =	sadd.s32 $0x200, s4  }
0x25: {  	[tilespmem:s0+$0x470] =	vst v0  }
0x26: {  	[tilespmem:s0+$0x400] =	vst v0  }
0x27: {  	[tilespmem:s0+$0x410] =	vst v0  }
0x28: {  	[tilespmem:s0+$0x420] =	vst v0  }
0x29: {  	[tilespmem:s0+$0x430] =	vst v0  }
0x2a: {  	[tilespmem:s0+$0x440] =	vst v0  }
0x2b: {  	[tilespmem:s0+$0x450] =	vst v0  }
0x2c: {  	[tilespmem:s0+$0x460] =	vst v0  }
0x2d: {  	[spmem:s16] =	stream.linear.scatter [tilespmem:s22], [sflag:$0x1], $0x4000, $0x38;
	v63 =	vld [tilespmem:$0x0]  }
0x2e: {  	s21 =	rddreg [dreg:$0x6]  }
0x2f: {  	[spmem:s21] =	stream.linear.scatter [tilespmem:s22], [sflag:$0x2], $0x4000, $0x38;
	v63 =	vld [tilespmem:$0x0]  }
0x30: {  	s4 =	rddreg [dreg:$0x7]  }
0x31: {  	[spmem:s4] =	stream.linear.scatter [tilespmem:s22], [sflag:$0x3], $0x4000, $0x38;
	v63 =	vld [tilespmem:$0x0]  }
0x32: {  	s11 =	rddreg [dreg:$0x8]  }
0x33: {  	[spmem:s11] =	stream.linear.scatter [tilespmem:s22], [sflag:$0x1], $0x4000, $0x38;
	v63 =	vld [tilespmem:$0x0]  }
0x34: {  	s16 =	rddreg [dreg:$0x9]  }
0x35: {  	[spmem:s16] =	stream.linear.scatter [tilespmem:s22], [sflag:$0x4], $0x3C00, $0x38;
	v63 =	vld [tilespmem:$0x0]  }
0x36: {  	_ =	swait.ge [sflag:s23], $0x4000  }
0x37: {  	[sflag:s23] =	ssyncset.done $0x0  }
0x38: {  	[sflag:s23] =	ssyncadd.s32 $0xFFFFC000  }
0x39: {  	_ =	swait.ge [sflag:s24], $0x4000  }
0x3a: {  	[sflag:s24] =	ssyncset.done $0x0  }
0x3b: {  	[sflag:s24] =	ssyncadd.s32 $0xFFFFC000  }
0x3c: {  	_ =	swait.ge [sflag:s25], $0x4000  }
0x3d: {  	[sflag:s25] =	ssyncset.done $0x0  }
0x3e: {  	[sflag:s25] =	ssyncadd.s32 $0xFFFFC000  }
0x3f: {  	_ =	swait.ge [sflag:s23], $0x4000  }
0x40: {  	[sflag:s23] =	ssyncset.done $0x0  }
0x41: {  	[sflag:s23] =	ssyncadd.s32 $0xFFFFC000  }
0x42: {  	_ =	swait.ge [sflag:s26], $0x3C00  }
0x43: {  	[sflag:s26] =	ssyncset.done $0x0  }
0x44: {  	[sflag:s26] =	ssyncadd.s32 $0xFFFFC400  }
0x45: {  	[bflag:$0x0] =	sbarrier.arrive $0xFFFF  }
0x46: {  	s16 =	simm.s32 $0x0;
	s17 =	rddreg [dreg:$0xa]  }
0x47: {  	[tilespmem:s16], [sflag:$0x4] =	stream.linear.gather [hbm4b:s17+s16], $0x80, $0x38;
	v63 =	vld [tilespmem:$0x0]  }
0x48: {  	s21 =	rddreg [dreg:$0xb]  }
0x49: {  	[tilespmem:s28], [sflag:$0x4] =	stream.linear.gather [hbm4b:s21+s16], $0x80, $0x38;
	v63 =	vld [tilespmem:$0x0]  }
0x4a: {  	s4 =	rddreg [dreg:$0xc]  }
0x4b: {  	[tilespmem:s29], [sflag:$0x5] =	stream.linear.gather [hbm4b:s4+s16], $0x80, $0x38;
	v63 =	vld [tilespmem:$0x0]  }
0x4c: {  	s11 =	rddreg [dreg:$0xd]  }
0x4d: {  	[tilespmem:s30], [sflag:$0x5] =	stream.linear.gather [hbm4b:s11+s16], $0x80, $0x38;
	v63 =	vld [tilespmem:$0x0]  }
0x4e: {  	_ =	swait.ge [sflag:s26], $0x80  }
0x4f: {  	[sflag:s26] =	ssyncset.done $0x0  }
0x50: {  	[sflag:s26] =	ssyncadd.s32 $0xFFFFFF80  }
0x51: {  	_ =	swait.ge [sflag:s26], $0x80  }
0x52: {  	[sflag:s26] =	ssyncset.done $0x0  }
0x53: {  	[sflag:s26] =	ssyncadd.s32 $0xFFFFFF80  }
0x54: {  	[tilespmem:s22], [sflag:$0x1] =	stream.indirect.gather [hbm4b:s6+s31], $0x80, s28, s31, $0xb8;
	v63 =	vld [tilespmem:$0x0]  }
0x55: {  	s17 =	simm.s32 $0x240  }
0x56: {  	[tilespmem:s3], [sflag:$0x4] =	stream.indirect.gather [hbm4b:s6+s31], $0x80, s17, s31, $0xb8;
	v63 =	vld [tilespmem:$0x0]  }
0x57: {  	_ =	swait.ge [sflag:s9], $0x80  }
0x58: {  	[sflag:s9] =	ssyncset.done $0x0  }
0x59: {  	[sflag:s9] =	ssyncadd.s32 $0xFFFFFF80  }
0x5a: {  	_ =	swait.ge [sflag:s9], $0x80  }
0x5b: {  	[sflag:s9] =	ssyncset.done $0x0  }
0x5c: {  	[sflag:s9] =	ssyncadd.s32 $0xFFFFFF80  }
0x5d: {  	[tilespmem:s10], [sflag:$0x2] =	stream.indirect.gather [hbm4b:s6+s31], $0x80, s30, s31, $0xb8;
	v63 =	vld [tilespmem:$0x0]  }
0x5e: {  	s21 =	simm.s32 $0x2C0  }
0x5f: {  	[tilespmem:s12], [sflag:$0x5] =	stream.indirect.gather [hbm4b:s6+s31], $0x80, s21, s31, $0xb8;
	v63 =	vld [tilespmem:$0x0]  }
0x60: {  	_ =	swait.ge [sflag:s23], $0x2000  }
0x61: {  	[sflag:s23] =	ssyncset.done $0x0  }
0x62: {  	[sflag:s23] =	ssyncadd.s32 $0xFFFFE000  }
0x63: {  	[tilespmem:s22], [sflag:$0x1] =	stream.indirect.gather.add.f32 [hbm:s5], $0x80, s16, s31, $0xb8;
	v63 =	vld [tilespmem:$0x0]  }
0x64: {  	_ =	swait.ge [sflag:s26], $0x2000  }
0x65: {  	[sflag:s26] =	ssyncset.done $0x0  }
0x66: {  	[sflag:s26] =	ssyncadd.s32 $0xFFFFE000  }
0x67: {  	[tilespmem:s3], [sflag:$0x4] =	stream.indirect.gather.add.f32 [hbm:s5], $0x80, s31, s31, $0xb8;
	v63 =	vld [tilespmem:$0x0]  }
0x68: {  	s21 =	simm.s32 $0x0  }
0x69: {  	[tilespmem:s13], [sflag:$0x3] =	stream.linear.gather [spmem:s2], $0x4000, $0x38;
	v63 =	vld [tilespmem:$0x0]  }
.LBB2_4:
0x6a: {  	_ =	swait.ge [sflag:s23], $0x2000  }
0x6b: {  	[sflag:s23] =	ssyncset.done $0x0  }
0x6c: {  	[sflag:s23] =	ssyncadd.s32 $0xFFFFE000  }
0x6d: {  	s4 =	smul.u32 $0x3, s21;
	_ =	swait.ge [sflag:s26], $0x2000  }
0x6e: {  	[sflag:s26] =	ssyncset.done $0x0;
	s0 =	rddreg [dreg:$0xe]  }
0x6f: {  	[sflag:s26] =	ssyncadd.s32 $0xFFFFE000;
	s0 =	sadd.s32 s4, s0  }
0x70: {  	_ =	swait.ge [sflag:s25], $0x4000;
	s0 =	sshll.u32 s0, $0x4  }
0x71: {  	[sflag:s25] =	ssyncset.done $0x0;
	s0 =	sand.u32 $0xFFFFFF0, s0  }
0x72: {  	[sflag:s25] =	ssyncadd.s32 $0xFFFFC000;
	s11 =	sadd.s32 s7, s0  }
0x73: {  	[tilespmem:s14], [sflag:$0x6] =	stream.linear.gather [hbm4b:s11+s16], $0x80, $0x38;
	v63 =	vld [tilespmem:$0x0]  }
0x74: {  	s0 =	sadd.s32 s1, s0  }
0x75: {  	[tilespmem:s15], [sflag:$0x6] =	stream.linear.gather [hbm4b:s0+s16], $0x80, $0x38;
	v63 =	vld [tilespmem:$0x0]  }
0x76: {  	_ =	swait.ge [sflag:s24], $0x2000  }
0x77: {  	[sflag:s24] =	ssyncset.done $0x0  }
0x78: {  	[sflag:s24] =	ssyncadd.s32 $0xFFFFE000  }
0x79: {  	[tilespmem:s10], [sflag:$0x2] =	stream.indirect.gather.add.f32 [hbm:s5], $0x80, s29, s31, $0xb8;
	v63 =	vld [tilespmem:$0x0]  }
0x7a: {  	_ =	swait.ge [sflag:s9], $0x2000  }
0x7b: {  	[sflag:s9] =	ssyncset.done $0x0  }
0x7c: {  	s17 =	simm.s32 $0xC0;
	s0 =	simm.s32 $0x0;
	[sflag:s9] =	ssyncadd.s32 $0xFFFFE000  }
0x7d: {  	[tilespmem:s12], [sflag:$0x5] =	stream.indirect.gather.add.f32 [hbm:s5], $0x80, s17, s31, $0xb8;
	v63 =	vld [tilespmem:$0x0]  }
0x7e: {  	v1 =	vld [tilespmem:s0+$0x400]  }
0x7f: {  	v2 =	vld [tilespmem:s0+$0x410]  }
0x80: {  	v3 =	vld [tilespmem:s0+$0x420]  }
0x81: {  	v4 =	vld [tilespmem:s0+$0x430]  }
0x82: {  	v5 =	vld [tilespmem:s0+$0x440]  }
0x83: {  	v6 =	vld [tilespmem:s0+$0x450];
	v1 =	vmax.f32 v1, $0.0e+00  }
0x84: {  	v7 =	vld [tilespmem:s0+$0x460];
	[tilespmem:s0+$0x400] =	vst v1;
	v1 =	vmax.f32 v2, $0.0e+00  }
0x85: {  	[tilespmem:s0+$0x410] =	vst v1;
	v1 =	vmax.f32 v3, $0.0e+00;
	v3 =	vld [tilespmem:s0+$0x470]  }
0x86: {  	[tilespmem:s0+$0x420] =	vst v1;
	v1 =	vmax.f32 v4, $0.0e+00;
	v4 =	vld [tilespmem:s0+$0x480]  }
0x87: {  	[tilespmem:s0+$0x430] =	vst v1;
	v1 =	vmax.f32 v5, $0.0e+00;
	v5 =	vld [tilespmem:s0+$0x490]  }
0x88: {  	v2 =	vld [tilespmem:s0+$0x4A0];
	[tilespmem:s0+$0x440] =	vst v1;
	v1 =	vmax.f32 v6, $0.0e+00  }
0x89: {  	v6 =	vmax.f32 v7, $0.0e+00;
	[tilespmem:s0+$0x450] =	vst v1;
	v1 =	vld [tilespmem:s0+$0x4B0]  }
0x8a: {  	[tilespmem:s0+$0x460] =	vst v6;
	v6 =	vmax.f32 v3, $0.0e+00;
	v3 =	vld [tilespmem:s0+$0x4C0]  }
0x8b: {  	[tilespmem:s0+$0x470] =	vst v6;
	v6 =	vmax.f32 v4, $0.0e+00;
	v4 =	vld [tilespmem:s0+$0x4D0]  }
0x8c: {  	s11 =	simm.s32 $0x400;
	[tilespmem:s0+$0x480] =	vst v6;
	v6 =	vmax.f32 v5, $0.0e+00;
	v5 =	vld [tilespmem:s0+$0x4E0]  }
.LBB2_5:
0x8d: {  	s17 =	sshra.s32 s11, $0x2;
	p0 =	sne.s32 s11, $0xFC00;
	[tilespmem:s0+$0x490] =	vst v6;
	v2 =	vmax.f32 v2, $0.0e+00;
	v6 =	vld [tilespmem:s0+$0x4F0]  }
0x8e: {  	v7 =	vld [tilespmem:s17+$0x400];
	[tilespmem:s0+$0x4A0] =	vst v2;
	v1 =	vmax.f32 v1, $0.0e+00  }
0x8f: {  	v2 =	vld [tilespmem:s17+$0x410];
	[tilespmem:s0+$0x4B0] =	vst v1;
	v1 =	vmax.f32 v3, $0.0e+00  }
0x90: {  	v3 =	vld [tilespmem:s17+$0x420];
	[tilespmem:s0+$0x4C0] =	vst v1;
	v1 =	vmax.f32 v4, $0.0e+00  }
0x91: {  	v4 =	vld [tilespmem:s17+$0x430];
	[tilespmem:s0+$0x4D0] =	vst v1;
	v1 =	vmax.f32 v5, $0.0e+00  }
0x92: {  	v5 =	vld [tilespmem:s17+$0x440];
	[tilespmem:s0+$0x4E0] =	vst v1;
	v1 =	vmax.f32 v6, $0.0e+00  }
0x93: {  	v6 =	vmax.f32 v7, $0.0e+00;
	v7 =	vld [tilespmem:s17+$0x450];
	[tilespmem:s0+$0x4F0] =	vst v1;
	s0 =	smov.u32 s17  }
0x94: {  	[tilespmem:s0+$0x400] =	vst v6;
	v1 =	vmax.f32 v2, $0.0e+00;
	v6 =	vld [tilespmem:s0+$0x460]  }
0x95: {  	[tilespmem:s0+$0x410] =	vst v1;
	v1 =	vmax.f32 v3, $0.0e+00;
	v3 =	vld [tilespmem:s0+$0x470]  }
0x96: {  	[tilespmem:s0+$0x420] =	vst v1;
	v1 =	vmax.f32 v4, $0.0e+00;
	v4 =	vld [tilespmem:s0+$0x480]  }
0x97: {  	[tilespmem:s0+$0x430] =	vst v1;
	v1 =	vmax.f32 v5, $0.0e+00;
	v5 =	vld [tilespmem:s0+$0x490]  }
.Ltmp1:
0x98: {  	[tilespmem:s0+$0x440] =	vst v1;
	v1 =	vmax.f32 v7, $0.0e+00;
	v2 =	vld [tilespmem:s0+$0x4A0];
	(pc) =	sbr.rel @p0 .LBB2_5-.Ltmp1, $4  }
0x99: {  	[tilespmem:s0+$0x450] =	vst v1;
	v6 =	vmax.f32 v6, $0.0e+00;
	v1 =	vld [tilespmem:s0+$0x4B0]  }
0x9a: {  	[tilespmem:s0+$0x460] =	vst v6;
	v6 =	vmax.f32 v3, $0.0e+00;
	v3 =	vld [tilespmem:s0+$0x4C0]  }
0x9b: {  	[tilespmem:s0+$0x470] =	vst v6;
	v6 =	vmax.f32 v4, $0.0e+00;
	v4 =	vld [tilespmem:s0+$0x4D0]  }
0x9c: {  	s11 =	sadd.s32 $0x400, s11;
	[tilespmem:s0+$0x480] =	vst v6;
	v6 =	vmax.f32 v5, $0.0e+00;
	v5 =	vld [tilespmem:s0+$0x4E0]  }
0x9d: {  	[tilespmem:s0+$0x490] =	vst v6;
	v2 =	vmax.f32 v2, $0.0e+00;
	v6 =	vld [tilespmem:s0+$0x4F0]  }
0x9e: {  	[tilespmem:s0+$0x4A0] =	vst v2;
	v1 =	vmax.f32 v1, $0.0e+00  }
0x9f: {  	[tilespmem:s0+$0x4B0] =	vst v1;
	v1 =	vmax.f32 v3, $0.0e+00  }
0xa0: {  	[tilespmem:s0+$0x4C0] =	vst v1;
	v1 =	vmax.f32 v4, $0.0e+00  }
0xa1: {  	[tilespmem:s0+$0x4D0] =	vst v1;
	v1 =	vmax.f32 v5, $0.0e+00  }
0xa2: {  	[tilespmem:s0+$0x4E0] =	vst v1;
	v1 =	vmax.f32 v6, $0.0e+00  }
0xa3: {  	[tilespmem:s0+$0x4F0] =	vst v1  }
0xa4: {  	[spmem:s2] =	stream.indirect.scatter.add.f32 [tilespmem:s22], [sflag:$0x1], $0x80, s28, s29, $0xb8;
	v63 =	vld [tilespmem:$0x0]  }
0xa5: {  	_ =	swait.ge [sflag:s20], $0x80  }
0xa6: {  	[sflag:s20] =	ssyncset.done $0x0  }
0xa7: {  	[sflag:s20] =	ssyncadd.s32 $0xFFFFFF80  }
0xa8: {  	_ =	swait.ge [sflag:s20], $0x80  }
0xa9: {  	[sflag:s20] =	ssyncset.done $0x0  }
0xaa: {  	[sflag:s20] =	ssyncadd.s32 $0xFFFFFF80  }
0xab: {  	[tilespmem:s13], [sflag:$0x3] =	stream.indirect.gather [hbm4b:s6+s31], $0x80, s15, s31, $0xb8;
	v63 =	vld [tilespmem:$0x0]  }
0xac: {  	s17 =	simm.s32 $0x340  }
0xad: {  	[tilespmem:s8], [sflag:$0x6] =	stream.indirect.gather [hbm4b:s6+s31], $0x80, s17, s31, $0xb8;
	v63 =	vld [tilespmem:$0x0]  }
0xae: {  	_ =	swait.ge [sflag:s24], $0x2000  }
0xaf: {  	[sflag:s24] =	ssyncset.done $0x0  }
0xb0: {  	[sflag:s24] =	ssyncadd.s32 $0xFFFFE000  }
0xb1: {  	_ =	swait.ge [sflag:s9], $0x2000  }
0xb2: {  	[sflag:s9] =	ssyncset.done $0x0  }
0xb3: {  	s11 =	sadd.s32 s4, s18;
	[sflag:s9] =	ssyncadd.s32 $0xFFFFE000  }
0xb4: {  	s0 =	sshll.u32 s11, $0x4;
	_ =	swait.ge [sflag:s23], $0x4000  }
0xb5: {  	s0 =	sand.u32 $0xFFFFFF0, s0;
	[sflag:s23] =	ssyncset.done $0x0  }
0xb6: {  	s11 =	sadd.s32 s7, s0;
	s17 =	simm.s32 $0x0;
	[sflag:s23] =	ssyncadd.s32 $0xFFFFC000  }
0xb7: {  	[tilespmem:s17], [sflag:$0x4] =	stream.linear.gather [hbm4b:s11+s17], $0x80, $0x38;
	v63 =	vld [tilespmem:$0x0]  }
0xb8: {  	s0 =	sadd.s32 s1, s0  }
0xb9: {  	[tilespmem:s28], [sflag:$0x4] =	stream.linear.gather [hbm4b:s0+s17], $0x80, $0x38;
	v63 =	vld [tilespmem:$0x0]  }
0xba: {  	_ =	swait.ge [sflag:s25], $0x2000  }
0xbb: {  	[sflag:s25] =	ssyncset.done $0x0  }
0xbc: {  	[sflag:s25] =	ssyncadd.s32 $0xFFFFE000  }
0xbd: {  	[tilespmem:s13], [sflag:$0x3] =	stream.indirect.gather.add.f32 [hbm:s5], $0x80, s14, s31, $0xb8;
	v63 =	vld [tilespmem:$0x0]  }
0xbe: {  	_ =	swait.ge [sflag:s20], $0x2000  }
0xbf: {  	[sflag:s20] =	ssyncset.done $0x0  }
0xc0: {  	s17 =	simm.s32 $0x140;
	s0 =	simm.s32 $0x0;
	[sflag:s20] =	ssyncadd.s32 $0xFFFFE000  }
0xc1: {  	[tilespmem:s8], [sflag:$0x6] =	stream.indirect.gather.add.f32 [hbm:s5], $0x80, s17, s31, $0xb8;
	v63 =	vld [tilespmem:$0x0]  }
0xc2: {  	v1 =	vld [tilespmem:s0+$0x4400]  }
0xc3: {  	v2 =	vld [tilespmem:s0+$0x4410]  }
0xc4: {  	v3 =	vld [tilespmem:s0+$0x4420]  }
0xc5: {  	v4 =	vld [tilespmem:s0+$0x4430]  }
0xc6: {  	v5 =	vld [tilespmem:s0+$0x4440]  }
0xc7: {  	v6 =	vld [tilespmem:s0+$0x4450];
	v1 =	vmax.f32 v1, $0.0e+00  }
0xc8: {  	v7 =	vld [tilespmem:s0+$0x4460];
	[tilespmem:s0+$0x4400] =	vst v1;
	v1 =	vmax.f32 v2, $0.0e+00  }
0xc9: {  	[tilespmem:s0+$0x4410] =	vst v1;
	v1 =	vmax.f32 v3, $0.0e+00;
	v3 =	vld [tilespmem:s0+$0x4470]  }
0xca: {  	[tilespmem:s0+$0x4420] =	vst v1;
	v1 =	vmax.f32 v4, $0.0e+00;
	v4 =	vld [tilespmem:s0+$0x4480]  }
0xcb: {  	[tilespmem:s0+$0x4430] =	vst v1;
	v1 =	vmax.f32 v5, $0.0e+00;
	v5 =	vld [tilespmem:s0+$0x4490]  }
0xcc: {  	v2 =	vld [tilespmem:s0+$0x44A0];
	[tilespmem:s0+$0x4440] =	vst v1;
	v1 =	vmax.f32 v6, $0.0e+00  }
0xcd: {  	v6 =	vmax.f32 v7, $0.0e+00;
	[tilespmem:s0+$0x4450] =	vst v1;
	v1 =	vld [tilespmem:s0+$0x44B0]  }
0xce: {  	[tilespmem:s0+$0x4460] =	vst v6;
	v6 =	vmax.f32 v3, $0.0e+00;
	v3 =	vld [tilespmem:s0+$0x44C0]  }
0xcf: {  	[tilespmem:s0+$0x4470] =	vst v6;
	v6 =	vmax.f32 v4, $0.0e+00;
	v4 =	vld [tilespmem:s0+$0x44D0]  }
0xd0: {  	s11 =	simm.s32 $0x400;
	[tilespmem:s0+$0x4480] =	vst v6;
	v6 =	vmax.f32 v5, $0.0e+00;
	v5 =	vld [tilespmem:s0+$0x44E0]  }
.LBB2_7:
0xd1: {  	s17 =	sshra.s32 s11, $0x2;
	p0 =	sne.s32 s11, $0xFC00;
	[tilespmem:s0+$0x4490] =	vst v6;
	v2 =	vmax.f32 v2, $0.0e+00;
	v6 =	vld [tilespmem:s0+$0x44F0]  }
0xd2: {  	v7 =	vld [tilespmem:s17+$0x4400];
	[tilespmem:s0+$0x44A0] =	vst v2;
	v1 =	vmax.f32 v1, $0.0e+00  }
0xd3: {  	v2 =	vld [tilespmem:s17+$0x4410];
	[tilespmem:s0+$0x44B0] =	vst v1;
	v1 =	vmax.f32 v3, $0.0e+00  }
0xd4: {  	v3 =	vld [tilespmem:s17+$0x4420];
	[tilespmem:s0+$0x44C0] =	vst v1;
	v1 =	vmax.f32 v4, $0.0e+00  }
0xd5: {  	v4 =	vld [tilespmem:s17+$0x4430];
	[tilespmem:s0+$0x44D0] =	vst v1;
	v1 =	vmax.f32 v5, $0.0e+00  }
0xd6: {  	v5 =	vld [tilespmem:s17+$0x4440];
	[tilespmem:s0+$0x44E0] =	vst v1;
	v1 =	vmax.f32 v6, $0.0e+00  }
0xd7: {  	v6 =	vmax.f32 v7, $0.0e+00;
	v7 =	vld [tilespmem:s17+$0x4450];
	[tilespmem:s0+$0x44F0] =	vst v1;
	s0 =	smov.u32 s17  }
0xd8: {  	[tilespmem:s0+$0x4400] =	vst v6;
	v1 =	vmax.f32 v2, $0.0e+00;
	v6 =	vld [tilespmem:s0+$0x4460]  }
0xd9: {  	[tilespmem:s0+$0x4410] =	vst v1;
	v1 =	vmax.f32 v3, $0.0e+00;
	v3 =	vld [tilespmem:s0+$0x4470]  }
0xda: {  	[tilespmem:s0+$0x4420] =	vst v1;
	v1 =	vmax.f32 v4, $0.0e+00;
	v4 =	vld [tilespmem:s0+$0x4480]  }
0xdb: {  	[tilespmem:s0+$0x4430] =	vst v1;
	v1 =	vmax.f32 v5, $0.0e+00;
	v5 =	vld [tilespmem:s0+$0x4490]  }
.Ltmp2:
0xdc: {  	[tilespmem:s0+$0x4440] =	vst v1;
	v1 =	vmax.f32 v7, $0.0e+00;
	v2 =	vld [tilespmem:s0+$0x44A0];
	(pc) =	sbr.rel @p0 .LBB2_7-.Ltmp2, $4  }
0xdd: {  	[tilespmem:s0+$0x4450] =	vst v1;
	v6 =	vmax.f32 v6, $0.0e+00;
	v1 =	vld [tilespmem:s0+$0x44B0]  }
0xde: {  	[tilespmem:s0+$0x4460] =	vst v6;
	v6 =	vmax.f32 v3, $0.0e+00;
	v3 =	vld [tilespmem:s0+$0x44C0]  }
0xdf: {  	[tilespmem:s0+$0x4470] =	vst v6;
	v6 =	vmax.f32 v4, $0.0e+00;
	v4 =	vld [tilespmem:s0+$0x44D0]  }
0xe0: {  	s11 =	sadd.s32 $0x400, s11;
	[tilespmem:s0+$0x4480] =	vst v6;
	v6 =	vmax.f32 v5, $0.0e+00;
	v5 =	vld [tilespmem:s0+$0x44E0]  }
0xe1: {  	[tilespmem:s0+$0x4490] =	vst v6;
	v2 =	vmax.f32 v2, $0.0e+00;
	v6 =	vld [tilespmem:s0+$0x44F0]  }
0xe2: {  	[tilespmem:s0+$0x44A0] =	vst v2;
	v1 =	vmax.f32 v1, $0.0e+00  }
0xe3: {  	[tilespmem:s0+$0x44B0] =	vst v1;
	v1 =	vmax.f32 v3, $0.0e+00  }
0xe4: {  	[tilespmem:s0+$0x44C0] =	vst v1;
	v1 =	vmax.f32 v4, $0.0e+00  }
0xe5: {  	[tilespmem:s0+$0x44D0] =	vst v1;
	v1 =	vmax.f32 v5, $0.0e+00  }
0xe6: {  	[tilespmem:s0+$0x44E0] =	vst v1;
	v1 =	vmax.f32 v6, $0.0e+00  }
0xe7: {  	[tilespmem:s0+$0x44F0] =	vst v1  }
0xe8: {  	[spmem:s2] =	stream.indirect.scatter.add.f32 [tilespmem:s10], [sflag:$0x2], $0x80, s30, s29, $0xb8;
	v63 =	vld [tilespmem:$0x0]  }
0xe9: {  	_ =	swait.ge [sflag:s26], $0x80  }
0xea: {  	[sflag:s26] =	ssyncset.done $0x0  }
0xeb: {  	[sflag:s26] =	ssyncadd.s32 $0xFFFFFF80  }
0xec: {  	_ =	swait.ge [sflag:s26], $0x80  }
0xed: {  	[sflag:s26] =	ssyncset.done $0x0  }
0xee: {  	[sflag:s26] =	ssyncadd.s32 $0xFFFFFF80  }
0xef: {  	[tilespmem:s22], [sflag:$0x1] =	stream.indirect.gather [hbm4b:s6+s31], $0x80, s28, s31, $0xb8;
	v63 =	vld [tilespmem:$0x0]  }
0xf0: {  	s17 =	simm.s32 $0x240  }
0xf1: {  	[tilespmem:s3], [sflag:$0x4] =	stream.indirect.gather [hbm4b:s6+s31], $0x80, s17, s31, $0xb8;
	v63 =	vld [tilespmem:$0x0]  }
0xf2: {  	_ =	swait.ge [sflag:s25], $0x2000  }
0xf3: {  	[sflag:s25] =	ssyncset.done $0x0  }
0xf4: {  	[sflag:s25] =	ssyncadd.s32 $0xFFFFE000  }
0xf5: {  	_ =	swait.ge [sflag:s20], $0x2000  }
0xf6: {  	[sflag:s20] =	ssyncset.done $0x0  }
0xf7: {  	s11 =	sadd.s32 s4, s19;
	[sflag:s20] =	ssyncadd.s32 $0xFFFFE000  }
0xf8: {  	s0 =	sshll.u32 s11, $0x4;
	_ =	swait.ge [sflag:s24], $0x4000  }
0xf9: {  	s0 =	sand.u32 $0xFFFFFF0, s0;
	[sflag:s24] =	ssyncset.done $0x0  }
0xfa: {  	s11 =	simm.s32 $0x0;
	s17 =	sadd.s32 s7, s0;
	[sflag:s24] =	ssyncadd.s32 $0xFFFFC000  }
0xfb: {  	[tilespmem:s29], [sflag:$0x5] =	stream.linear.gather [hbm4b:s17+s11], $0x80, $0x38;
	v63 =	vld [tilespmem:$0x0]  }
0xfc: {  	s0 =	sadd.s32 s1, s0  }
0xfd: {  	[tilespmem:s30], [sflag:$0x5] =	stream.linear.gather [hbm4b:s0+s11], $0x80, $0x38;
	v63 =	vld [tilespmem:$0x0]  }
0xfe: {  	_ =	swait.ge [sflag:s23], $0x2000  }
0xff: {  	[sflag:s23] =	ssyncset.done $0x0  }
0x100: {  	[sflag:s23] =	ssyncadd.s32 $0xFFFFE000  }
0x101: {  	[tilespmem:s22], [sflag:$0x1] =	stream.indirect.gather.add.f32 [hbm:s5], $0x80, s11, s31, $0xb8;
	v63 =	vld [tilespmem:$0x0]  }
0x102: {  	_ =	swait.ge [sflag:s26], $0x2000  }
0x103: {  	[sflag:s26] =	ssyncset.done $0x0  }
0x104: {  	s0 =	simm.s32 $0x0;
	[sflag:s26] =	ssyncadd.s32 $0xFFFFE000  }
0x105: {  	[tilespmem:s3], [sflag:$0x4] =	stream.indirect.gather.add.f32 [hbm:s5], $0x80, s31, s31, $0xb8;
	v63 =	vld [tilespmem:$0x0]  }
0x106: {  	v1 =	vld [tilespmem:s0+$0x8400]  }
0x107: {  	v2 =	vld [tilespmem:s0+$0x8410]  }
0x108: {  	v3 =	vld [tilespmem:s0+$0x8420]  }
0x109: {  	v4 =	vld [tilespmem:s0+$0x8430]  }
0x10a: {  	v5 =	vld [tilespmem:s0+$0x8440]  }
0x10b: {  	v6 =	vld [tilespmem:s0+$0x8450];
	v1 =	vmax.f32 v1, $0.0e+00  }
0x10c: {  	v7 =	vld [tilespmem:s0+$0x8460];
	[tilespmem:s0+$0x8400] =	vst v1;
	v1 =	vmax.f32 v2, $0.0e+00  }
0x10d: {  	[tilespmem:s0+$0x8410] =	vst v1;
	v1 =	vmax.f32 v3, $0.0e+00;
	v3 =	vld [tilespmem:s0+$0x8470]  }
0x10e: {  	[tilespmem:s0+$0x8420] =	vst v1;
	v1 =	vmax.f32 v4, $0.0e+00;
	v4 =	vld [tilespmem:s0+$0x8480]  }
0x10f: {  	[tilespmem:s0+$0x8430] =	vst v1;
	v1 =	vmax.f32 v5, $0.0e+00;
	v5 =	vld [tilespmem:s0+$0x8490]  }
0x110: {  	v2 =	vld [tilespmem:s0+$0x84A0];
	[tilespmem:s0+$0x8440] =	vst v1;
	v1 =	vmax.f32 v6, $0.0e+00  }
0x111: {  	v6 =	vmax.f32 v7, $0.0e+00;
	[tilespmem:s0+$0x8450] =	vst v1;
	v1 =	vld [tilespmem:s0+$0x84B0]  }
0x112: {  	[tilespmem:s0+$0x8460] =	vst v6;
	v6 =	vmax.f32 v3, $0.0e+00;
	v3 =	vld [tilespmem:s0+$0x84C0]  }
0x113: {  	[tilespmem:s0+$0x8470] =	vst v6;
	v6 =	vmax.f32 v4, $0.0e+00;
	v4 =	vld [tilespmem:s0+$0x84D0]  }
0x114: {  	s4 =	simm.s32 $0x400;
	[tilespmem:s0+$0x8480] =	vst v6;
	v6 =	vmax.f32 v5, $0.0e+00;
	v5 =	vld [tilespmem:s0+$0x84E0]  }
.LBB2_9:
0x115: {  	s11 =	sshra.s32 s4, $0x2;
	p0 =	sne.s32 s4, $0xFC00;
	[tilespmem:s0+$0x8490] =	vst v6;
	v2 =	vmax.f32 v2, $0.0e+00;
	v6 =	vld [tilespmem:s0+$0x84F0]  }
0x116: {  	v7 =	vld [tilespmem:s11+$0x8400];
	[tilespmem:s0+$0x84A0] =	vst v2;
	v1 =	vmax.f32 v1, $0.0e+00  }
0x117: {  	v2 =	vld [tilespmem:s11+$0x8410];
	[tilespmem:s0+$0x84B0] =	vst v1;
	v1 =	vmax.f32 v3, $0.0e+00  }
0x118: {  	v3 =	vld [tilespmem:s11+$0x8420];
	[tilespmem:s0+$0x84C0] =	vst v1;
	v1 =	vmax.f32 v4, $0.0e+00  }
0x119: {  	v4 =	vld [tilespmem:s11+$0x8430];
	[tilespmem:s0+$0x84D0] =	vst v1;
	v1 =	vmax.f32 v5, $0.0e+00  }
0x11a: {  	v5 =	vld [tilespmem:s11+$0x8440];
	[tilespmem:s0+$0x84E0] =	vst v1;
	v1 =	vmax.f32 v6, $0.0e+00  }
0x11b: {  	v6 =	vmax.f32 v7, $0.0e+00;
	v7 =	vld [tilespmem:s11+$0x8450];
	[tilespmem:s0+$0x84F0] =	vst v1;
	s0 =	smov.u32 s11  }
0x11c: {  	[tilespmem:s0+$0x8400] =	vst v6;
	v1 =	vmax.f32 v2, $0.0e+00;
	v6 =	vld [tilespmem:s0+$0x8460]  }
0x11d: {  	[tilespmem:s0+$0x8410] =	vst v1;
	v1 =	vmax.f32 v3, $0.0e+00;
	v3 =	vld [tilespmem:s0+$0x8470]  }
0x11e: {  	[tilespmem:s0+$0x8420] =	vst v1;
	v1 =	vmax.f32 v4, $0.0e+00;
	v4 =	vld [tilespmem:s0+$0x8480]  }
0x11f: {  	[tilespmem:s0+$0x8430] =	vst v1;
	v1 =	vmax.f32 v5, $0.0e+00;
	v5 =	vld [tilespmem:s0+$0x8490]  }
.Ltmp3:
0x120: {  	[tilespmem:s0+$0x8440] =	vst v1;
	v1 =	vmax.f32 v7, $0.0e+00;
	v2 =	vld [tilespmem:s0+$0x84A0];
	(pc) =	sbr.rel @p0 .LBB2_9-.Ltmp3, $4  }
0x121: {  	[tilespmem:s0+$0x8450] =	vst v1;
	v6 =	vmax.f32 v6, $0.0e+00;
	v1 =	vld [tilespmem:s0+$0x84B0]  }
0x122: {  	[tilespmem:s0+$0x8460] =	vst v6;
	v6 =	vmax.f32 v3, $0.0e+00;
	v3 =	vld [tilespmem:s0+$0x84C0]  }
0x123: {  	[tilespmem:s0+$0x8470] =	vst v6;
	v6 =	vmax.f32 v4, $0.0e+00;
	v4 =	vld [tilespmem:s0+$0x84D0]  }
0x124: {  	s4 =	sadd.s32 $0x400, s4;
	[tilespmem:s0+$0x8480] =	vst v6;
	v6 =	vmax.f32 v5, $0.0e+00;
	v5 =	vld [tilespmem:s0+$0x84E0]  }
0x125: {  	[tilespmem:s0+$0x8490] =	vst v6;
	v2 =	vmax.f32 v2, $0.0e+00;
	v62 =	vld [tilespmem:s0+$0x84F0]  }
0x126: {  	[tilespmem:s0+$0x84A0] =	vst v2;
	v1 =	vmax.f32 v1, $0.0e+00  }
0x127: {  	[tilespmem:s0+$0x84B0] =	vst v1;
	v1 =	vmax.f32 v3, $0.0e+00  }
0x128: {  	[tilespmem:s0+$0x84C0] =	vst v1;
	v1 =	vmax.f32 v4, $0.0e+00  }
0x129: {  	[tilespmem:s0+$0x84D0] =	vst v1;
	v1 =	vmax.f32 v5, $0.0e+00  }
0x12a: {  	[tilespmem:s0+$0x84E0] =	vst v1;
	v1 =	vmax.f32 v62, $0.0e+00  }
0x12b: {  	[tilespmem:s0+$0x84F0] =	vst v1  }
0x12c: {  	[spmem:s2] =	stream.indirect.scatter.add.f32 [tilespmem:s13], [sflag:$0x3], $0x80, s15, s29, $0xb8;
	v63 =	vld [tilespmem:$0x0]  }
0x12d: {  	_ =	swait.ge [sflag:s9], $0x80  }
0x12e: {  	[sflag:s9] =	ssyncset.done $0x0  }
0x12f: {  	s21 =	sadd.s32 $0x1, s21;
	[sflag:s9] =	ssyncadd.s32 $0xFFFFFF80  }
0x130: {  	p0 =	sne.s32 s21, $0x1B;
	_ =	swait.ge [sflag:s9], $0x80  }
.Ltmp4:
0x131: {  	[sflag:s9] =	ssyncset.done $0x0;
	(pc) =	sbr.rel @p0 .LBB2_4-.Ltmp4, $4  }
0x132: {  	[sflag:s9] =	ssyncadd.s32 $0xFFFFFF80  }
0x133: {  	[tilespmem:s10], [sflag:$0x2] =	stream.indirect.gather [hbm4b:s6+s31], $0x80, s30, s31, $0xb8;
	v63 =	vld [tilespmem:$0x0]  }
0x134: {  	s17 =	simm.s32 $0x2C0  }
0x135: {  	[tilespmem:s12], [sflag:$0x5] =	stream.indirect.gather [hbm4b:s6+s31], $0x80, s17, s31, $0xb8;
	v63 =	vld [tilespmem:$0x0]  }
0x136: {  	_ =	swait.ge [sflag:s23], $0x2000  }
0x137: {  	[sflag:s23] =	ssyncset.done $0x0  }
0x138: {  	[sflag:s23] =	ssyncadd.s32 $0xFFFFE000  }
0x139: {  	_ =	swait.ge [sflag:s26], $0x2000  }
0x13a: {  	[sflag:s26] =	ssyncset.done $0x0  }
0x13b: {  	[sflag:s26] =	ssyncadd.s32 $0xFFFFE000  }
0x13c: {  	_ =	swait.ge [sflag:s24], $0x2000  }
0x13d: {  	[sflag:s24] =	ssyncset.done $0x0  }
0x13e: {  	[sflag:s24] =	ssyncadd.s32 $0xFFFFE000  }
0x13f: {  	_ =	swait.ge [sflag:s9], $0x2000  }
0x140: {  	[sflag:s9] =	ssyncset.done $0x0  }
0x141: {  	[sflag:s9] =	ssyncadd.s32 $0xFFFFE000  }
0x142: {  	_ =	swait.ge [sflag:s25], $0x4000  }
0x143: {  	[sflag:s25] =	ssyncset.done $0x0  }
0x144: {  	[sflag:s25] =	ssyncadd.s32 $0xFFFFC000  }
0x145: {  	s0 =	stileid.u32;
	[bflag:$0x0] =	sbarrier.arrive $0xFFFF  }
0x146: {  	s0 =	sshll.u32 s0, $0x6;
	s16 =	rddreg [dreg:$0x5]  }
0x147: {  	s0 =	sor.u32 $0x1C07, s0;
	s11 =	rddreg [dreg:$0xf];
	s4 =	sshrl.u32 s16, $0x3  }
0x148: {  	[hbm:s11], [sflag:s0] =	dma.local [spmem:s4], $0x2780  }
0x149: {  	s4 =	simm.s32 $0x7  }
0x14a: {  	_ =	swait.ge [sflag:s4], $0x2780  }
0x14b: {  	s17 =	rddreg [dreg:$0x4]  }
0x14c: {  	s21 =	rddreg [dreg:$0x10];
	s11 =	sadd.s32 $0x1, s17  }
0x14d: {  	p0 =	sne.s32 s11, s21  }
.Ltmp5:
0x14e: {  	_ = 	snop;
	(pc) =	sbr.rel @p0 .LBB2_1-.Ltmp5, $3  }
0x14f: {  	_ =	sdelay $0x1  }
0x150: {  	[sflag:s4] =	ssyncset.done $0x0  }
0x151: {  	[sflag:s4] =	ssyncadd.s32 $0xFFFFD880  }
0x152: {  	_ =	sfence.sel $0x180000  }
0x153: {  	[bflag:$0x0] =	sbarrier.arrive $0xFFFF  }
0x154: {  	_ =	strace $0x90000047  }
0x155: {  	s0 =	stileid.u32;
	[bflag:$0x2] =	sbarrier.arrive $0xFFFF  }
0x156: {  	p0 =	sne.s32 s0, $0x0;
	s0 =	rddreg [dreg:$0x3]  }
0x157: {  	s0 =	sadd.s32 @!p0 $0x100000, s0  }
0x158: {  	[sflag:s0] =	ssyncadd.tile.s32 @!p0 $0x1;
	_ =	shalt  }
.Lfunc_end2:
_tile_overlayer_lowered:
.L_overlay_start_2:
0x159: {  	(tag) =	ssettag $0x2  }
0x15a: {  	s0 =	rddreg [dreg:$0x0];
	s2 =	stileid.u32  }
0x15b: {  	s1 =	rddreg [dreg:$0x1];
	p0 =	sne.s32 s2, $0x0  }
0x15c: {  	s3 =	rddreg [dreg:$0x2];
	[bflag:$0x3] =	sbarrier.arrive $0xFFFF;
	s2 =	simm.s32 @!p0 $0x1C07  }
0x15d: {  	[timem:s3], [sflag:s2] =	dma.local @!p0 [hbm:s0], s1  }
0x15e: {  	s0 =	simm.s32 @!p0 $0x7  }
0x15f: {  	_ =	swait.ge @!p0 [sflag:s0], s1  }
0x160: {  	s1 =	ssub.s32 @!p0 $0x0, s1;
	[sflag:s0] =	ssyncset.done @!p0 $0x0  }
0x161: {  	[sflag:s0] =	ssyncadd.s32 @!p0 s1  }
0x162: {  	[bflag:$0x3] =	sbarrier.arrive $0xFFFF  }
0x163: {  	_ =	shalt  }

</sc_bundles>
